<compile_context>
chip_gen: v7x
topology: tpu7x:2x2x1
jax: 0.10.2.dev20260603
libtpu: 0.0.44.dev20260713+nightly
codegen_flags: <defaults>
</compile_context>

<pallas_src>
import functools

import jax
import jax.numpy as jnp
from jax import lax
from jax.experimental import pallas as pl
from jax.experimental.pallas import tpu as pltpu
from jax.experimental.pallas import tpu_sc as plsc

NC = 2
NS = 16
NW = NC * NS
L = 16
CS = 1024
TW = 8


def _tile_body(n_per_tile, w, pix_hbm, bary_hbm, faces_hbm, verts_hbm,
               res_hbm, vf_hbm, bout_hbm,
               pix_a, pix_b, bary_a, bary_b, vf_a, vf_b, vfi_a, vfi_b,
               rows_a, rows_b, res_a, res_b,
               spix_a, spix_b, sfc_a, sfc_b, sby_a, sby_b, svt_a, svt_b):
    wid = lax.axis_index("s") * NC + lax.axis_index("c")
    tile_base = wid * n_per_tile
    npairs = n_per_tile // (2 * CS)
    gpr = w // L
    iota = lax.iota(jnp.int32, L)
    ones = jnp.full((L,), 1.0, jnp.float32)
    zeros = jnp.full((L,), 0.0, jnp.float32)
    neg1 = jnp.full((L,), -1, jnp.int32)
    splats = [jnp.full((L,), k, jnp.int32) for k in range(3)]

    bufs = {
        0: (pix_a, bary_a, vf_a, vfi_a, rows_a, res_a,
            spix_a, sfc_a, sby_a, svt_a),
        1: (pix_b, bary_b, vf_b, vfi_b, rows_b, res_b,
            spix_b, sfc_b, sby_b, svt_b),
    }

    def start_pix(par, base):
        pix_v, _, _, _, _, _, spix, _, _, _ = bufs[par]
        pltpu.async_copy(pix_hbm.at[pl.ds(base, CS)], pix_v, spix)

    def phase1(par, base):
        pix_v, bary_v, vf_v, _, _, _, spix, sfc, sby, _ = bufs[par]
        pltpu.make_async_copy(pix_hbm.at[pl.ds(base, CS)], pix_v, spix).wait()
        pltpu.async_copy(faces_hbm.at[pix_v], vf_v, sfc)
        pltpu.async_copy(bary_hbm.at[pl.ds(3 * base, 3 * CS)], bary_v, sby)

    def phase2(par, base):
        pix_v, bary_v, vf_v, vfi_v, rows_v, _, _, sfc, sby, svt = bufs[par]
        pltpu.make_async_copy(faces_hbm.at[pix_v], vf_v, sfc).wait()

        def rp(g, c2):
            p = g * L + iota
            voff = (g // gpr) * (3 * w) + (g % gpr) * L
            for k in range(3):
                vk = plsc.load_gather(vf_v, [p, splats[k]])
                vfi_v[pl.ds(voff + k * w, L)] = vk
            return c2

        lax.fori_loop(0, CS // L, rp, 0, unroll=4)
        pltpu.async_copy(verts_hbm.at[vfi_v], rows_v, svt)
        pltpu.sync_copy(vfi_v, vf_hbm.at[pl.ds(3 * base, 3 * CS)])
        pltpu.make_async_copy(bary_hbm.at[pl.ds(3 * base, 3 * CS)], bary_v,
                              sby).wait()
        pltpu.sync_copy(bary_v, bout_hbm.at[pl.ds(3 * base, 3 * CS)])

    def phase3(par, base):
        pix_v, bary_v, _, vfi_v, rows_v, res_v, _, _, _, svt = bufs[par]
        pltpu.make_async_copy(verts_hbm.at[vfi_v], rows_v, svt).wait()

        def grp(g, c2):
            bhl = g // gpr
            wl = (g % gpr) * L
            boff = bhl * (3 * w) + wl
            roff = bhl * (4 * w) + wl
            rows0 = boff + iota
            pixl = pix_v[pl.ds(g * L, L)]
            alpha = jnp.where(pixl != neg1, ones, zeros)
            b0 = bary_v[pl.ds(boff, L)]
            b1 = bary_v[pl.ds(boff + w, L)]
            b2 = bary_v[pl.ds(boff + 2 * w, L)]
            for c in range(3):
                r0 = plsc.load_gather(rows_v, [rows0, splats[c]])
                r1 = plsc.load_gather(rows_v, [rows0 + w, splats[c]])
                r2 = plsc.load_gather(rows_v, [rows0 + 2 * w, splats[c]])
                res_v[pl.ds(roff + c * w, L)] = b0 * r0 + b1 * r1 + b2 * r2
            res_v[pl.ds(roff + 3 * w, L)] = alpha
            return c2

        lax.fori_loop(0, CS // L, grp, 0, unroll=4)
        pltpu.sync_copy(res_v, res_hbm.at[pl.ds(4 * base, 4 * CS)])

    start_pix(0, tile_base)

    def pair_body(i2, carry):
        base_a = tile_base + 2 * i2 * CS
        base_b = base_a + CS
        phase1(0, base_a)
        phase2(0, base_a)

        @pl.when(i2 > 0)
        def _():
            phase3(1, base_b - 2 * CS)

        start_pix(1, base_b)
        phase1(1, base_b)
        phase2(1, base_b)
        phase3(0, base_a)
        nxt = jnp.where(i2 + 1 < npairs, base_a + 2 * CS, tile_base)
        start_pix(0, nxt)
        return carry

    lax.fori_loop(0, npairs, pair_body, 0)
    phase3(1, tile_base + (2 * npairs - 1) * CS)
    pltpu.make_async_copy(pix_hbm.at[pl.ds(tile_base, CS)], pix_a,
                          spix_a).wait()


@functools.partial(jax.jit, static_argnames=("n", "w"))
def _sc_call(pix, bary, faces8, verts8, n, w):
    n_per_tile = n // NW
    mesh = plsc.VectorSubcoreMesh(core_axis_name="c", subcore_axis_name="s",
                                  num_cores=NC, num_subcores=NS)
    kern = pl.kernel(
        functools.partial(_tile_body, n_per_tile, w),
        out_type=(
            jax.ShapeDtypeStruct((n * 4,), jnp.float32),
            jax.ShapeDtypeStruct((n * 3,), jnp.int32),
            jax.ShapeDtypeStruct((n * 3,), jnp.float32),
        ),
        mesh=mesh,
        compiler_params=pltpu.CompilerParams(needs_layout_passes=False,
                                             use_tc_tiling_on_sc=False),
        scratch_types=[
            pltpu.VMEM((CS,), jnp.int32),
            pltpu.VMEM((CS,), jnp.int32),
            pltpu.VMEM((3 * CS,), jnp.float32),
            pltpu.VMEM((3 * CS,), jnp.float32),
            pltpu.VMEM((CS, TW), jnp.int32),
            pltpu.VMEM((CS, TW), jnp.int32),
            pltpu.VMEM((3 * CS,), jnp.int32),
            pltpu.VMEM((3 * CS,), jnp.int32),
            pltpu.VMEM((3 * CS, TW), jnp.float32),
            pltpu.VMEM((3 * CS, TW), jnp.float32),
            pltpu.VMEM((4 * CS,), jnp.float32),
            pltpu.VMEM((4 * CS,), jnp.float32),
            pltpu.SemaphoreType.DMA,
            pltpu.SemaphoreType.DMA,
            pltpu.SemaphoreType.DMA,
            pltpu.SemaphoreType.DMA,
            pltpu.SemaphoreType.DMA,
            pltpu.SemaphoreType.DMA,
            pltpu.SemaphoreType.DMA,
            pltpu.SemaphoreType.DMA,
        ],
    )
    return kern(pix, bary, faces8, verts8)


def kernel(pix_to_face, bary_coords, faces, verts):
    b, h, w = pix_to_face.shape[:3]
    n = b * h * w
    pix = pix_to_face.reshape(n).astype(jnp.int32)
    bary_in = bary_coords.transpose(0, 1, 4, 3, 2).reshape(n * 3)
    faces8 = jnp.pad(faces.astype(jnp.int32), ((0, 0), (0, TW - 3)))
    verts8 = jnp.pad(verts, ((0, 0), (0, TW - 3)))
    res, vf, bout = _sc_call(pix, bary_in, faces8, verts8, n, w)
    results = res.reshape(b, h, 4, w).transpose(0, 1, 3, 2)
    vertex_faces = vf.reshape(b, h, 3, w).transpose(0, 1, 3, 2)
    bary = bout.reshape(b, h, 3, w).transpose(0, 1, 3, 2)
    return results, vertex_faces, bary

# --- scband reference (transcript-rebuilt; emitter-appended) ---
"""Pipeline reference for scband-vertex-position-shader-16003048145100 (READ-ONLY COPY).

The authoritative reference and input builder live on the scoring server;
editing this copy changes nothing except your own understanding.
"""

import jax, jax.numpy as jnp
import numpy as np


def setup_inputs(seed: int = 0) -> dict:
    key = jax.random.key(seed)
    k1, k2, k3, k4 = jax.random.split(key, 4)
    B, H, W = 4, 512, 512
    F, V = 100000, 50000
    pix_to_face = jax.random.randint(k1, (B, H, W, 1), 0, F, dtype=jnp.int64) if jax.config.jax_enable_x64 else jax.random.randint(k1, (B, H, W, 1), 0, F).astype(jnp.int32)
    bary_coords = jax.random.uniform(k2, (B, H, W, 1, 3), dtype=jnp.float32)
    faces = jax.random.randint(k3, (F, 3), 0, V).astype(jnp.int32)
    verts = jax.random.normal(k4, (V, 3), dtype=jnp.float32)
    return {"pix_to_face": pix_to_face, "bary_coords": bary_coords, "faces": faces, "verts": verts}


def reference(pix_to_face, bary_coords, faces, verts):
    # Faithful translation of VertexPositionShader.forward
    # pix_to_face: [B,H,W,1] int; bary_coords: [B,H,W,1,3] float
    # faces: [F,3] int (meshes.faces_packed()); verts: [V,3] float (meshes.verts_packed())
    bary = jnp.squeeze(bary_coords, axis=-2)                      # [B,H,W,3]
    alpha = (pix_to_face != -1).astype(jnp.float32)               # [B,H,W,1]
    pix = jnp.squeeze(pix_to_face, axis=-1)                       # [B,H,W]
    vertex_faces = jnp.take(faces, pix, axis=0)                   # gather: [B,H,W,3]
    gathered_verts = jnp.take(verts, vertex_faces, axis=0)        # gather: [B,H,W,3,3]
    vertex_positions = (gathered_verts * bary[..., None]).sum(axis=-2)  # [B,H,W,3]
    results = jnp.concatenate([vertex_positions, alpha], axis=-1)  # [B,H,W,4]
    return (results, vertex_faces, bary)

if __name__ == "__main__":
    import jax
    _d = setup_inputs()
    print(jax.jit(kernel)(*tuple(_d.values())))

</pallas_src>

<mosaic_0001>
#map = affine_map<(d0, d1) -> (0)>
#map1 = affine_map<(d0, d1) -> (0, 0)>
module attributes {stable_mosaic.version = 14 : i64} {
  func.func @_tile_body(%arg0: i32, %arg1: i32, %arg2: memref<1048576xi32, #tpu.memory_space<hbm>>, %arg3: memref<3145728xf32, #tpu.memory_space<hbm>>, %arg4: memref<100000x8xi32, #tpu.memory_space<hbm>>, %arg5: memref<50000x8xf32, #tpu.memory_space<hbm>>, %arg6: memref<4194304xf32, #tpu.memory_space<hbm>>, %arg7: memref<3145728xi32, #tpu.memory_space<hbm>>, %arg8: memref<3145728xf32, #tpu.memory_space<hbm>>, %arg9: memref<1024xi32, #tpu.memory_space<vmem>>, %arg10: memref<1024xi32, #tpu.memory_space<vmem>>, %arg11: memref<3072xf32, #tpu.memory_space<vmem>>, %arg12: memref<3072xf32, #tpu.memory_space<vmem>>, %arg13: memref<1024x8xi32, #tpu.memory_space<vmem>>, %arg14: memref<1024x8xi32, #tpu.memory_space<vmem>>, %arg15: memref<3072xi32, #tpu.memory_space<vmem>>, %arg16: memref<3072xi32, #tpu.memory_space<vmem>>, %arg17: memref<3072x8xf32, #tpu.memory_space<vmem>>, %arg18: memref<3072x8xf32, #tpu.memory_space<vmem>>, %arg19: memref<4096xf32, #tpu.memory_space<vmem>>, %arg20: memref<4096xf32, #tpu.memory_space<vmem>>, %arg21: memref<!tpu.dma_semaphore, #tpu.memory_space<semaphore_mem>>, %arg22: memref<!tpu.dma_semaphore, #tpu.memory_space<semaphore_mem>>, %arg23: memref<!tpu.dma_semaphore, #tpu.memory_space<semaphore_mem>>, %arg24: memref<!tpu.dma_semaphore, #tpu.memory_space<semaphore_mem>>, %arg25: memref<!tpu.dma_semaphore, #tpu.memory_space<semaphore_mem>>, %arg26: memref<!tpu.dma_semaphore, #tpu.memory_space<semaphore_mem>>, %arg27: memref<!tpu.dma_semaphore, #tpu.memory_space<semaphore_mem>>, %arg28: memref<!tpu.dma_semaphore, #tpu.memory_space<semaphore_mem>>) attributes {dimension_semantics = [#tpu.dimension_semantics<core_parallel>, #tpu.dimension_semantics<subcore_parallel>], iteration_bounds = array<i64: 2, 16>, scalar_prefetch = 0 : i64, scratch_operands = 20 : i64, tpu.core_type = #tpu.core_type<sc_vector_subcore>, window_params = [{transform_indices = #map}, {transform_indices = #map}, {transform_indices = #map1}, {transform_indices = #map1}, {transform_indices = #map}, {transform_indices = #map}, {transform_indices = #map}]} {
    %mul3A = arith.constant 2 : i32
    %mul3A_0 = arith.muli %arg1, %mul3A : i32
    %add3A = arith.addi %mul3A_0, %arg0 : i32
    %mul3A_1 = arith.constant 32768 : i32
    %mul3A_2 = arith.muli %add3A, %mul3A_1 : i32
    %iota3A = tpu.iota {dimensions = array<i32: 0>} : vector<16xi32>
    %broadcast_in_dim3A = arith.constant 1.000000e+00 : f32
    %broadcast_in_dim3A_3 = vector.broadcast %broadcast_in_dim3A : f32 to vector<16xf32>
    %broadcast_in_dim3A_4 = arith.constant 0.000000e+00 : f32
    %broadcast_in_dim3A_5 = vector.broadcast %broadcast_in_dim3A_4 : f32 to vector<16xf32>
    %broadcast_in_dim3A_6 = arith.constant -1 : i32
    %broadcast_in_dim3A_7 = vector.broadcast %broadcast_in_dim3A_6 : i32 to vector<16xi32>
    %broadcast_in_dim3A_8 = arith.constant 0 : i32
    %broadcast_in_dim3A_9 = vector.broadcast %broadcast_in_dim3A_8 : i32 to vector<16xi32>
    %broadcast_in_dim3A_10 = arith.constant 1 : i32
    %broadcast_in_dim3A_11 = vector.broadcast %broadcast_in_dim3A_10 : i32 to vector<16xi32>
    %broadcast_in_dim3A_12 = arith.constant 2 : i32
    %broadcast_in_dim3A_13 = vector.broadcast %broadcast_in_dim3A_12 : i32 to vector<16xi32>
    %dma_start3A = tpu.memref_slice %arg2[%mul3A_2] : memref<1048576xi32, #tpu.memory_space<hbm>> -> memref<1024xi32, #tpu.memory_space<hbm>>
    %dma_start3A_14 = tpu.memref_slice %arg2[%mul3A_2] : memref<1048576xi32, #tpu.memory_space<hbm>> -> memref<1024xi32, #tpu.memory_space<hbm>>
    tpu.enqueue_dma source(%dma_start3A_14 : memref<1024xi32, #tpu.memory_space<hbm>>) target(%arg9 : memref<1024xi32, #tpu.memory_space<vmem>>) target_semaphore(%arg21 : memref<!tpu.dma_semaphore, #tpu.memory_space<semaphore_mem>>)
    %scan3A = arith.constant 0 : i32
    %scan3A_15 = arith.constant 0 : i32
    %scan3A_16 = arith.constant 16 : i32
    %scan3A_17 = arith.addi %scan3A_15, %scan3A_16 : i32
    %scan3A_18 = arith.constant 1 : i32
    scf.for %scan3A_34 = %scan3A_15 to %scan3A_17 step %scan3A_18  : i32 {
      %mul3A_35 = arith.constant 2 : i32
      %mul3A_36 = arith.muli %mul3A_35, %scan3A_34 : i32
      %mul3A_37 = arith.constant 1024 : i32
      %mul3A_38 = arith.muli %mul3A_36, %mul3A_37 : i32
      %add3A_39 = arith.addi %mul3A_2, %mul3A_38 : i32
      %add3A_40 = arith.constant 1024 : i32
      %add3A_41 = arith.addi %add3A_39, %add3A_40 : i32
      %dma_wait3A_42 = tpu.memref_slice %arg2[%add3A_39] : memref<1048576xi32, #tpu.memory_space<hbm>> -> memref<1024xi32, #tpu.memory_space<hbm>>
      %dma_wait3A_43 = tpu.memref_slice %arg2[%add3A_39] : memref<1048576xi32, #tpu.memory_space<hbm>> -> memref<1024xi32, #tpu.memory_space<hbm>>
      tpu.wait_dma2 semaphore(%arg21 : memref<!tpu.dma_semaphore, #tpu.memory_space<semaphore_mem>>) src(%dma_wait3A_43 : memref<1024xi32, #tpu.memory_space<hbm>>) dst(%arg9 : memref<1024xi32, #tpu.memory_space<vmem>>)
      %dma_start3A_44 = arith.constant 0 : i32
      %dma_start3A_45 = arith.constant 0 : i32
      %dma_start3A_46 = tpu.memref_slice %arg4[%dma_start3A_44, %dma_start3A_45] : memref<100000x8xi32, #tpu.memory_space<hbm>> -> memref<100000x8xi32, #tpu.memory_space<hbm>>
      tpu.enqueue_indirect_dma source(%dma_start3A_46 : memref<100000x8xi32, #tpu.memory_space<hbm>>) target(%arg13 : memref<1024x8xi32, #tpu.memory_space<vmem>>) offsets(%arg9 : memref<1024xi32, #tpu.memory_space<vmem>>) semaphore(%arg23 : memref<!tpu.dma_semaphore, #tpu.memory_space<semaphore_mem>>)
      %mul3A_47 = arith.constant 3 : i32
      %mul3A_48 = arith.muli %mul3A_47, %add3A_39 : i32
      %dma_start3A_49 = tpu.memref_slice %arg3[%mul3A_48] : memref<3145728xf32, #tpu.memory_space<hbm>> -> memref<3072xf32, #tpu.memory_space<hbm>>
      %dma_start3A_50 = tpu.memref_slice %arg3[%mul3A_48] : memref<3145728xf32, #tpu.memory_space<hbm>> -> memref<3072xf32, #tpu.memory_space<hbm>>
      tpu.enqueue_dma source(%dma_start3A_50 : memref<3072xf32, #tpu.memory_space<hbm>>) target(%arg11 : memref<3072xf32, #tpu.memory_space<vmem>>) target_semaphore(%arg25 : memref<!tpu.dma_semaphore, #tpu.memory_space<semaphore_mem>>)
      %dma_wait3A_51 = arith.constant 0 : i32
      %dma_wait3A_52 = arith.constant 0 : i32
      %dma_wait3A_53 = tpu.memref_slice %arg4[%dma_wait3A_51, %dma_wait3A_52] : memref<100000x8xi32, #tpu.memory_space<hbm>> -> memref<100000x8xi32, #tpu.memory_space<hbm>>
      tpu.wait_indirect_dma semaphore(%arg23 : memref<!tpu.dma_semaphore, #tpu.memory_space<semaphore_mem>>) src(%dma_wait3A_53 : memref<100000x8xi32, #tpu.memory_space<hbm>>) dst(%arg13 : memref<1024x8xi32, #tpu.memory_space<vmem>>)
      %scan3A_54 = arith.constant 0 : i32
      %scan3A_55 = arith.constant 0 : i32
      %scan3A_56 = arith.constant 64 : i32
      %scan3A_57 = arith.addi %scan3A_55, %scan3A_56 : i32
      %scan3A_58 = arith.constant 4 : i32
      scf.for %scan3A_122 = %scan3A_55 to %scan3A_57 step %scan3A_58  : i32 {
        %mul3A_123 = arith.constant 16 : i32
        %mul3A_124 = arith.muli %scan3A_122, %mul3A_123 : i32
        %add3A_125 = vector.broadcast %mul3A_124 : i32 to vector<16xi32>
        %add3A_126 = arith.addi %add3A_125, %iota3A : vector<16xi32>
        %jit3A = arith.constant 32 : i32
        %div3A = arith.divsi %scan3A_122, %jit3A : i32
        %sign3A = arith.constant 0 : i32
        %sign3A_127 = arith.cmpi sgt, %scan3A_122, %sign3A : i32
        %sign3A_128 = arith.extui %sign3A_127 : i1 to i32
        %sign3A_129 = arith.constant 0 : i32
        %sign3A_130 = arith.cmpi slt, %scan3A_122, %sign3A_129 : i32
        %sign3A_131 = arith.extui %sign3A_130 : i1 to i32
        %sign3A_132 = arith.subi %sign3A_128, %sign3A_131 : i32
        %sign3A_133 = arith.constant 0 : i32
        %sign3A_134 = arith.cmpi sgt, %jit3A, %sign3A_133 : i32
        %sign3A_135 = arith.extui %sign3A_134 : i1 to i32
        %sign3A_136 = arith.constant 0 : i32
        %sign3A_137 = arith.cmpi slt, %jit3A, %sign3A_136 : i32
        %sign3A_138 = arith.extui %sign3A_137 : i1 to i32
        %sign3A_139 = arith.subi %sign3A_135, %sign3A_138 : i32
        %ne3A = arith.cmpi ne, %sign3A_132, %sign3A_139 : i32
        %rem3A = arith.remsi %scan3A_122, %jit3A : i32
        %ne3A_140 = arith.constant 0 : i32
        %ne3A_141 = arith.cmpi ne, %rem3A, %ne3A_140 : i32
        %and3A = arith.andi %ne3A, %ne3A_141 : i1
        %sub3A = arith.constant 1 : i32
        %sub3A_142 = arith.subi %div3A, %sub3A : i32
        %select_n3A_143 = arith.select %and3A, %sub3A_142, %div3A : i32
        %mul3A_144 = arith.constant 1536 : i32
        %mul3A_145 = arith.muli %select_n3A_143, %mul3A_144 : i32
        %jit3A_146 = arith.constant 32 : i32
        %eq3A = arith.constant 0 : i32
        %eq3A_147 = arith.cmpi eq, %jit3A_146, %eq3A : i32
        %jit3A_148 = arith.constant 1 : i32
        %select_n3A_149 = arith.select %eq3A_147, %jit3A_148, %jit3A_146 : i32
        %rem3A_150 = arith.remsi %scan3A_122, %select_n3A_149 : i32
        %ne3A_151 = arith.constant 0 : i32
        %ne3A_152 = arith.cmpi ne, %rem3A_150, %ne3A_151 : i32
        %lt3A_153 = arith.constant 0 : i32
        %lt3A_154 = arith.cmpi slt, %rem3A_150, %lt3A_153 : i32
        %lt3A_155 = arith.constant 0 : i32
        %lt3A_156 = arith.cmpi slt, %select_n3A_149, %lt3A_155 : i32
        %ne3A_157 = arith.xori %lt3A_154, %lt3A_156 : i1
        %and3A_158 = arith.andi %ne3A_157, %ne3A_152 : i1
        %add3A_159 = arith.addi %rem3A_150, %select_n3A_149 : i32
        %select_n3A_160 = arith.select %and3A_158, %add3A_159, %rem3A_150 : i32
        %mul3A_161 = arith.constant 16 : i32
        %mul3A_162 = arith.muli %select_n3A_160, %mul3A_161 : i32
        %add3A_163 = arith.addi %mul3A_145, %mul3A_162 : i32
        %gather3A = tpu.vector_load_idx %arg13[%add3A_126, %broadcast_in_dim3A_9] : memref<1024x8xi32, #tpu.memory_space<vmem>>[vector<16xi32>, vector<16xi32>], vector<16xi32>,
        %add3A_164 = arith.constant 0 : i32
        %add3A_165 = arith.addi %add3A_163, %add3A_164 : i32
        %swap3A = arith.index_cast %add3A_165 : i32 to index
        %swap3A_166 = tpu.vector_load %arg15[%swap3A] {strides = array<i32>} : memref<3072xi32, #tpu.memory_space<vmem>>, vector<16xi32>,
        tpu.vector_store %arg15[%swap3A], %gather3A {strides = array<i32>} : memref<3072xi32, #tpu.memory_space<vmem>>, vector<16xi32>,
        %gather3A_167 = tpu.vector_load_idx %arg13[%add3A_126, %broadcast_in_dim3A_11] : memref<1024x8xi32, #tpu.memory_space<vmem>>[vector<16xi32>, vector<16xi32>], vector<16xi32>,
        %add3A_168 = arith.constant 512 : i32
        %add3A_169 = arith.addi %add3A_163, %add3A_168 : i32
        %swap3A_170 = arith.index_cast %add3A_169 : i32 to index
        %swap3A_171 = tpu.vector_load %arg15[%swap3A_170] {strides = array<i32>} : memref<3072xi32, #tpu.memory_space<vmem>>, vector<16xi32>,
        tpu.vector_store %arg15[%swap3A_170], %gather3A_167 {strides = array<i32>} : memref<3072xi32, #tpu.memory_space<vmem>>, vector<16xi32>,
        %gather3A_172 = tpu.vector_load_idx %arg13[%add3A_126, %broadcast_in_dim3A_13] : memref<1024x8xi32, #tpu.memory_space<vmem>>[vector<16xi32>, vector<16xi32>], vector<16xi32>,
        %add3A_173 = arith.constant 1024 : i32
        %add3A_174 = arith.addi %add3A_163, %add3A_173 : i32
        %swap3A_175 = arith.index_cast %add3A_174 : i32 to index
        %swap3A_176 = tpu.vector_load %arg15[%swap3A_175] {strides = array<i32>} : memref<3072xi32, #tpu.memory_space<vmem>>, vector<16xi32>,
        tpu.vector_store %arg15[%swap3A_175], %gather3A_172 {strides = array<i32>} : memref<3072xi32, #tpu.memory_space<vmem>>, vector<16xi32>,
        %scan3A_177 = arith.constant 1 : i32
        %scan3A_178 = arith.addi %scan3A_122, %scan3A_177 : i32
        %mul3A_179 = arith.constant 16 : i32
        %mul3A_180 = arith.muli %scan3A_178, %mul3A_179 : i32
        %add3A_181 = vector.broadcast %mul3A_180 : i32 to vector<16xi32>
        %add3A_182 = arith.addi %add3A_181, %iota3A : vector<16xi32>
        %jit3A_183 = arith.constant 32 : i32
        %div3A_184 = arith.divsi %scan3A_178, %jit3A_183 : i32
        %sign3A_185 = arith.constant 0 : i32
        %sign3A_186 = arith.cmpi sgt, %scan3A_178, %sign3A_185 : i32
        %sign3A_187 = arith.extui %sign3A_186 : i1 to i32
        %sign3A_188 = arith.constant 0 : i32
        %sign3A_189 = arith.cmpi slt, %scan3A_178, %sign3A_188 : i32
        %sign3A_190 = arith.extui %sign3A_189 : i1 to i32
        %sign3A_191 = arith.subi %sign3A_187, %sign3A_190 : i32
        %sign3A_192 = arith.constant 0 : i32
        %sign3A_193 = arith.cmpi sgt, %jit3A_183, %sign3A_192 : i32
        %sign3A_194 = arith.extui %sign3A_193 : i1 to i32
        %sign3A_195 = arith.constant 0 : i32
        %sign3A_196 = arith.cmpi slt, %jit3A_183, %sign3A_195 : i32
        %sign3A_197 = arith.extui %sign3A_196 : i1 to i32
        %sign3A_198 = arith.subi %sign3A_194, %sign3A_197 : i32
        %ne3A_199 = arith.cmpi ne, %sign3A_191, %sign3A_198 : i32
        %rem3A_200 = arith.remsi %scan3A_178, %jit3A_183 : i32
        %ne3A_201 = arith.constant 0 : i32
        %ne3A_202 = arith.cmpi ne, %rem3A_200, %ne3A_201 : i32
        %and3A_203 = arith.andi %ne3A_199, %ne3A_202 : i1
        %sub3A_204 = arith.constant 1 : i32
        %sub3A_205 = arith.subi %div3A_184, %sub3A_204 : i32
        %select_n3A_206 = arith.select %and3A_203, %sub3A_205, %div3A_184 : i32
        %mul3A_207 = arith.constant 1536 : i32
        %mul3A_208 = arith.muli %select_n3A_206, %mul3A_207 : i32
        %jit3A_209 = arith.constant 32 : i32
        %eq3A_210 = arith.constant 0 : i32
        %eq3A_211 = arith.cmpi eq, %jit3A_209, %eq3A_210 : i32
        %jit3A_212 = arith.constant 1 : i32
        %select_n3A_213 = arith.select %eq3A_211, %jit3A_212, %jit3A_209 : i32
        %rem3A_214 = arith.remsi %scan3A_178, %select_n3A_213 : i32
        %ne3A_215 = arith.constant 0 : i32
        %ne3A_216 = arith.cmpi ne, %rem3A_214, %ne3A_215 : i32
        %lt3A_217 = arith.constant 0 : i32
        %lt3A_218 = arith.cmpi slt, %rem3A_214, %lt3A_217 : i32
        %lt3A_219 = arith.constant 0 : i32
        %lt3A_220 = arith.cmpi slt, %select_n3A_213, %lt3A_219 : i32
        %ne3A_221 = arith.xori %lt3A_218, %lt3A_220 : i1
        %and3A_222 = arith.andi %ne3A_221, %ne3A_216 : i1
        %add3A_223 = arith.addi %rem3A_214, %select_n3A_213 : i32
        %select_n3A_224 = arith.select %and3A_222, %add3A_223, %rem3A_214 : i32
        %mul3A_225 = arith.constant 16 : i32
        %mul3A_226 = arith.muli %select_n3A_224, %mul3A_225 : i32
        %add3A_227 = arith.addi %mul3A_208, %mul3A_226 : i32
        %gather3A_228 = tpu.vector_load_idx %arg13[%add3A_182, %broadcast_in_dim3A_9] : memref<1024x8xi32, #tpu.memory_space<vmem>>[vector<16xi32>, vector<16xi32>], vector<16xi32>,
        %add3A_229 = arith.constant 0 : i32
        %add3A_230 = arith.addi %add3A_227, %add3A_229 : i32
        %swap3A_231 = arith.index_cast %add3A_230 : i32 to index
        %swap3A_232 = tpu.vector_load %arg15[%swap3A_231] {strides = array<i32>} : memref<3072xi32, #tpu.memory_space<vmem>>, vector<16xi32>,
        tpu.vector_store %arg15[%swap3A_231], %gather3A_228 {strides = array<i32>} : memref<3072xi32, #tpu.memory_space<vmem>>, vector<16xi32>,
        %gather3A_233 = tpu.vector_load_idx %arg13[%add3A_182, %broadcast_in_dim3A_11] : memref<1024x8xi32, #tpu.memory_space<vmem>>[vector<16xi32>, vector<16xi32>], vector<16xi32>,
        %add3A_234 = arith.constant 512 : i32
        %add3A_235 = arith.addi %add3A_227, %add3A_234 : i32
        %swap3A_236 = arith.index_cast %add3A_235 : i32 to index
        %swap3A_237 = tpu.vector_load %arg15[%swap3A_236] {strides = array<i32>} : memref<3072xi32, #tpu.memory_space<vmem>>, vector<16xi32>,
        tpu.vector_store %arg15[%swap3A_236], %gather3A_233 {strides = array<i32>} : memref<3072xi32, #tpu.memory_space<vmem>>, vector<16xi32>,
        %gather3A_238 = tpu.vector_load_idx %arg13[%add3A_182, %broadcast_in_dim3A_13] : memref<1024x8xi32, #tpu.memory_space<vmem>>[vector<16xi32>, vector<16xi32>], vector<16xi32>,
        %add3A_239 = arith.constant 1024 : i32
        %add3A_240 = arith.addi %add3A_227, %add3A_239 : i32
        %swap3A_241 = arith.index_cast %add3A_240 : i32 to index
        %swap3A_242 = tpu.vector_load %arg15[%swap3A_241] {strides = array<i32>} : memref<3072xi32, #tpu.memory_space<vmem>>, vector<16xi32>,
        tpu.vector_store %arg15[%swap3A_241], %gather3A_238 {strides = array<i32>} : memref<3072xi32, #tpu.memory_space<vmem>>, vector<16xi32>,
        %scan3A_243 = arith.constant 2 : i32
        %scan3A_244 = arith.addi %scan3A_122, %scan3A_243 : i32
        %mul3A_245 = arith.constant 16 : i32
        %mul3A_246 = arith.muli %scan3A_244, %mul3A_245 : i32
        %add3A_247 = vector.broadcast %mul3A_246 : i32 to vector<16xi32>
        %add3A_248 = arith.addi %add3A_247, %iota3A : vector<16xi32>
        %jit3A_249 = arith.constant 32 : i32
        %div3A_250 = arith.divsi %scan3A_244, %jit3A_249 : i32
        %sign3A_251 = arith.constant 0 : i32
        %sign3A_252 = arith.cmpi sgt, %scan3A_244, %sign3A_251 : i32
        %sign3A_253 = arith.extui %sign3A_252 : i1 to i32
        %sign3A_254 = arith.constant 0 : i32
        %sign3A_255 = arith.cmpi slt, %scan3A_244, %sign3A_254 : i32
        %sign3A_256 = arith.extui %sign3A_255 : i1 to i32
        %sign3A_257 = arith.subi %sign3A_253, %sign3A_256 : i32
        %sign3A_258 = arith.constant 0 : i32
        %sign3A_259 = arith.cmpi sgt, %jit3A_249, %sign3A_258 : i32
        %sign3A_260 = arith.extui %sign3A_259 : i1 to i32
        %sign3A_261 = arith.constant 0 : i32
        %sign3A_262 = arith.cmpi slt, %jit3A_249, %sign3A_261 : i32
        %sign3A_263 = arith.extui %sign3A_262 : i1 to i32
        %sign3A_264 = arith.subi %sign3A_260, %sign3A_263 : i32
        %ne3A_265 = arith.cmpi ne, %sign3A_257, %sign3A_264 : i32
        %rem3A_266 = arith.remsi %scan3A_244, %jit3A_249 : i32
        %ne3A_267 = arith.constant 0 : i32
        %ne3A_268 = arith.cmpi ne, %rem3A_266, %ne3A_267 : i32
        %and3A_269 = arith.andi %ne3A_265, %ne3A_268 : i1
        %sub3A_270 = arith.constant 1 : i32
        %sub3A_271 = arith.subi %div3A_250, %sub3A_270 : i32
        %select_n3A_272 = arith.select %and3A_269, %sub3A_271, %div3A_250 : i32
        %mul3A_273 = arith.constant 1536 : i32
        %mul3A_274 = arith.muli %select_n3A_272, %mul3A_273 : i32
        %jit3A_275 = arith.constant 32 : i32
        %eq3A_276 = arith.constant 0 : i32
        %eq3A_277 = arith.cmpi eq, %jit3A_275, %eq3A_276 : i32
        %jit3A_278 = arith.constant 1 : i32
        %select_n3A_279 = arith.select %eq3A_277, %jit3A_278, %jit3A_275 : i32
        %rem3A_280 = arith.remsi %scan3A_244, %select_n3A_279 : i32
        %ne3A_281 = arith.constant 0 : i32
        %ne3A_282 = arith.cmpi ne, %rem3A_280, %ne3A_281 : i32
        %lt3A_283 = arith.constant 0 : i32
        %lt3A_284 = arith.cmpi slt, %rem3A_280, %lt3A_283 : i32
        %lt3A_285 = arith.constant 0 : i32
        %lt3A_286 = arith.cmpi slt, %select_n3A_279, %lt3A_285 : i32
        %ne3A_287 = arith.xori %lt3A_284, %lt3A_286 : i1
        %and3A_288 = arith.andi %ne3A_287, %ne3A_282 : i1
        %add3A_289 = arith.addi %rem3A_280, %select_n3A_279 : i32
        %select_n3A_290 = arith.select %and3A_288, %add3A_289, %rem3A_280 : i32
        %mul3A_291 = arith.constant 16 : i32
        %mul3A_292 = arith.muli %select_n3A_290, %mul3A_291 : i32
        %add3A_293 = arith.addi %mul3A_274, %mul3A_292 : i32
        %gather3A_294 = tpu.vector_load_idx %arg13[%add3A_248, %broadcast_in_dim3A_9] : memref<1024x8xi32, #tpu.memory_space<vmem>>[vector<16xi32>, vector<16xi32>], vector<16xi32>,
        %add3A_295 = arith.constant 0 : i32
        %add3A_296 = arith.addi %add3A_293, %add3A_295 : i32
        %swap3A_297 = arith.index_cast %add3A_296 : i32 to index
        %swap3A_298 = tpu.vector_load %arg15[%swap3A_297] {strides = array<i32>} : memref<3072xi32, #tpu.memory_space<vmem>>, vector<16xi32>,
        tpu.vector_store %arg15[%swap3A_297], %gather3A_294 {strides = array<i32>} : memref<3072xi32, #tpu.memory_space<vmem>>, vector<16xi32>,
        %gather3A_299 = tpu.vector_load_idx %arg13[%add3A_248, %broadcast_in_dim3A_11] : memref<1024x8xi32, #tpu.memory_space<vmem>>[vector<16xi32>, vector<16xi32>], vector<16xi32>,
        %add3A_300 = arith.constant 512 : i32
        %add3A_301 = arith.addi %add3A_293, %add3A_300 : i32
        %swap3A_302 = arith.index_cast %add3A_301 : i32 to index
        %swap3A_303 = tpu.vector_load %arg15[%swap3A_302] {strides = array<i32>} : memref<3072xi32, #tpu.memory_space<vmem>>, vector<16xi32>,
        tpu.vector_store %arg15[%swap3A_302], %gather3A_299 {strides = array<i32>} : memref<3072xi32, #tpu.memory_space<vmem>>, vector<16xi32>,
        %gather3A_304 = tpu.vector_load_idx %arg13[%add3A_248, %broadcast_in_dim3A_13] : memref<1024x8xi32, #tpu.memory_space<vmem>>[vector<16xi32>, vector<16xi32>], vector<16xi32>,
        %add3A_305 = arith.constant 1024 : i32
        %add3A_306 = arith.addi %add3A_293, %add3A_305 : i32
        %swap3A_307 = arith.index_cast %add3A_306 : i32 to index
        %swap3A_308 = tpu.vector_load %arg15[%swap3A_307] {strides = array<i32>} : memref<3072xi32, #tpu.memory_space<vmem>>, vector<16xi32>,
        tpu.vector_store %arg15[%swap3A_307], %gather3A_304 {strides = array<i32>} : memref<3072xi32, #tpu.memory_space<vmem>>, vector<16xi32>,
        %scan3A_309 = arith.constant 3 : i32
        %scan3A_310 = arith.addi %scan3A_122, %scan3A_309 : i32
        %mul3A_311 = arith.constant 16 : i32
        %mul3A_312 = arith.muli %scan3A_310, %mul3A_311 : i32
        %add3A_313 = vector.broadcast %mul3A_312 : i32 to vector<16xi32>
        %add3A_314 = arith.addi %add3A_313, %iota3A : vector<16xi32>
        %jit3A_315 = arith.constant 32 : i32
        %div3A_316 = arith.divsi %scan3A_310, %jit3A_315 : i32
        %sign3A_317 = arith.constant 0 : i32
        %sign3A_318 = arith.cmpi sgt, %scan3A_310, %sign3A_317 : i32
        %sign3A_319 = arith.extui %sign3A_318 : i1 to i32
        %sign3A_320 = arith.constant 0 : i32
        %sign3A_321 = arith.cmpi slt, %scan3A_310, %sign3A_320 : i32
        %sign3A_322 = arith.extui %sign3A_321 : i1 to i32
        %sign3A_323 = arith.subi %sign3A_319, %sign3A_322 : i32
        %sign3A_324 = arith.constant 0 : i32
        %sign3A_325 = arith.cmpi sgt, %jit3A_315, %sign3A_324 : i32
        %sign3A_326 = arith.extui %sign3A_325 : i1 to i32
        %sign3A_327 = arith.constant 0 : i32
        %sign3A_328 = arith.cmpi slt, %jit3A_315, %sign3A_327 : i32
        %sign3A_329 = arith.extui %sign3A_328 : i1 to i32
        %sign3A_330 = arith.subi %sign3A_326, %sign3A_329 : i32
        %ne3A_331 = arith.cmpi ne, %sign3A_323, %sign3A_330 : i32
        %rem3A_332 = arith.remsi %scan3A_310, %jit3A_315 : i32
        %ne3A_333 = arith.constant 0 : i32
        %ne3A_334 = arith.cmpi ne, %rem3A_332, %ne3A_333 : i32
        %and3A_335 = arith.andi %ne3A_331, %ne3A_334 : i1
        %sub3A_336 = arith.constant 1 : i32
        %sub3A_337 = arith.subi %div3A_316, %sub3A_336 : i32
        %select_n3A_338 = arith.select %and3A_335, %sub3A_337, %div3A_316 : i32
        %mul3A_339 = arith.constant 1536 : i32
        %mul3A_340 = arith.muli %select_n3A_338, %mul3A_339 : i32
        %jit3A_341 = arith.constant 32 : i32
        %eq3A_342 = arith.constant 0 : i32
        %eq3A_343 = arith.cmpi eq, %jit3A_341, %eq3A_342 : i32
        %jit3A_344 = arith.constant 1 : i32
        %select_n3A_345 = arith.select %eq3A_343, %jit3A_344, %jit3A_341 : i32
        %rem3A_346 = arith.remsi %scan3A_310, %select_n3A_345 : i32
        %ne3A_347 = arith.constant 0 : i32
        %ne3A_348 = arith.cmpi ne, %rem3A_346, %ne3A_347 : i32
        %lt3A_349 = arith.constant 0 : i32
        %lt3A_350 = arith.cmpi slt, %rem3A_346, %lt3A_349 : i32
        %lt3A_351 = arith.constant 0 : i32
        %lt3A_352 = arith.cmpi slt, %select_n3A_345, %lt3A_351 : i32
        %ne3A_353 = arith.xori %lt3A_350, %lt3A_352 : i1
        %and3A_354 = arith.andi %ne3A_353, %ne3A_348 : i1
        %add3A_355 = arith.addi %rem3A_346, %select_n3A_345 : i32
        %select_n3A_356 = arith.select %and3A_354, %add3A_355, %rem3A_346 : i32
        %mul3A_357 = arith.constant 16 : i32
        %mul3A_358 = arith.muli %select_n3A_356, %mul3A_357 : i32
        %add3A_359 = arith.addi %mul3A_340, %mul3A_358 : i32
        %gather3A_360 = tpu.vector_load_idx %arg13[%add3A_314, %broadcast_in_dim3A_9] : memref<1024x8xi32, #tpu.memory_space<vmem>>[vector<16xi32>, vector<16xi32>], vector<16xi32>,
        %add3A_361 = arith.constant 0 : i32
        %add3A_362 = arith.addi %add3A_359, %add3A_361 : i32
        %swap3A_363 = arith.index_cast %add3A_362 : i32 to index
        %swap3A_364 = tpu.vector_load %arg15[%swap3A_363] {strides = array<i32>} : memref<3072xi32, #tpu.memory_space<vmem>>, vector<16xi32>,
        tpu.vector_store %arg15[%swap3A_363], %gather3A_360 {strides = array<i32>} : memref<3072xi32, #tpu.memory_space<vmem>>, vector<16xi32>,
        %gather3A_365 = tpu.vector_load_idx %arg13[%add3A_314, %broadcast_in_dim3A_11] : memref<1024x8xi32, #tpu.memory_space<vmem>>[vector<16xi32>, vector<16xi32>], vector<16xi32>,
        %add3A_366 = arith.constant 512 : i32
        %add3A_367 = arith.addi %add3A_359, %add3A_366 : i32
        %swap3A_368 = arith.index_cast %add3A_367 : i32 to index
        %swap3A_369 = tpu.vector_load %arg15[%swap3A_368] {strides = array<i32>} : memref<3072xi32, #tpu.memory_space<vmem>>, vector<16xi32>,
        tpu.vector_store %arg15[%swap3A_368], %gather3A_365 {strides = array<i32>} : memref<3072xi32, #tpu.memory_space<vmem>>, vector<16xi32>,
        %gather3A_370 = tpu.vector_load_idx %arg13[%add3A_314, %broadcast_in_dim3A_13] : memref<1024x8xi32, #tpu.memory_space<vmem>>[vector<16xi32>, vector<16xi32>], vector<16xi32>,
        %add3A_371 = arith.constant 1024 : i32
        %add3A_372 = arith.addi %add3A_359, %add3A_371 : i32
        %swap3A_373 = arith.index_cast %add3A_372 : i32 to index
        %swap3A_374 = tpu.vector_load %arg15[%swap3A_373] {strides = array<i32>} : memref<3072xi32, #tpu.memory_space<vmem>>, vector<16xi32>,
        tpu.vector_store %arg15[%swap3A_373], %gather3A_370 {strides = array<i32>} : memref<3072xi32, #tpu.memory_space<vmem>>, vector<16xi32>,
      }
      %scan3A_59 = arith.constant 64 : i32
      %dma_start3A_60 = arith.constant 0 : i32
      %dma_start3A_61 = arith.constant 0 : i32
      %dma_start3A_62 = tpu.memref_slice %arg5[%dma_start3A_60, %dma_start3A_61] : memref<50000x8xf32, #tpu.memory_space<hbm>> -> memref<50000x8xf32, #tpu.memory_space<hbm>>
      tpu.enqueue_indirect_dma source(%dma_start3A_62 : memref<50000x8xf32, #tpu.memory_space<hbm>>) target(%arg17 : memref<3072x8xf32, #tpu.memory_space<vmem>>) offsets(%arg15 : memref<3072xi32, #tpu.memory_space<vmem>>) semaphore(%arg27 : memref<!tpu.dma_semaphore, #tpu.memory_space<semaphore_mem>>)
      %mul3A_63 = arith.constant 3 : i32
      %mul3A_64 = arith.muli %mul3A_63, %add3A_39 : i32
      "tpu.region"() ({
        %run_scoped3A = tpu.sem_alloc : memref<!tpu.dma_semaphore, #tpu.memory_space<semaphore_mem>>
        %dma_start3A_122 = tpu.memref_slice %arg7[%mul3A_64] : memref<3145728xi32, #tpu.memory_space<hbm>> -> memref<3072xi32, #tpu.memory_space<hbm>>
        %dma_start3A_123 = tpu.memref_slice %arg7[%mul3A_64] : memref<3145728xi32, #tpu.memory_space<hbm>> -> memref<3072xi32, #tpu.memory_space<hbm>>
        tpu.enqueue_dma source(%arg15 : memref<3072xi32, #tpu.memory_space<vmem>>) target(%dma_start3A_123 : memref<3072xi32, #tpu.memory_space<hbm>>) target_semaphore(%run_scoped3A : memref<!tpu.dma_semaphore, #tpu.memory_space<semaphore_mem>>)
        %dma_wait3A_124 = tpu.memref_slice %arg7[%mul3A_64] : memref<3145728xi32, #tpu.memory_space<hbm>> -> memref<3072xi32, #tpu.memory_space<hbm>>
        %dma_wait3A_125 = tpu.memref_slice %arg7[%mul3A_64] : memref<3145728xi32, #tpu.memory_space<hbm>> -> memref<3072xi32, #tpu.memory_space<hbm>>
        tpu.wait_dma2 semaphore(%run_scoped3A : memref<!tpu.dma_semaphore, #tpu.memory_space<semaphore_mem>>) src(%arg15 : memref<3072xi32, #tpu.memory_space<vmem>>) dst(%dma_wait3A_125 : memref<3072xi32, #tpu.memory_space<hbm>>)
        tpu.yield
      }) : () -> ()
      %mul3A_65 = arith.constant 3 : i32
      %mul3A_66 = arith.muli %mul3A_65, %add3A_39 : i32
      %dma_wait3A_67 = tpu.memref_slice %arg3[%mul3A_66] : memref<3145728xf32, #tpu.memory_space<hbm>> -> memref<3072xf32, #tpu.memory_space<hbm>>
      %dma_wait3A_68 = tpu.memref_slice %arg3[%mul3A_66] : memref<3145728xf32, #tpu.memory_space<hbm>> -> memref<3072xf32, #tpu.memory_space<hbm>>
      tpu.wait_dma2 semaphore(%arg25 : memref<!tpu.dma_semaphore, #tpu.memory_space<semaphore_mem>>) src(%dma_wait3A_68 : memref<3072xf32, #tpu.memory_space<hbm>>) dst(%arg11 : memref<3072xf32, #tpu.memory_space<vmem>>)
      %mul3A_69 = arith.constant 3 : i32
      %mul3A_70 = arith.muli %mul3A_69, %add3A_39 : i32
      "tpu.region"() ({
        %run_scoped3A = tpu.sem_alloc : memref<!tpu.dma_semaphore, #tpu.memory_space<semaphore_mem>>
        %dma_start3A_122 = tpu.memref_slice %arg8[%mul3A_70] : memref<3145728xf32, #tpu.memory_space<hbm>> -> memref<3072xf32, #tpu.memory_space<hbm>>
        %dma_start3A_123 = tpu.memref_slice %arg8[%mul3A_70] : memref<3145728xf32, #tpu.memory_space<hbm>> -> memref<3072xf32, #tpu.memory_space<hbm>>
        tpu.enqueue_dma source(%arg11 : memref<3072xf32, #tpu.memory_space<vmem>>) target(%dma_start3A_123 : memref<3072xf32, #tpu.memory_space<hbm>>) target_semaphore(%run_scoped3A : memref<!tpu.dma_semaphore, #tpu.memory_space<semaphore_mem>>)
        %dma_wait3A_124 = tpu.memref_slice %arg8[%mul3A_70] : memref<3145728xf32, #tpu.memory_space<hbm>> -> memref<3072xf32, #tpu.memory_space<hbm>>
        %dma_wait3A_125 = tpu.memref_slice %arg8[%mul3A_70] : memref<3145728xf32, #tpu.memory_space<hbm>> -> memref<3072xf32, #tpu.memory_space<hbm>>
        tpu.wait_dma2 semaphore(%run_scoped3A : memref<!tpu.dma_semaphore, #tpu.memory_space<semaphore_mem>>) src(%arg11 : memref<3072xf32, #tpu.memory_space<vmem>>) dst(%dma_wait3A_125 : memref<3072xf32, #tpu.memory_space<hbm>>)
        tpu.yield
      }) : () -> ()
      %gt3A = arith.constant 0 : i32
      %gt3A_71 = arith.cmpi sgt, %scan3A_34, %gt3A : i32
      %convert_element_type3A = arith.extui %gt3A_71 : i1 to i32
      %cond3A = arith.constant 0 : i32
      %cond3A_72 = arith.cmpi ne, %convert_element_type3A, %cond3A : i32
      scf.if %cond3A_72 {
        %sub3A = arith.constant 2048 : i32
        %sub3A_122 = arith.subi %add3A_41, %sub3A : i32
        %dma_wait3A_123 = arith.constant 0 : i32
        %dma_wait3A_124 = arith.constant 0 : i32
        %dma_wait3A_125 = tpu.memref_slice %arg5[%dma_wait3A_123, %dma_wait3A_124] : memref<50000x8xf32, #tpu.memory_space<hbm>> -> memref<50000x8xf32, #tpu.memory_space<hbm>>
        tpu.wait_indirect_dma semaphore(%arg28 : memref<!tpu.dma_semaphore, #tpu.memory_space<semaphore_mem>>) src(%dma_wait3A_125 : memref<50000x8xf32, #tpu.memory_space<hbm>>) dst(%arg18 : memref<3072x8xf32, #tpu.memory_space<vmem>>)
        %scan3A_126 = arith.constant 0 : i32
        %scan3A_127 = arith.constant 0 : i32
        %scan3A_128 = arith.constant 64 : i32
        %scan3A_129 = arith.addi %scan3A_127, %scan3A_128 : i32
        %scan3A_130 = arith.constant 4 : i32
        scf.for %scan3A_134 = %scan3A_127 to %scan3A_129 step %scan3A_130  : i32 {
          %jit3A = arith.constant 32 : i32
          %div3A = arith.divsi %scan3A_134, %jit3A : i32
          %sign3A = arith.constant 0 : i32
          %sign3A_135 = arith.cmpi sgt, %scan3A_134, %sign3A : i32
          %sign3A_136 = arith.extui %sign3A_135 : i1 to i32
          %sign3A_137 = arith.constant 0 : i32
          %sign3A_138 = arith.cmpi slt, %scan3A_134, %sign3A_137 : i32
          %sign3A_139 = arith.extui %sign3A_138 : i1 to i32
          %sign3A_140 = arith.subi %sign3A_136, %sign3A_139 : i32
          %sign3A_141 = arith.constant 0 : i32
          %sign3A_142 = arith.cmpi sgt, %jit3A, %sign3A_141 : i32
          %sign3A_143 = arith.extui %sign3A_142 : i1 to i32
          %sign3A_144 = arith.constant 0 : i32
          %sign3A_145 = arith.cmpi slt, %jit3A, %sign3A_144 : i32
          %sign3A_146 = arith.extui %sign3A_145 : i1 to i32
          %sign3A_147 = arith.subi %sign3A_143, %sign3A_146 : i32
          %ne3A = arith.cmpi ne, %sign3A_140, %sign3A_147 : i32
          %rem3A = arith.remsi %scan3A_134, %jit3A : i32
          %ne3A_148 = arith.constant 0 : i32
          %ne3A_149 = arith.cmpi ne, %rem3A, %ne3A_148 : i32
          %and3A = arith.andi %ne3A, %ne3A_149 : i1
          %sub3A_150 = arith.constant 1 : i32
          %sub3A_151 = arith.subi %div3A, %sub3A_150 : i32
          %select_n3A_152 = arith.select %and3A, %sub3A_151, %div3A : i32
          %jit3A_153 = arith.constant 32 : i32
          %eq3A = arith.constant 0 : i32
          %eq3A_154 = arith.cmpi eq, %jit3A_153, %eq3A : i32
          %jit3A_155 = arith.constant 1 : i32
          %select_n3A_156 = arith.select %eq3A_154, %jit3A_155, %jit3A_153 : i32
          %rem3A_157 = arith.remsi %scan3A_134, %select_n3A_156 : i32
          %ne3A_158 = arith.constant 0 : i32
          %ne3A_159 = arith.cmpi ne, %rem3A_157, %ne3A_158 : i32
          %lt3A_160 = arith.constant 0 : i32
          %lt3A_161 = arith.cmpi slt, %rem3A_157, %lt3A_160 : i32
          %lt3A_162 = arith.constant 0 : i32
          %lt3A_163 = arith.cmpi slt, %select_n3A_156, %lt3A_162 : i32
          %ne3A_164 = arith.xori %lt3A_161, %lt3A_163 : i1
          %and3A_165 = arith.andi %ne3A_164, %ne3A_159 : i1
          %add3A_166 = arith.addi %rem3A_157, %select_n3A_156 : i32
          %select_n3A_167 = arith.select %and3A_165, %add3A_166, %rem3A_157 : i32
          %mul3A_168 = arith.constant 16 : i32
          %mul3A_169 = arith.muli %select_n3A_167, %mul3A_168 : i32
          %mul3A_170 = arith.constant 1536 : i32
          %mul3A_171 = arith.muli %select_n3A_152, %mul3A_170 : i32
          %add3A_172 = arith.addi %mul3A_171, %mul3A_169 : i32
          %mul3A_173 = arith.constant 2048 : i32
          %mul3A_174 = arith.muli %select_n3A_152, %mul3A_173 : i32
          %add3A_175 = arith.addi %mul3A_174, %mul3A_169 : i32
          %add3A_176 = vector.broadcast %add3A_172 : i32 to vector<16xi32>
          %add3A_177 = arith.addi %add3A_176, %iota3A : vector<16xi32>
          %mul3A_178 = arith.constant 16 : i32
          %mul3A_179 = arith.muli %scan3A_134, %mul3A_178 : i32
          %get3A = arith.index_cast %mul3A_179 : i32 to index
          %get3A_180 = tpu.vector_load %arg10[%get3A] {strides = array<i32>} : memref<1024xi32, #tpu.memory_space<vmem>>, vector<16xi32>,
          %ne3A_181 = arith.cmpi ne, %get3A_180, %broadcast_in_dim3A_7 : vector<16xi32>
          %select_n3A_182 = arith.select %ne3A_181, %broadcast_in_dim3A_3, %broadcast_in_dim3A_5 : vector<16xi1>, vector<16xf32>
          %get3A_183 = arith.index_cast %add3A_172 : i32 to index
          %get3A_184 = tpu.vector_load %arg12[%get3A_183] {strides = array<i32>} : memref<3072xf32, #tpu.memory_space<vmem>>, vector<16xf32>,
          %add3A_185 = arith.constant 512 : i32
          %add3A_186 = arith.addi %add3A_172, %add3A_185 : i32
          %get3A_187 = arith.index_cast %add3A_186 : i32 to index
          %get3A_188 = tpu.vector_load %arg12[%get3A_187] {strides = array<i32>} : memref<3072xf32, #tpu.memory_space<vmem>>, vector<16xf32>,
          %add3A_189 = arith.constant 1024 : i32
          %add3A_190 = arith.addi %add3A_172, %add3A_189 : i32
          %get3A_191 = arith.index_cast %add3A_190 : i32 to index
          %get3A_192 = tpu.vector_load %arg12[%get3A_191] {strides = array<i32>} : memref<3072xf32, #tpu.memory_space<vmem>>, vector<16xf32>,
          %gather3A = tpu.vector_load_idx %arg18[%add3A_177, %broadcast_in_dim3A_9] : memref<3072x8xf32, #tpu.memory_space<vmem>>[vector<16xi32>, vector<16xi32>], vector<16xf32>,
          %add3A_193 = arith.constant 512 : i32
          %add3A_194 = vector.broadcast %add3A_193 : i32 to vector<16xi32>
          %add3A_195 = arith.addi %add3A_177, %add3A_194 : vector<16xi32>
          %gather3A_196 = tpu.vector_load_idx %arg18[%add3A_195, %broadcast_in_dim3A_9] : memref<3072x8xf32, #tpu.memory_space<vmem>>[vector<16xi32>, vector<16xi32>], vector<16xf32>,
          %add3A_197 = arith.constant 1024 : i32
          %add3A_198 = vector.broadcast %add3A_197 : i32 to vector<16xi32>
          %add3A_199 = arith.addi %add3A_177, %add3A_198 : vector<16xi32>
          %gather3A_200 = tpu.vector_load_idx %arg18[%add3A_199, %broadcast_in_dim3A_9] : memref<3072x8xf32, #tpu.memory_space<vmem>>[vector<16xi32>, vector<16xi32>], vector<16xf32>,
          %mul3A_201 = arith.mulf %get3A_184, %gather3A : vector<16xf32>
          %mul3A_202 = arith.mulf %get3A_188, %gather3A_196 : vector<16xf32>
          %add3A_203 = arith.addf %mul3A_201, %mul3A_202 : vector<16xf32>
          %mul3A_204 = arith.mulf %get3A_192, %gather3A_200 : vector<16xf32>
          %add3A_205 = arith.addf %add3A_203, %mul3A_204 : vector<16xf32>
          %add3A_206 = arith.constant 0 : i32
          %add3A_207 = arith.addi %add3A_175, %add3A_206 : i32
          %swap3A = arith.index_cast %add3A_207 : i32 to index
          %swap3A_208 = tpu.vector_load %arg20[%swap3A] {strides = array<i32>} : memref<4096xf32, #tpu.memory_space<vmem>>, vector<16xf32>,
          tpu.vector_store %arg20[%swap3A], %add3A_205 {strides = array<i32>} : memref<4096xf32, #tpu.memory_space<vmem>>, vector<16xf32>,
          %gather3A_209 = tpu.vector_load_idx %arg18[%add3A_177, %broadcast_in_dim3A_11] : memref<3072x8xf32, #tpu.memory_space<vmem>>[vector<16xi32>, vector<16xi32>], vector<16xf32>,
          %add3A_210 = arith.constant 512 : i32
          %add3A_211 = vector.broadcast %add3A_210 : i32 to vector<16xi32>
          %add3A_212 = arith.addi %add3A_177, %add3A_211 : vector<16xi32>
          %gather3A_213 = tpu.vector_load_idx %arg18[%add3A_212, %broadcast_in_dim3A_11] : memref<3072x8xf32, #tpu.memory_space<vmem>>[vector<16xi32>, vector<16xi32>], vector<16xf32>,
          %add3A_214 = arith.constant 1024 : i32
          %add3A_215 = vector.broadcast %add3A_214 : i32 to vector<16xi32>
          %add3A_216 = arith.addi %add3A_177, %add3A_215 : vector<16xi32>
          %gather3A_217 = tpu.vector_load_idx %arg18[%add3A_216, %broadcast_in_dim3A_11] : memref<3072x8xf32, #tpu.memory_space<vmem>>[vector<16xi32>, vector<16xi32>], vector<16xf32>,
          %mul3A_218 = arith.mulf %get3A_184, %gather3A_209 : vector<16xf32>
          %mul3A_219 = arith.mulf %get3A_188, %gather3A_213 : vector<16xf32>
          %add3A_220 = arith.addf %mul3A_218, %mul3A_219 : vector<16xf32>
          %mul3A_221 = arith.mulf %get3A_192, %gather3A_217 : vector<16xf32>
          %add3A_222 = arith.addf %add3A_220, %mul3A_221 : vector<16xf32>
          %add3A_223 = arith.constant 512 : i32
          %add3A_224 = arith.addi %add3A_175, %add3A_223 : i32
          %swap3A_225 = arith.index_cast %add3A_224 : i32 to index
          %swap3A_226 = tpu.vector_load %arg20[%swap3A_225] {strides = array<i32>} : memref<4096xf32, #tpu.memory_space<vmem>>, vector<16xf32>,
          tpu.vector_store %arg20[%swap3A_225], %add3A_222 {strides = array<i32>} : memref<4096xf32, #tpu.memory_space<vmem>>, vector<16xf32>,
          %gather3A_227 = tpu.vector_load_idx %arg18[%add3A_177, %broadcast_in_dim3A_13] : memref<3072x8xf32, #tpu.memory_space<vmem>>[vector<16xi32>, vector<16xi32>], vector<16xf32>,
          %add3A_228 = arith.constant 512 : i32
          %add3A_229 = vector.broadcast %add3A_228 : i32 to vector<16xi32>
          %add3A_230 = arith.addi %add3A_177, %add3A_229 : vector<16xi32>
          %gather3A_231 = tpu.vector_load_idx %arg18[%add3A_230, %broadcast_in_dim3A_13] : memref<3072x8xf32, #tpu.memory_space<vmem>>[vector<16xi32>, vector<16xi32>], vector<16xf32>,
          %add3A_232 = arith.constant 1024 : i32
          %add3A_233 = vector.broadcast %add3A_232 : i32 to vector<16xi32>
          %add3A_234 = arith.addi %add3A_177, %add3A_233 : vector<16xi32>
          %gather3A_235 = tpu.vector_load_idx %arg18[%add3A_234, %broadcast_in_dim3A_13] : memref<3072x8xf32, #tpu.memory_space<vmem>>[vector<16xi32>, vector<16xi32>], vector<16xf32>,
          %mul3A_236 = arith.mulf %get3A_184, %gather3A_227 : vector<16xf32>
          %mul3A_237 = arith.mulf %get3A_188, %gather3A_231 : vector<16xf32>
          %add3A_238 = arith.addf %mul3A_236, %mul3A_237 : vector<16xf32>
          %mul3A_239 = arith.mulf %get3A_192, %gather3A_235 : vector<16xf32>
          %add3A_240 = arith.addf %add3A_238, %mul3A_239 : vector<16xf32>
          %add3A_241 = arith.constant 1024 : i32
          %add3A_242 = arith.addi %add3A_175, %add3A_241 : i32
          %swap3A_243 = arith.index_cast %add3A_242 : i32 to index
          %swap3A_244 = tpu.vector_load %arg20[%swap3A_243] {strides = array<i32>} : memref<4096xf32, #tpu.memory_space<vmem>>, vector<16xf32>,
          tpu.vector_store %arg20[%swap3A_243], %add3A_240 {strides = array<i32>} : memref<4096xf32, #tpu.memory_space<vmem>>, vector<16xf32>,
          %add3A_245 = arith.constant 1536 : i32
          %add3A_246 = arith.addi %add3A_175, %add3A_245 : i32
          %swap3A_247 = arith.index_cast %add3A_246 : i32 to index
          %swap3A_248 = tpu.vector_load %arg20[%swap3A_247] {strides = array<i32>} : memref<4096xf32, #tpu.memory_space<vmem>>, vector<16xf32>,
          tpu.vector_store %arg20[%swap3A_247], %select_n3A_182 {strides = array<i32>} : memref<4096xf32, #tpu.memory_space<vmem>>, vector<16xf32>,
          %scan3A_249 = arith.constant 1 : i32
          %scan3A_250 = arith.addi %scan3A_134, %scan3A_249 : i32
          %jit3A_251 = arith.constant 32 : i32
          %div3A_252 = arith.divsi %scan3A_250, %jit3A_251 : i32
          %sign3A_253 = arith.constant 0 : i32
          %sign3A_254 = arith.cmpi sgt, %scan3A_250, %sign3A_253 : i32
          %sign3A_255 = arith.extui %sign3A_254 : i1 to i32
          %sign3A_256 = arith.constant 0 : i32
          %sign3A_257 = arith.cmpi slt, %scan3A_250, %sign3A_256 : i32
          %sign3A_258 = arith.extui %sign3A_257 : i1 to i32
          %sign3A_259 = arith.subi %sign3A_255, %sign3A_258 : i32
          %sign3A_260 = arith.constant 0 : i32
          %sign3A_261 = arith.cmpi sgt, %jit3A_251, %sign3A_260 : i32
          %sign3A_262 = arith.extui %sign3A_261 : i1 to i32
          %sign3A_263 = arith.constant 0 : i32
          %sign3A_264 = arith.cmpi slt, %jit3A_251, %sign3A_263 : i32
          %sign3A_265 = arith.extui %sign3A_264 : i1 to i32
          %sign3A_266 = arith.subi %sign3A_262, %sign3A_265 : i32
          %ne3A_267 = arith.cmpi ne, %sign3A_259, %sign3A_266 : i32
          %rem3A_268 = arith.remsi %scan3A_250, %jit3A_251 : i32
          %ne3A_269 = arith.constant 0 : i32
          %ne3A_270 = arith.cmpi ne, %rem3A_268, %ne3A_269 : i32
          %and3A_271 = arith.andi %ne3A_267, %ne3A_270 : i1
          %sub3A_272 = arith.constant 1 : i32
          %sub3A_273 = arith.subi %div3A_252, %sub3A_272 : i32
          %select_n3A_274 = arith.select %and3A_271, %sub3A_273, %div3A_252 : i32
          %jit3A_275 = arith.constant 32 : i32
          %eq3A_276 = arith.constant 0 : i32
          %eq3A_277 = arith.cmpi eq, %jit3A_275, %eq3A_276 : i32
          %jit3A_278 = arith.constant 1 : i32
          %select_n3A_279 = arith.select %eq3A_277, %jit3A_278, %jit3A_275 : i32
          %rem3A_280 = arith.remsi %scan3A_250, %select_n3A_279 : i32
          %ne3A_281 = arith.constant 0 : i32
          %ne3A_282 = arith.cmpi ne, %rem3A_280, %ne3A_281 : i32
          %lt3A_283 = arith.constant 0 : i32
          %lt3A_284 = arith.cmpi slt, %rem3A_280, %lt3A_283 : i32
          %lt3A_285 = arith.constant 0 : i32
          %lt3A_286 = arith.cmpi slt, %select_n3A_279, %lt3A_285 : i32
          %ne3A_287 = arith.xori %lt3A_284, %lt3A_286 : i1
          %and3A_288 = arith.andi %ne3A_287, %ne3A_282 : i1
          %add3A_289 = arith.addi %rem3A_280, %select_n3A_279 : i32
          %select_n3A_290 = arith.select %and3A_288, %add3A_289, %rem3A_280 : i32
          %mul3A_291 = arith.constant 16 : i32
          %mul3A_292 = arith.muli %select_n3A_290, %mul3A_291 : i32
          %mul3A_293 = arith.constant 1536 : i32
          %mul3A_294 = arith.muli %select_n3A_274, %mul3A_293 : i32
          %add3A_295 = arith.addi %mul3A_294, %mul3A_292 : i32
          %mul3A_296 = arith.constant 2048 : i32
          %mul3A_297 = arith.muli %select_n3A_274, %mul3A_296 : i32
          %add3A_298 = arith.addi %mul3A_297, %mul3A_292 : i32
          %add3A_299 = vector.broadcast %add3A_295 : i32 to vector<16xi32>
          %add3A_300 = arith.addi %add3A_299, %iota3A : vector<16xi32>
          %mul3A_301 = arith.constant 16 : i32
          %mul3A_302 = arith.muli %scan3A_250, %mul3A_301 : i32
          %get3A_303 = arith.index_cast %mul3A_302 : i32 to index
          %get3A_304 = tpu.vector_load %arg10[%get3A_303] {strides = array<i32>} : memref<1024xi32, #tpu.memory_space<vmem>>, vector<16xi32>,
          %ne3A_305 = arith.cmpi ne, %get3A_304, %broadcast_in_dim3A_7 : vector<16xi32>
          %select_n3A_306 = arith.select %ne3A_305, %broadcast_in_dim3A_3, %broadcast_in_dim3A_5 : vector<16xi1>, vector<16xf32>
          %get3A_307 = arith.index_cast %add3A_295 : i32 to index
          %get3A_308 = tpu.vector_load %arg12[%get3A_307] {strides = array<i32>} : memref<3072xf32, #tpu.memory_space<vmem>>, vector<16xf32>,
          %add3A_309 = arith.constant 512 : i32
          %add3A_310 = arith.addi %add3A_295, %add3A_309 : i32
          %get3A_311 = arith.index_cast %add3A_310 : i32 to index
          %get3A_312 = tpu.vector_load %arg12[%get3A_311] {strides = array<i32>} : memref<3072xf32, #tpu.memory_space<vmem>>, vector<16xf32>,
          %add3A_313 = arith.constant 1024 : i32
          %add3A_314 = arith.addi %add3A_295, %add3A_313 : i32
          %get3A_315 = arith.index_cast %add3A_314 : i32 to index
          %get3A_316 = tpu.vector_load %arg12[%get3A_315] {strides = array<i32>} : memref<3072xf32, #tpu.memory_space<vmem>>, vector<16xf32>,
          %gather3A_317 = tpu.vector_load_idx %arg18[%add3A_300, %broadcast_in_dim3A_9] : memref<3072x8xf32, #tpu.memory_space<vmem>>[vector<16xi32>, vector<16xi32>], vector<16xf32>,
          %add3A_318 = arith.constant 512 : i32
          %add3A_319 = vector.broadcast %add3A_318 : i32 to vector<16xi32>
          %add3A_320 = arith.addi %add3A_300, %add3A_319 : vector<16xi32>
          %gather3A_321 = tpu.vector_load_idx %arg18[%add3A_320, %broadcast_in_dim3A_9] : memref<3072x8xf32, #tpu.memory_space<vmem>>[vector<16xi32>, vector<16xi32>], vector<16xf32>,
          %add3A_322 = arith.constant 1024 : i32
          %add3A_323 = vector.broadcast %add3A_322 : i32 to vector<16xi32>
          %add3A_324 = arith.addi %add3A_300, %add3A_323 : vector<16xi32>
          %gather3A_325 = tpu.vector_load_idx %arg18[%add3A_324, %broadcast_in_dim3A_9] : memref<3072x8xf32, #tpu.memory_space<vmem>>[vector<16xi32>, vector<16xi32>], vector<16xf32>,
          %mul3A_326 = arith.mulf %get3A_308, %gather3A_317 : vector<16xf32>
          %mul3A_327 = arith.mulf %get3A_312, %gather3A_321 : vector<16xf32>
          %add3A_328 = arith.addf %mul3A_326, %mul3A_327 : vector<16xf32>
          %mul3A_329 = arith.mulf %get3A_316, %gather3A_325 : vector<16xf32>
          %add3A_330 = arith.addf %add3A_328, %mul3A_329 : vector<16xf32>
          %add3A_331 = arith.constant 0 : i32
          %add3A_332 = arith.addi %add3A_298, %add3A_331 : i32
          %swap3A_333 = arith.index_cast %add3A_332 : i32 to index
          %swap3A_334 = tpu.vector_load %arg20[%swap3A_333] {strides = array<i32>} : memref<4096xf32, #tpu.memory_space<vmem>>, vector<16xf32>,
          tpu.vector_store %arg20[%swap3A_333], %add3A_330 {strides = array<i32>} : memref<4096xf32, #tpu.memory_space<vmem>>, vector<16xf32>,
          %gather3A_335 = tpu.vector_load_idx %arg18[%add3A_300, %broadcast_in_dim3A_11] : memref<3072x8xf32, #tpu.memory_space<vmem>>[vector<16xi32>, vector<16xi32>], vector<16xf32>,
          %add3A_336 = arith.constant 512 : i32
          %add3A_337 = vector.broadcast %add3A_336 : i32 to vector<16xi32>
          %add3A_338 = arith.addi %add3A_300, %add3A_337 : vector<16xi32>
          %gather3A_339 = tpu.vector_load_idx %arg18[%add3A_338, %broadcast_in_dim3A_11] : memref<3072x8xf32, #tpu.memory_space<vmem>>[vector<16xi32>, vector<16xi32>], vector<16xf32>,
          %add3A_340 = arith.constant 1024 : i32
          %add3A_341 = vector.broadcast %add3A_340 : i32 to vector<16xi32>
          %add3A_342 = arith.addi %add3A_300, %add3A_341 : vector<16xi32>
          %gather3A_343 = tpu.vector_load_idx %arg18[%add3A_342, %broadcast_in_dim3A_11] : memref<3072x8xf32, #tpu.memory_space<vmem>>[vector<16xi32>, vector<16xi32>], vector<16xf32>,
          %mul3A_344 = arith.mulf %get3A_308, %gather3A_335 : vector<16xf32>
          %mul3A_345 = arith.mulf %get3A_312, %gather3A_339 : vector<16xf32>
          %add3A_346 = arith.addf %mul3A_344, %mul3A_345 : vector<16xf32>
          %mul3A_347 = arith.mulf %get3A_316, %gather3A_343 : vector<16xf32>
          %add3A_348 = arith.addf %add3A_346, %mul3A_347 : vector<16xf32>
          %add3A_349 = arith.constant 512 : i32
          %add3A_350 = arith.addi %add3A_298, %add3A_349 : i32
          %swap3A_351 = arith.index_cast %add3A_350 : i32 to index
          %swap3A_352 = tpu.vector_load %arg20[%swap3A_351] {strides = array<i32>} : memref<4096xf32, #tpu.memory_space<vmem>>, vector<16xf32>,
          tpu.vector_store %arg20[%swap3A_351], %add3A_348 {strides = array<i32>} : memref<4096xf32, #tpu.memory_space<vmem>>, vector<16xf32>,
          %gather3A_353 = tpu.vector_load_idx %arg18[%add3A_300, %broadcast_in_dim3A_13] : memref<3072x8xf32, #tpu.memory_space<vmem>>[vector<16xi32>, vector<16xi32>], vector<16xf32>,
          %add3A_354 = arith.constant 512 : i32
          %add3A_355 = vector.broadcast %add3A_354 : i32 to vector<16xi32>
          %add3A_356 = arith.addi %add3A_300, %add3A_355 : vector<16xi32>
          %gather3A_357 = tpu.vector_load_idx %arg18[%add3A_356, %broadcast_in_dim3A_13] : memref<3072x8xf32, #tpu.memory_space<vmem>>[vector<16xi32>, vector<16xi32>], vector<16xf32>,
          %add3A_358 = arith.constant 1024 : i32
          %add3A_359 = vector.broadcast %add3A_358 : i32 to vector<16xi32>
          %add3A_360 = arith.addi %add3A_300, %add3A_359 : vector<16xi32>
          %gather3A_361 = tpu.vector_load_idx %arg18[%add3A_360, %broadcast_in_dim3A_13] : memref<3072x8xf32, #tpu.memory_space<vmem>>[vector<16xi32>, vector<16xi32>], vector<16xf32>,
          %mul3A_362 = arith.mulf %get3A_308, %gather3A_353 : vector<16xf32>
          %mul3A_363 = arith.mulf %get3A_312, %gather3A_357 : vector<16xf32>
          %add3A_364 = arith.addf %mul3A_362, %mul3A_363 : vector<16xf32>
          %mul3A_365 = arith.mulf %get3A_316, %gather3A_361 : vector<16xf32>
          %add3A_366 = arith.addf %add3A_364, %mul3A_365 : vector<16xf32>
          %add3A_367 = arith.constant 1024 : i32
          %add3A_368 = arith.addi %add3A_298, %add3A_367 : i32
          %swap3A_369 = arith.index_cast %add3A_368 : i32 to index
          %swap3A_370 = tpu.vector_load %arg20[%swap3A_369] {strides = array<i32>} : memref<4096xf32, #tpu.memory_space<vmem>>, vector<16xf32>,
          tpu.vector_store %arg20[%swap3A_369], %add3A_366 {strides = array<i32>} : memref<4096xf32, #tpu.memory_space<vmem>>, vector<16xf32>,
          %add3A_371 = arith.constant 1536 : i32
          %add3A_372 = arith.addi %add3A_298, %add3A_371 : i32
          %swap3A_373 = arith.index_cast %add3A_372 : i32 to index
          %swap3A_374 = tpu.vector_load %arg20[%swap3A_373] {strides = array<i32>} : memref<4096xf32, #tpu.memory_space<vmem>>, vector<16xf32>,
          tpu.vector_store %arg20[%swap3A_373], %select_n3A_306 {strides = array<i32>} : memref<4096xf32, #tpu.memory_space<vmem>>, vector<16xf32>,
          %scan3A_375 = arith.constant 2 : i32
          %scan3A_376 = arith.addi %scan3A_134, %scan3A_375 : i32
          %jit3A_377 = arith.constant 32 : i32
          %div3A_378 = arith.divsi %scan3A_376, %jit3A_377 : i32
          %sign3A_379 = arith.constant 0 : i32
          %sign3A_380 = arith.cmpi sgt, %scan3A_376, %sign3A_379 : i32
          %sign3A_381 = arith.extui %sign3A_380 : i1 to i32
          %sign3A_382 = arith.constant 0 : i32
          %sign3A_383 = arith.cmpi slt, %scan3A_376, %sign3A_382 : i32
          %sign3A_384 = arith.extui %sign3A_383 : i1 to i32
          %sign3A_385 = arith.subi %sign3A_381, %sign3A_384 : i32
          %sign3A_386 = arith.constant 0 : i32
          %sign3A_387 = arith.cmpi sgt, %jit3A_377, %sign3A_386 : i32
          %sign3A_388 = arith.extui %sign3A_387 : i1 to i32
          %sign3A_389 = arith.constant 0 : i32
          %sign3A_390 = arith.cmpi slt, %jit3A_377, %sign3A_389 : i32
          %sign3A_391 = arith.extui %sign3A_390 : i1 to i32
          %sign3A_392 = arith.subi %sign3A_388, %sign3A_391 : i32
          %ne3A_393 = arith.cmpi ne, %sign3A_385, %sign3A_392 : i32
          %rem3A_394 = arith.remsi %scan3A_376, %jit3A_377 : i32
          %ne3A_395 = arith.constant 0 : i32
          %ne3A_396 = arith.cmpi ne, %rem3A_394, %ne3A_395 : i32
          %and3A_397 = arith.andi %ne3A_393, %ne3A_396 : i1
          %sub3A_398 = arith.constant 1 : i32
          %sub3A_399 = arith.subi %div3A_378, %sub3A_398 : i32
          %select_n3A_400 = arith.select %and3A_397, %sub3A_399, %div3A_378 : i32
          %jit3A_401 = arith.constant 32 : i32
          %eq3A_402 = arith.constant 0 : i32
          %eq3A_403 = arith.cmpi eq, %jit3A_401, %eq3A_402 : i32
          %jit3A_404 = arith.constant 1 : i32
          %select_n3A_405 = arith.select %eq3A_403, %jit3A_404, %jit3A_401 : i32
          %rem3A_406 = arith.remsi %scan3A_376, %select_n3A_405 : i32
          %ne3A_407 = arith.constant 0 : i32
          %ne3A_408 = arith.cmpi ne, %rem3A_406, %ne3A_407 : i32
          %lt3A_409 = arith.constant 0 : i32
          %lt3A_410 = arith.cmpi slt, %rem3A_406, %lt3A_409 : i32
          %lt3A_411 = arith.constant 0 : i32
          %lt3A_412 = arith.cmpi slt, %select_n3A_405, %lt3A_411 : i32
          %ne3A_413 = arith.xori %lt3A_410, %lt3A_412 : i1
          %and3A_414 = arith.andi %ne3A_413, %ne3A_408 : i1
          %add3A_415 = arith.addi %rem3A_406, %select_n3A_405 : i32
          %select_n3A_416 = arith.select %and3A_414, %add3A_415, %rem3A_406 : i32
          %mul3A_417 = arith.constant 16 : i32
          %mul3A_418 = arith.muli %select_n3A_416, %mul3A_417 : i32
          %mul3A_419 = arith.constant 1536 : i32
          %mul3A_420 = arith.muli %select_n3A_400, %mul3A_419 : i32
          %add3A_421 = arith.addi %mul3A_420, %mul3A_418 : i32
          %mul3A_422 = arith.constant 2048 : i32
          %mul3A_423 = arith.muli %select_n3A_400, %mul3A_422 : i32
          %add3A_424 = arith.addi %mul3A_423, %mul3A_418 : i32
          %add3A_425 = vector.broadcast %add3A_421 : i32 to vector<16xi32>
          %add3A_426 = arith.addi %add3A_425, %iota3A : vector<16xi32>
          %mul3A_427 = arith.constant 16 : i32
          %mul3A_428 = arith.muli %scan3A_376, %mul3A_427 : i32
          %get3A_429 = arith.index_cast %mul3A_428 : i32 to index
          %get3A_430 = tpu.vector_load %arg10[%get3A_429] {strides = array<i32>} : memref<1024xi32, #tpu.memory_space<vmem>>, vector<16xi32>,
          %ne3A_431 = arith.cmpi ne, %get3A_430, %broadcast_in_dim3A_7 : vector<16xi32>
          %select_n3A_432 = arith.select %ne3A_431, %broadcast_in_dim3A_3, %broadcast_in_dim3A_5 : vector<16xi1>, vector<16xf32>
          %get3A_433 = arith.index_cast %add3A_421 : i32 to index
          %get3A_434 = tpu.vector_load %arg12[%get3A_433] {strides = array<i32>} : memref<3072xf32, #tpu.memory_space<vmem>>, vector<16xf32>,
          %add3A_435 = arith.constant 512 : i32
          %add3A_436 = arith.addi %add3A_421, %add3A_435 : i32
          %get3A_437 = arith.index_cast %add3A_436 : i32 to index
          %get3A_438 = tpu.vector_load %arg12[%get3A_437] {strides = array<i32>} : memref<3072xf32, #tpu.memory_space<vmem>>, vector<16xf32>,
          %add3A_439 = arith.constant 1024 : i32
          %add3A_440 = arith.addi %add3A_421, %add3A_439 : i32
          %get3A_441 = arith.index_cast %add3A_440 : i32 to index
          %get3A_442 = tpu.vector_load %arg12[%get3A_441] {strides = array<i32>} : memref<3072xf32, #tpu.memory_space<vmem>>, vector<16xf32>,
          %gather3A_443 = tpu.vector_load_idx %arg18[%add3A_426, %broadcast_in_dim3A_9] : memref<3072x8xf32, #tpu.memory_space<vmem>>[vector<16xi32>, vector<16xi32>], vector<16xf32>,
          %add3A_444 = arith.constant 512 : i32
          %add3A_445 = vector.broadcast %add3A_444 : i32 to vector<16xi32>
          %add3A_446 = arith.addi %add3A_426, %add3A_445 : vector<16xi32>
          %gather3A_447 = tpu.vector_load_idx %arg18[%add3A_446, %broadcast_in_dim3A_9] : memref<3072x8xf32, #tpu.memory_space<vmem>>[vector<16xi32>, vector<16xi32>], vector<16xf32>,
          %add3A_448 = arith.constant 1024 : i32
          %add3A_449 = vector.broadcast %add3A_448 : i32 to vector<16xi32>
          %add3A_450 = arith.addi %add3A_426, %add3A_449 : vector<16xi32>
          %gather3A_451 = tpu.vector_load_idx %arg18[%add3A_450, %broadcast_in_dim3A_9] : memref<3072x8xf32, #tpu.memory_space<vmem>>[vector<16xi32>, vector<16xi32>], vector<16xf32>,
          %mul3A_452 = arith.mulf %get3A_434, %gather3A_443 : vector<16xf32>
          %mul3A_453 = arith.mulf %get3A_438, %gather3A_447 : vector<16xf32>
          %add3A_454 = arith.addf %mul3A_452, %mul3A_453 : vector<16xf32>
          %mul3A_455 = arith.mulf %get3A_442, %gather3A_451 : vector<16xf32>
          %add3A_456 = arith.addf %add3A_454, %mul3A_455 : vector<16xf32>
          %add3A_457 = arith.constant 0 : i32
          %add3A_458 = arith.addi %add3A_424, %add3A_457 : i32
          %swap3A_459 = arith.index_cast %add3A_458 : i32 to index
          %swap3A_460 = tpu.vector_load %arg20[%swap3A_459] {strides = array<i32>} : memref<4096xf32, #tpu.memory_space<vmem>>, vector<16xf32>,
          tpu.vector_store %arg20[%swap3A_459], %add3A_456 {strides = array<i32>} : memref<4096xf32, #tpu.memory_space<vmem>>, vector<16xf32>,
          %gather3A_461 = tpu.vector_load_idx %arg18[%add3A_426, %broadcast_in_dim3A_11] : memref<3072x8xf32, #tpu.memory_space<vmem>>[vector<16xi32>, vector<16xi32>], vector<16xf32>,
          %add3A_462 = arith.constant 512 : i32
          %add3A_463 = vector.broadcast %add3A_462 : i32 to vector<16xi32>
          %add3A_464 = arith.addi %add3A_426, %add3A_463 : vector<16xi32>
          %gather3A_465 = tpu.vector_load_idx %arg18[%add3A_464, %broadcast_in_dim3A_11] : memref<3072x8xf32, #tpu.memory_space<vmem>>[vector<16xi32>, vector<16xi32>], vector<16xf32>,
          %add3A_466 = arith.constant 1024 : i32
          %add3A_467 = vector.broadcast %add3A_466 : i32 to vector<16xi32>
          %add3A_468 = arith.addi %add3A_426, %add3A_467 : vector<16xi32>
          %gather3A_469 = tpu.vector_load_idx %arg18[%add3A_468, %broadcast_in_dim3A_11] : memref<3072x8xf32, #tpu.memory_space<vmem>>[vector<16xi32>, vector<16xi32>], vector<16xf32>,
          %mul3A_470 = arith.mulf %get3A_434, %gather3A_461 : vector<16xf32>
          %mul3A_471 = arith.mulf %get3A_438, %gather3A_465 : vector<16xf32>
          %add3A_472 = arith.addf %mul3A_470, %mul3A_471 : vector<16xf32>
          %mul3A_473 = arith.mulf %get3A_442, %gather3A_469 : vector<16xf32>
          %add3A_474 = arith.addf %add3A_472, %mul3A_473 : vector<16xf32>
          %add3A_475 = arith.constant 512 : i32
          %add3A_476 = arith.addi %add3A_424, %add3A_475 : i32
          %swap3A_477 = arith.index_cast %add3A_476 : i32 to index
          %swap3A_478 = tpu.vector_load %arg20[%swap3A_477] {strides = array<i32>} : memref<4096xf32, #tpu.memory_space<vmem>>, vector<16xf32>,
          tpu.vector_store %arg20[%swap3A_477], %add3A_474 {strides = array<i32>} : memref<4096xf32, #tpu.memory_space<vmem>>, vector<16xf32>,
          %gather3A_479 = tpu.vector_load_idx %arg18[%add3A_426, %broadcast_in_dim3A_13] : memref<3072x8xf32, #tpu.memory_space<vmem>>[vector<16xi32>, vector<16xi32>], vector<16xf32>,
          %add3A_480 = arith.constant 512 : i32
          %add3A_481 = vector.broadcast %add3A_480 : i32 to vector<16xi32>
          %add3A_482 = arith.addi %add3A_426, %add3A_481 : vector<16xi32>
          %gather3A_483 = tpu.vector_load_idx %arg18[%add3A_482, %broadcast_in_dim3A_13] : memref<3072x8xf32, #tpu.memory_space<vmem>>[vector<16xi32>, vector<16xi32>], vector<16xf32>,
          %add3A_484 = arith.constant 1024 : i32
          %add3A_485 = vector.broadcast %add3A_484 : i32 to vector<16xi32>
          %add3A_486 = arith.addi %add3A_426, %add3A_485 : vector<16xi32>
          %gather3A_487 = tpu.vector_load_idx %arg18[%add3A_486, %broadcast_in_dim3A_13] : memref<3072x8xf32, #tpu.memory_space<vmem>>[vector<16xi32>, vector<16xi32>], vector<16xf32>,
          %mul3A_488 = arith.mulf %get3A_434, %gather3A_479 : vector<16xf32>
          %mul3A_489 = arith.mulf %get3A_438, %gather3A_483 : vector<16xf32>
          %add3A_490 = arith.addf %mul3A_488, %mul3A_489 : vector<16xf32>
          %mul3A_491 = arith.mulf %get3A_442, %gather3A_487 : vector<16xf32>
          %add3A_492 = arith.addf %add3A_490, %mul3A_491 : vector<16xf32>
          %add3A_493 = arith.constant 1024 : i32
          %add3A_494 = arith.addi %add3A_424, %add3A_493 : i32
          %swap3A_495 = arith.index_cast %add3A_494 : i32 to index
          %swap3A_496 = tpu.vector_load %arg20[%swap3A_495] {strides = array<i32>} : memref<4096xf32, #tpu.memory_space<vmem>>, vector<16xf32>,
          tpu.vector_store %arg20[%swap3A_495], %add3A_492 {strides = array<i32>} : memref<4096xf32, #tpu.memory_space<vmem>>, vector<16xf32>,
          %add3A_497 = arith.constant 1536 : i32
          %add3A_498 = arith.addi %add3A_424, %add3A_497 : i32
          %swap3A_499 = arith.index_cast %add3A_498 : i32 to index
          %swap3A_500 = tpu.vector_load %arg20[%swap3A_499] {strides = array<i32>} : memref<4096xf32, #tpu.memory_space<vmem>>, vector<16xf32>,
          tpu.vector_store %arg20[%swap3A_499], %select_n3A_432 {strides = array<i32>} : memref<4096xf32, #tpu.memory_space<vmem>>, vector<16xf32>,
          %scan3A_501 = arith.constant 3 : i32
          %scan3A_502 = arith.addi %scan3A_134, %scan3A_501 : i32
          %jit3A_503 = arith.constant 32 : i32
          %div3A_504 = arith.divsi %scan3A_502, %jit3A_503 : i32
          %sign3A_505 = arith.constant 0 : i32
          %sign3A_506 = arith.cmpi sgt, %scan3A_502, %sign3A_505 : i32
          %sign3A_507 = arith.extui %sign3A_506 : i1 to i32
          %sign3A_508 = arith.constant 0 : i32
          %sign3A_509 = arith.cmpi slt, %scan3A_502, %sign3A_508 : i32
          %sign3A_510 = arith.extui %sign3A_509 : i1 to i32
          %sign3A_511 = arith.subi %sign3A_507, %sign3A_510 : i32
          %sign3A_512 = arith.constant 0 : i32
          %sign3A_513 = arith.cmpi sgt, %jit3A_503, %sign3A_512 : i32
          %sign3A_514 = arith.extui %sign3A_513 : i1 to i32
          %sign3A_515 = arith.constant 0 : i32
          %sign3A_516 = arith.cmpi slt, %jit3A_503, %sign3A_515 : i32
          %sign3A_517 = arith.extui %sign3A_516 : i1 to i32
          %sign3A_518 = arith.subi %sign3A_514, %sign3A_517 : i32
          %ne3A_519 = arith.cmpi ne, %sign3A_511, %sign3A_518 : i32
          %rem3A_520 = arith.remsi %scan3A_502, %jit3A_503 : i32
          %ne3A_521 = arith.constant 0 : i32
          %ne3A_522 = arith.cmpi ne, %rem3A_520, %ne3A_521 : i32
          %and3A_523 = arith.andi %ne3A_519, %ne3A_522 : i1
          %sub3A_524 = arith.constant 1 : i32
          %sub3A_525 = arith.subi %div3A_504, %sub3A_524 : i32
          %select_n3A_526 = arith.select %and3A_523, %sub3A_525, %div3A_504 : i32
          %jit3A_527 = arith.constant 32 : i32
          %eq3A_528 = arith.constant 0 : i32
          %eq3A_529 = arith.cmpi eq, %jit3A_527, %eq3A_528 : i32
          %jit3A_530 = arith.constant 1 : i32
          %select_n3A_531 = arith.select %eq3A_529, %jit3A_530, %jit3A_527 : i32
          %rem3A_532 = arith.remsi %scan3A_502, %select_n3A_531 : i32
          %ne3A_533 = arith.constant 0 : i32
          %ne3A_534 = arith.cmpi ne, %rem3A_532, %ne3A_533 : i32
          %lt3A_535 = arith.constant 0 : i32
          %lt3A_536 = arith.cmpi slt, %rem3A_532, %lt3A_535 : i32
          %lt3A_537 = arith.constant 0 : i32
          %lt3A_538 = arith.cmpi slt, %select_n3A_531, %lt3A_537 : i32
          %ne3A_539 = arith.xori %lt3A_536, %lt3A_538 : i1
          %and3A_540 = arith.andi %ne3A_539, %ne3A_534 : i1
          %add3A_541 = arith.addi %rem3A_532, %select_n3A_531 : i32
          %select_n3A_542 = arith.select %and3A_540, %add3A_541, %rem3A_532 : i32
          %mul3A_543 = arith.constant 16 : i32
          %mul3A_544 = arith.muli %select_n3A_542, %mul3A_543 : i32
          %mul3A_545 = arith.constant 1536 : i32
          %mul3A_546 = arith.muli %select_n3A_526, %mul3A_545 : i32
          %add3A_547 = arith.addi %mul3A_546, %mul3A_544 : i32
          %mul3A_548 = arith.constant 2048 : i32
          %mul3A_549 = arith.muli %select_n3A_526, %mul3A_548 : i32
          %add3A_550 = arith.addi %mul3A_549, %mul3A_544 : i32
          %add3A_551 = vector.broadcast %add3A_547 : i32 to vector<16xi32>
          %add3A_552 = arith.addi %add3A_551, %iota3A : vector<16xi32>
          %mul3A_553 = arith.constant 16 : i32
          %mul3A_554 = arith.muli %scan3A_502, %mul3A_553 : i32
          %get3A_555 = arith.index_cast %mul3A_554 : i32 to index
          %get3A_556 = tpu.vector_load %arg10[%get3A_555] {strides = array<i32>} : memref<1024xi32, #tpu.memory_space<vmem>>, vector<16xi32>,
          %ne3A_557 = arith.cmpi ne, %get3A_556, %broadcast_in_dim3A_7 : vector<16xi32>
          %select_n3A_558 = arith.select %ne3A_557, %broadcast_in_dim3A_3, %broadcast_in_dim3A_5 : vector<16xi1>, vector<16xf32>
          %get3A_559 = arith.index_cast %add3A_547 : i32 to index
          %get3A_560 = tpu.vector_load %arg12[%get3A_559] {strides = array<i32>} : memref<3072xf32, #tpu.memory_space<vmem>>, vector<16xf32>,
          %add3A_561 = arith.constant 512 : i32
          %add3A_562 = arith.addi %add3A_547, %add3A_561 : i32
          %get3A_563 = arith.index_cast %add3A_562 : i32 to index
          %get3A_564 = tpu.vector_load %arg12[%get3A_563] {strides = array<i32>} : memref<3072xf32, #tpu.memory_space<vmem>>, vector<16xf32>,
          %add3A_565 = arith.constant 1024 : i32
          %add3A_566 = arith.addi %add3A_547, %add3A_565 : i32
          %get3A_567 = arith.index_cast %add3A_566 : i32 to index
          %get3A_568 = tpu.vector_load %arg12[%get3A_567] {strides = array<i32>} : memref<3072xf32, #tpu.memory_space<vmem>>, vector<16xf32>,
          %gather3A_569 = tpu.vector_load_idx %arg18[%add3A_552, %broadcast_in_dim3A_9] : memref<3072x8xf32, #tpu.memory_space<vmem>>[vector<16xi32>, vector<16xi32>], vector<16xf32>,
          %add3A_570 = arith.constant 512 : i32
          %add3A_571 = vector.broadcast %add3A_570 : i32 to vector<16xi32>
          %add3A_572 = arith.addi %add3A_552, %add3A_571 : vector<16xi32>
          %gather3A_573 = tpu.vector_load_idx %arg18[%add3A_572, %broadcast_in_dim3A_9] : memref<3072x8xf32, #tpu.memory_space<vmem>>[vector<16xi32>, vector<16xi32>], vector<16xf32>,
          %add3A_574 = arith.constant 1024 : i32
          %add3A_575 = vector.broadcast %add3A_574 : i32 to vector<16xi32>
          %add3A_576 = arith.addi %add3A_552, %add3A_575 : vector<16xi32>
          %gather3A_577 = tpu.vector_load_idx %arg18[%add3A_576, %broadcast_in_dim3A_9] : memref<3072x8xf32, #tpu.memory_space<vmem>>[vector<16xi32>, vector<16xi32>], vector<16xf32>,
          %mul3A_578 = arith.mulf %get3A_560, %gather3A_569 : vector<16xf32>
          %mul3A_579 = arith.mulf %get3A_564, %gather3A_573 : vector<16xf32>
          %add3A_580 = arith.addf %mul3A_578, %mul3A_579 : vector<16xf32>
          %mul3A_581 = arith.mulf %get3A_568, %gather3A_577 : vector<16xf32>
          %add3A_582 = arith.addf %add3A_580, %mul3A_581 : vector<16xf32>
          %add3A_583 = arith.constant 0 : i32
          %add3A_584 = arith.addi %add3A_550, %add3A_583 : i32
          %swap3A_585 = arith.index_cast %add3A_584 : i32 to index
          %swap3A_586 = tpu.vector_load %arg20[%swap3A_585] {strides = array<i32>} : memref<4096xf32, #tpu.memory_space<vmem>>, vector<16xf32>,
          tpu.vector_store %arg20[%swap3A_585], %add3A_582 {strides = array<i32>} : memref<4096xf32, #tpu.memory_space<vmem>>, vector<16xf32>,
          %gather3A_587 = tpu.vector_load_idx %arg18[%add3A_552, %broadcast_in_dim3A_11] : memref<3072x8xf32, #tpu.memory_space<vmem>>[vector<16xi32>, vector<16xi32>], vector<16xf32>,
          %add3A_588 = arith.constant 512 : i32
          %add3A_589 = vector.broadcast %add3A_588 : i32 to vector<16xi32>
          %add3A_590 = arith.addi %add3A_552, %add3A_589 : vector<16xi32>
          %gather3A_591 = tpu.vector_load_idx %arg18[%add3A_590, %broadcast_in_dim3A_11] : memref<3072x8xf32, #tpu.memory_space<vmem>>[vector<16xi32>, vector<16xi32>], vector<16xf32>,
          %add3A_592 = arith.constant 1024 : i32
          %add3A_593 = vector.broadcast %add3A_592 : i32 to vector<16xi32>
          %add3A_594 = arith.addi %add3A_552, %add3A_593 : vector<16xi32>
          %gather3A_595 = tpu.vector_load_idx %arg18[%add3A_594, %broadcast_in_dim3A_11] : memref<3072x8xf32, #tpu.memory_space<vmem>>[vector<16xi32>, vector<16xi32>], vector<16xf32>,
          %mul3A_596 = arith.mulf %get3A_560, %gather3A_587 : vector<16xf32>
          %mul3A_597 = arith.mulf %get3A_564, %gather3A_591 : vector<16xf32>
          %add3A_598 = arith.addf %mul3A_596, %mul3A_597 : vector<16xf32>
          %mul3A_599 = arith.mulf %get3A_568, %gather3A_595 : vector<16xf32>
          %add3A_600 = arith.addf %add3A_598, %mul3A_599 : vector<16xf32>
          %add3A_601 = arith.constant 512 : i32
          %add3A_602 = arith.addi %add3A_550, %add3A_601 : i32
          %swap3A_603 = arith.index_cast %add3A_602 : i32 to index
          %swap3A_604 = tpu.vector_load %arg20[%swap3A_603] {strides = array<i32>} : memref<4096xf32, #tpu.memory_space<vmem>>, vector<16xf32>,
          tpu.vector_store %arg20[%swap3A_603], %add3A_600 {strides = array<i32>} : memref<4096xf32, #tpu.memory_space<vmem>>, vector<16xf32>,
          %gather3A_605 = tpu.vector_load_idx %arg18[%add3A_552, %broadcast_in_dim3A_13] : memref<3072x8xf32, #tpu.memory_space<vmem>>[vector<16xi32>, vector<16xi32>], vector<16xf32>,
          %add3A_606 = arith.constant 512 : i32
          %add3A_607 = vector.broadcast %add3A_606 : i32 to vector<16xi32>
          %add3A_608 = arith.addi %add3A_552, %add3A_607 : vector<16xi32>
          %gather3A_609 = tpu.vector_load_idx %arg18[%add3A_608, %broadcast_in_dim3A_13] : memref<3072x8xf32, #tpu.memory_space<vmem>>[vector<16xi32>, vector<16xi32>], vector<16xf32>,
          %add3A_610 = arith.constant 1024 : i32
          %add3A_611 = vector.broadcast %add3A_610 : i32 to vector<16xi32>
          %add3A_612 = arith.addi %add3A_552, %add3A_611 : vector<16xi32>
          %gather3A_613 = tpu.vector_load_idx %arg18[%add3A_612, %broadcast_in_dim3A_13] : memref<3072x8xf32, #tpu.memory_space<vmem>>[vector<16xi32>, vector<16xi32>], vector<16xf32>,
          %mul3A_614 = arith.mulf %get3A_560, %gather3A_605 : vector<16xf32>
          %mul3A_615 = arith.mulf %get3A_564, %gather3A_609 : vector<16xf32>
          %add3A_616 = arith.addf %mul3A_614, %mul3A_615 : vector<16xf32>
          %mul3A_617 = arith.mulf %get3A_568, %gather3A_613 : vector<16xf32>
          %add3A_618 = arith.addf %add3A_616, %mul3A_617 : vector<16xf32>
          %add3A_619 = arith.constant 1024 : i32
          %add3A_620 = arith.addi %add3A_550, %add3A_619 : i32
          %swap3A_621 = arith.index_cast %add3A_620 : i32 to index
          %swap3A_622 = tpu.vector_load %arg20[%swap3A_621] {strides = array<i32>} : memref<4096xf32, #tpu.memory_space<vmem>>, vector<16xf32>,
          tpu.vector_store %arg20[%swap3A_621], %add3A_618 {strides = array<i32>} : memref<4096xf32, #tpu.memory_space<vmem>>, vector<16xf32>,
          %add3A_623 = arith.constant 1536 : i32
          %add3A_624 = arith.addi %add3A_550, %add3A_623 : i32
          %swap3A_625 = arith.index_cast %add3A_624 : i32 to index
          %swap3A_626 = tpu.vector_load %arg20[%swap3A_625] {strides = array<i32>} : memref<4096xf32, #tpu.memory_space<vmem>>, vector<16xf32>,
          tpu.vector_store %arg20[%swap3A_625], %select_n3A_558 {strides = array<i32>} : memref<4096xf32, #tpu.memory_space<vmem>>, vector<16xf32>,
        }
        %scan3A_131 = arith.constant 64 : i32
        %mul3A_132 = arith.constant 4 : i32
        %mul3A_133 = arith.muli %mul3A_132, %sub3A_122 : i32
        "tpu.region"() ({
          %run_scoped3A = tpu.sem_alloc : memref<!tpu.dma_semaphore, #tpu.memory_space<semaphore_mem>>
          %dma_start3A_134 = tpu.memref_slice %arg6[%mul3A_133] : memref<4194304xf32, #tpu.memory_space<hbm>> -> memref<4096xf32, #tpu.memory_space<hbm>>
          %dma_start3A_135 = tpu.memref_slice %arg6[%mul3A_133] : memref<4194304xf32, #tpu.memory_space<hbm>> -> memref<4096xf32, #tpu.memory_space<hbm>>
          tpu.enqueue_dma source(%arg20 : memref<4096xf32, #tpu.memory_space<vmem>>) target(%dma_start3A_135 : memref<4096xf32, #tpu.memory_space<hbm>>) target_semaphore(%run_scoped3A : memref<!tpu.dma_semaphore, #tpu.memory_space<semaphore_mem>>)
          %dma_wait3A_136 = tpu.memref_slice %arg6[%mul3A_133] : memref<4194304xf32, #tpu.memory_space<hbm>> -> memref<4096xf32, #tpu.memory_space<hbm>>
          %dma_wait3A_137 = tpu.memref_slice %arg6[%mul3A_133] : memref<4194304xf32, #tpu.memory_space<hbm>> -> memref<4096xf32, #tpu.memory_space<hbm>>
          tpu.wait_dma2 semaphore(%run_scoped3A : memref<!tpu.dma_semaphore, #tpu.memory_space<semaphore_mem>>) src(%arg20 : memref<4096xf32, #tpu.memory_space<vmem>>) dst(%dma_wait3A_137 : memref<4096xf32, #tpu.memory_space<hbm>>)
          tpu.yield
        }) : () -> ()
      } else {
      }
      %dma_start3A_73 = tpu.memref_slice %arg2[%add3A_41] : memref<1048576xi32, #tpu.memory_space<hbm>> -> memref<1024xi32, #tpu.memory_space<hbm>>
      %dma_start3A_74 = tpu.memref_slice %arg2[%add3A_41] : memref<1048576xi32, #tpu.memory_space<hbm>> -> memref<1024xi32, #tpu.memory_space<hbm>>
      tpu.enqueue_dma source(%dma_start3A_74 : memref<1024xi32, #tpu.memory_space<hbm>>) target(%arg10 : memref<1024xi32, #tpu.memory_space<vmem>>) target_semaphore(%arg22 : memref<!tpu.dma_semaphore, #tpu.memory_space<semaphore_mem>>)
      %dma_wait3A_75 = tpu.memref_slice %arg2[%add3A_41] : memref<1048576xi32, #tpu.memory_space<hbm>> -> memref<1024xi32, #tpu.memory_space<hbm>>
      %dma_wait3A_76 = tpu.memref_slice %arg2[%add3A_41] : memref<1048576xi32, #tpu.memory_space<hbm>> -> memref<1024xi32, #tpu.memory_space<hbm>>
      tpu.wait_dma2 semaphore(%arg22 : memref<!tpu.dma_semaphore, #tpu.memory_space<semaphore_mem>>) src(%dma_wait3A_76 : memref<1024xi32, #tpu.memory_space<hbm>>) dst(%arg10 : memref<1024xi32, #tpu.memory_space<vmem>>)
      %dma_start3A_77 = arith.constant 0 : i32
      %dma_start3A_78 = arith.constant 0 : i32
      %dma_start3A_79 = tpu.memref_slice %arg4[%dma_start3A_77, %dma_start3A_78] : memref<100000x8xi32, #tpu.memory_space<hbm>> -> memref<100000x8xi32, #tpu.memory_space<hbm>>
      tpu.enqueue_indirect_dma source(%dma_start3A_79 : memref<100000x8xi32, #tpu.memory_space<hbm>>) target(%arg14 : memref<1024x8xi32, #tpu.memory_space<vmem>>) offsets(%arg10 : memref<1024xi32, #tpu.memory_space<vmem>>) semaphore(%arg24 : memref<!tpu.dma_semaphore, #tpu.memory_space<semaphore_mem>>)
      %mul3A_80 = arith.constant 3 : i32
      %mul3A_81 = arith.muli %mul3A_80, %add3A_41 : i32
      %dma_start3A_82 = tpu.memref_slice %arg3[%mul3A_81] : memref<3145728xf32, #tpu.memory_space<hbm>> -> memref<3072xf32, #tpu.memory_space<hbm>>
      %dma_start3A_83 = tpu.memref_slice %arg3[%mul3A_81] : memref<3145728xf32, #tpu.memory_space<hbm>> -> memref<3072xf32, #tpu.memory_space<hbm>>
      tpu.enqueue_dma source(%dma_start3A_83 : memref<3072xf32, #tpu.memory_space<hbm>>) target(%arg12 : memref<3072xf32, #tpu.memory_space<vmem>>) target_semaphore(%arg26 : memref<!tpu.dma_semaphore, #tpu.memory_space<semaphore_mem>>)
      %dma_wait3A_84 = arith.constant 0 : i32
      %dma_wait3A_85 = arith.constant 0 : i32
      %dma_wait3A_86 = tpu.memref_slice %arg4[%dma_wait3A_84, %dma_wait3A_85] : memref<100000x8xi32, #tpu.memory_space<hbm>> -> memref<100000x8xi32, #tpu.memory_space<hbm>>
      tpu.wait_indirect_dma semaphore(%arg24 : memref<!tpu.dma_semaphore, #tpu.memory_space<semaphore_mem>>) src(%dma_wait3A_86 : memref<100000x8xi32, #tpu.memory_space<hbm>>) dst(%arg14 : memref<1024x8xi32, #tpu.memory_space<vmem>>)
      %scan3A_87 = arith.constant 0 : i32
      %scan3A_88 = arith.constant 0 : i32
      %scan3A_89 = arith.constant 64 : i32
      %scan3A_90 = arith.addi %scan3A_88, %scan3A_89 : i32
      %scan3A_91 = arith.constant 4 : i32
      scf.for %scan3A_122 = %scan3A_88 to %scan3A_90 step %scan3A_91  : i32 {
        %mul3A_123 = arith.constant 16 : i32
        %mul3A_124 = arith.muli %scan3A_122, %mul3A_123 : i32
        %add3A_125 = vector.broadcast %mul3A_124 : i32 to vector<16xi32>
        %add3A_126 = arith.addi %add3A_125, %iota3A : vector<16xi32>
        %jit3A = arith.constant 32 : i32
        %div3A = arith.divsi %scan3A_122, %jit3A : i32
        %sign3A = arith.constant 0 : i32
        %sign3A_127 = arith.cmpi sgt, %scan3A_122, %sign3A : i32
        %sign3A_128 = arith.extui %sign3A_127 : i1 to i32
        %sign3A_129 = arith.constant 0 : i32
        %sign3A_130 = arith.cmpi slt, %scan3A_122, %sign3A_129 : i32
        %sign3A_131 = arith.extui %sign3A_130 : i1 to i32
        %sign3A_132 = arith.subi %sign3A_128, %sign3A_131 : i32
        %sign3A_133 = arith.constant 0 : i32
        %sign3A_134 = arith.cmpi sgt, %jit3A, %sign3A_133 : i32
        %sign3A_135 = arith.extui %sign3A_134 : i1 to i32
        %sign3A_136 = arith.constant 0 : i32
        %sign3A_137 = arith.cmpi slt, %jit3A, %sign3A_136 : i32
        %sign3A_138 = arith.extui %sign3A_137 : i1 to i32
        %sign3A_139 = arith.subi %sign3A_135, %sign3A_138 : i32
        %ne3A = arith.cmpi ne, %sign3A_132, %sign3A_139 : i32
        %rem3A = arith.remsi %scan3A_122, %jit3A : i32
        %ne3A_140 = arith.constant 0 : i32
        %ne3A_141 = arith.cmpi ne, %rem3A, %ne3A_140 : i32
        %and3A = arith.andi %ne3A, %ne3A_141 : i1
        %sub3A = arith.constant 1 : i32
        %sub3A_142 = arith.subi %div3A, %sub3A : i32
        %select_n3A_143 = arith.select %and3A, %sub3A_142, %div3A : i32
        %mul3A_144 = arith.constant 1536 : i32
        %mul3A_145 = arith.muli %select_n3A_143, %mul3A_144 : i32
        %jit3A_146 = arith.constant 32 : i32
        %eq3A = arith.constant 0 : i32
        %eq3A_147 = arith.cmpi eq, %jit3A_146, %eq3A : i32
        %jit3A_148 = arith.constant 1 : i32
        %select_n3A_149 = arith.select %eq3A_147, %jit3A_148, %jit3A_146 : i32
        %rem3A_150 = arith.remsi %scan3A_122, %select_n3A_149 : i32
        %ne3A_151 = arith.constant 0 : i32
        %ne3A_152 = arith.cmpi ne, %rem3A_150, %ne3A_151 : i32
        %lt3A_153 = arith.constant 0 : i32
        %lt3A_154 = arith.cmpi slt, %rem3A_150, %lt3A_153 : i32
        %lt3A_155 = arith.constant 0 : i32
        %lt3A_156 = arith.cmpi slt, %select_n3A_149, %lt3A_155 : i32
        %ne3A_157 = arith.xori %lt3A_154, %lt3A_156 : i1
        %and3A_158 = arith.andi %ne3A_157, %ne3A_152 : i1
        %add3A_159 = arith.addi %rem3A_150, %select_n3A_149 : i32
        %select_n3A_160 = arith.select %and3A_158, %add3A_159, %rem3A_150 : i32
        %mul3A_161 = arith.constant 16 : i32
        %mul3A_162 = arith.muli %select_n3A_160, %mul3A_161 : i32
        %add3A_163 = arith.addi %mul3A_145, %mul3A_162 : i32
        %gather3A = tpu.vector_load_idx %arg14[%add3A_126, %broadcast_in_dim3A_9] : memref<1024x8xi32, #tpu.memory_space<vmem>>[vector<16xi32>, vector<16xi32>], vector<16xi32>,
        %add3A_164 = arith.constant 0 : i32
        %add3A_165 = arith.addi %add3A_163, %add3A_164 : i32
        %swap3A = arith.index_cast %add3A_165 : i32 to index
        %swap3A_166 = tpu.vector_load %arg16[%swap3A] {strides = array<i32>} : memref<3072xi32, #tpu.memory_space<vmem>>, vector<16xi32>,
        tpu.vector_store %arg16[%swap3A], %gather3A {strides = array<i32>} : memref<3072xi32, #tpu.memory_space<vmem>>, vector<16xi32>,
        %gather3A_167 = tpu.vector_load_idx %arg14[%add3A_126, %broadcast_in_dim3A_11] : memref<1024x8xi32, #tpu.memory_space<vmem>>[vector<16xi32>, vector<16xi32>], vector<16xi32>,
        %add3A_168 = arith.constant 512 : i32
        %add3A_169 = arith.addi %add3A_163, %add3A_168 : i32
        %swap3A_170 = arith.index_cast %add3A_169 : i32 to index
        %swap3A_171 = tpu.vector_load %arg16[%swap3A_170] {strides = array<i32>} : memref<3072xi32, #tpu.memory_space<vmem>>, vector<16xi32>,
        tpu.vector_store %arg16[%swap3A_170], %gather3A_167 {strides = array<i32>} : memref<3072xi32, #tpu.memory_space<vmem>>, vector<16xi32>,
        %gather3A_172 = tpu.vector_load_idx %arg14[%add3A_126, %broadcast_in_dim3A_13] : memref<1024x8xi32, #tpu.memory_space<vmem>>[vector<16xi32>, vector<16xi32>], vector<16xi32>,
        %add3A_173 = arith.constant 1024 : i32
        %add3A_174 = arith.addi %add3A_163, %add3A_173 : i32
        %swap3A_175 = arith.index_cast %add3A_174 : i32 to index
        %swap3A_176 = tpu.vector_load %arg16[%swap3A_175] {strides = array<i32>} : memref<3072xi32, #tpu.memory_space<vmem>>, vector<16xi32>,
        tpu.vector_store %arg16[%swap3A_175], %gather3A_172 {strides = array<i32>} : memref<3072xi32, #tpu.memory_space<vmem>>, vector<16xi32>,
        %scan3A_177 = arith.constant 1 : i32
        %scan3A_178 = arith.addi %scan3A_122, %scan3A_177 : i32
        %mul3A_179 = arith.constant 16 : i32
        %mul3A_180 = arith.muli %scan3A_178, %mul3A_179 : i32
        %add3A_181 = vector.broadcast %mul3A_180 : i32 to vector<16xi32>
        %add3A_182 = arith.addi %add3A_181, %iota3A : vector<16xi32>
        %jit3A_183 = arith.constant 32 : i32
        %div3A_184 = arith.divsi %scan3A_178, %jit3A_183 : i32
        %sign3A_185 = arith.constant 0 : i32
        %sign3A_186 = arith.cmpi sgt, %scan3A_178, %sign3A_185 : i32
        %sign3A_187 = arith.extui %sign3A_186 : i1 to i32
        %sign3A_188 = arith.constant 0 : i32
        %sign3A_189 = arith.cmpi slt, %scan3A_178, %sign3A_188 : i32
        %sign3A_190 = arith.extui %sign3A_189 : i1 to i32
        %sign3A_191 = arith.subi %sign3A_187, %sign3A_190 : i32
        %sign3A_192 = arith.constant 0 : i32
        %sign3A_193 = arith.cmpi sgt, %jit3A_183, %sign3A_192 : i32
        %sign3A_194 = arith.extui %sign3A_193 : i1 to i32
        %sign3A_195 = arith.constant 0 : i32
        %sign3A_196 = arith.cmpi slt, %jit3A_183, %sign3A_195 : i32
        %sign3A_197 = arith.extui %sign3A_196 : i1 to i32
        %sign3A_198 = arith.subi %sign3A_194, %sign3A_197 : i32
        %ne3A_199 = arith.cmpi ne, %sign3A_191, %sign3A_198 : i32
        %rem3A_200 = arith.remsi %scan3A_178, %jit3A_183 : i32
        %ne3A_201 = arith.constant 0 : i32
        %ne3A_202 = arith.cmpi ne, %rem3A_200, %ne3A_201 : i32
        %and3A_203 = arith.andi %ne3A_199, %ne3A_202 : i1
        %sub3A_204 = arith.constant 1 : i32
        %sub3A_205 = arith.subi %div3A_184, %sub3A_204 : i32
        %select_n3A_206 = arith.select %and3A_203, %sub3A_205, %div3A_184 : i32
        %mul3A_207 = arith.constant 1536 : i32
        %mul3A_208 = arith.muli %select_n3A_206, %mul3A_207 : i32
        %jit3A_209 = arith.constant 32 : i32
        %eq3A_210 = arith.constant 0 : i32
        %eq3A_211 = arith.cmpi eq, %jit3A_209, %eq3A_210 : i32
        %jit3A_212 = arith.constant 1 : i32
        %select_n3A_213 = arith.select %eq3A_211, %jit3A_212, %jit3A_209 : i32
        %rem3A_214 = arith.remsi %scan3A_178, %select_n3A_213 : i32
        %ne3A_215 = arith.constant 0 : i32
        %ne3A_216 = arith.cmpi ne, %rem3A_214, %ne3A_215 : i32
        %lt3A_217 = arith.constant 0 : i32
        %lt3A_218 = arith.cmpi slt, %rem3A_214, %lt3A_217 : i32
        %lt3A_219 = arith.constant 0 : i32
        %lt3A_220 = arith.cmpi slt, %select_n3A_213, %lt3A_219 : i32
        %ne3A_221 = arith.xori %lt3A_218, %lt3A_220 : i1
        %and3A_222 = arith.andi %ne3A_221, %ne3A_216 : i1
        %add3A_223 = arith.addi %rem3A_214, %select_n3A_213 : i32
        %select_n3A_224 = arith.select %and3A_222, %add3A_223, %rem3A_214 : i32
        %mul3A_225 = arith.constant 16 : i32
        %mul3A_226 = arith.muli %select_n3A_224, %mul3A_225 : i32
        %add3A_227 = arith.addi %mul3A_208, %mul3A_226 : i32
        %gather3A_228 = tpu.vector_load_idx %arg14[%add3A_182, %broadcast_in_dim3A_9] : memref<1024x8xi32, #tpu.memory_space<vmem>>[vector<16xi32>, vector<16xi32>], vector<16xi32>,
        %add3A_229 = arith.constant 0 : i32
        %add3A_230 = arith.addi %add3A_227, %add3A_229 : i32
        %swap3A_231 = arith.index_cast %add3A_230 : i32 to index
        %swap3A_232 = tpu.vector_load %arg16[%swap3A_231] {strides = array<i32>} : memref<3072xi32, #tpu.memory_space<vmem>>, vector<16xi32>,
        tpu.vector_store %arg16[%swap3A_231], %gather3A_228 {strides = array<i32>} : memref<3072xi32, #tpu.memory_space<vmem>>, vector<16xi32>,
        %gather3A_233 = tpu.vector_load_idx %arg14[%add3A_182, %broadcast_in_dim3A_11] : memref<1024x8xi32, #tpu.memory_space<vmem>>[vector<16xi32>, vector<16xi32>], vector<16xi32>,
        %add3A_234 = arith.constant 512 : i32
        %add3A_235 = arith.addi %add3A_227, %add3A_234 : i32
        %swap3A_236 = arith.index_cast %add3A_235 : i32 to index
        %swap3A_237 = tpu.vector_load %arg16[%swap3A_236] {strides = array<i32>} : memref<3072xi32, #tpu.memory_space<vmem>>, vector<16xi32>,
        tpu.vector_store %arg16[%swap3A_236], %gather3A_233 {strides = array<i32>} : memref<3072xi32, #tpu.memory_space<vmem>>, vector<16xi32>,
        %gather3A_238 = tpu.vector_load_idx %arg14[%add3A_182, %broadcast_in_dim3A_13] : memref<1024x8xi32, #tpu.memory_space<vmem>>[vector<16xi32>, vector<16xi32>], vector<16xi32>,
        %add3A_239 = arith.constant 1024 : i32
        %add3A_240 = arith.addi %add3A_227, %add3A_239 : i32
        %swap3A_241 = arith.index_cast %add3A_240 : i32 to index
        %swap3A_242 = tpu.vector_load %arg16[%swap3A_241] {strides = array<i32>} : memref<3072xi32, #tpu.memory_space<vmem>>, vector<16xi32>,
        tpu.vector_store %arg16[%swap3A_241], %gather3A_238 {strides = array<i32>} : memref<3072xi32, #tpu.memory_space<vmem>>, vector<16xi32>,
        %scan3A_243 = arith.constant 2 : i32
        %scan3A_244 = arith.addi %scan3A_122, %scan3A_243 : i32
        %mul3A_245 = arith.constant 16 : i32
        %mul3A_246 = arith.muli %scan3A_244, %mul3A_245 : i32
        %add3A_247 = vector.broadcast %mul3A_246 : i32 to vector<16xi32>
        %add3A_248 = arith.addi %add3A_247, %iota3A : vector<16xi32>
        %jit3A_249 = arith.constant 32 : i32
        %div3A_250 = arith.divsi %scan3A_244, %jit3A_249 : i32
        %sign3A_251 = arith.constant 0 : i32
        %sign3A_252 = arith.cmpi sgt, %scan3A_244, %sign3A_251 : i32
        %sign3A_253 = arith.extui %sign3A_252 : i1 to i32
        %sign3A_254 = arith.constant 0 : i32
        %sign3A_255 = arith.cmpi slt, %scan3A_244, %sign3A_254 : i32
        %sign3A_256 = arith.extui %sign3A_255 : i1 to i32
        %sign3A_257 = arith.subi %sign3A_253, %sign3A_256 : i32
        %sign3A_258 = arith.constant 0 : i32
        %sign3A_259 = arith.cmpi sgt, %jit3A_249, %sign3A_258 : i32
        %sign3A_260 = arith.extui %sign3A_259 : i1 to i32
        %sign3A_261 = arith.constant 0 : i32
        %sign3A_262 = arith.cmpi slt, %jit3A_249, %sign3A_261 : i32
        %sign3A_263 = arith.extui %sign3A_262 : i1 to i32
        %sign3A_264 = arith.subi %sign3A_260, %sign3A_263 : i32
        %ne3A_265 = arith.cmpi ne, %sign3A_257, %sign3A_264 : i32
        %rem3A_266 = arith.remsi %scan3A_244, %jit3A_249 : i32
        %ne3A_267 = arith.constant 0 : i32
        %ne3A_268 = arith.cmpi ne, %rem3A_266, %ne3A_267 : i32
        %and3A_269 = arith.andi %ne3A_265, %ne3A_268 : i1
        %sub3A_270 = arith.constant 1 : i32
        %sub3A_271 = arith.subi %div3A_250, %sub3A_270 : i32
        %select_n3A_272 = arith.select %and3A_269, %sub3A_271, %div3A_250 : i32
        %mul3A_273 = arith.constant 1536 : i32
        %mul3A_274 = arith.muli %select_n3A_272, %mul3A_273 : i32
        %jit3A_275 = arith.constant 32 : i32
        %eq3A_276 = arith.constant 0 : i32
        %eq3A_277 = arith.cmpi eq, %jit3A_275, %eq3A_276 : i32
        %jit3A_278 = arith.constant 1 : i32
        %select_n3A_279 = arith.select %eq3A_277, %jit3A_278, %jit3A_275 : i32
        %rem3A_280 = arith.remsi %scan3A_244, %select_n3A_279 : i32
        %ne3A_281 = arith.constant 0 : i32
        %ne3A_282 = arith.cmpi ne, %rem3A_280, %ne3A_281 : i32
        %lt3A_283 = arith.constant 0 : i32
        %lt3A_284 = arith.cmpi slt, %rem3A_280, %lt3A_283 : i32
        %lt3A_285 = arith.constant 0 : i32
        %lt3A_286 = arith.cmpi slt, %select_n3A_279, %lt3A_285 : i32
        %ne3A_287 = arith.xori %lt3A_284, %lt3A_286 : i1
        %and3A_288 = arith.andi %ne3A_287, %ne3A_282 : i1
        %add3A_289 = arith.addi %rem3A_280, %select_n3A_279 : i32
        %select_n3A_290 = arith.select %and3A_288, %add3A_289, %rem3A_280 : i32
        %mul3A_291 = arith.constant 16 : i32
        %mul3A_292 = arith.muli %select_n3A_290, %mul3A_291 : i32
        %add3A_293 = arith.addi %mul3A_274, %mul3A_292 : i32
        %gather3A_294 = tpu.vector_load_idx %arg14[%add3A_248, %broadcast_in_dim3A_9] : memref<1024x8xi32, #tpu.memory_space<vmem>>[vector<16xi32>, vector<16xi32>], vector<16xi32>,
        %add3A_295 = arith.constant 0 : i32
        %add3A_296 = arith.addi %add3A_293, %add3A_295 : i32
        %swap3A_297 = arith.index_cast %add3A_296 : i32 to index
        %swap3A_298 = tpu.vector_load %arg16[%swap3A_297] {strides = array<i32>} : memref<3072xi32, #tpu.memory_space<vmem>>, vector<16xi32>,
        tpu.vector_store %arg16[%swap3A_297], %gather3A_294 {strides = array<i32>} : memref<3072xi32, #tpu.memory_space<vmem>>, vector<16xi32>,
        %gather3A_299 = tpu.vector_load_idx %arg14[%add3A_248, %broadcast_in_dim3A_11] : memref<1024x8xi32, #tpu.memory_space<vmem>>[vector<16xi32>, vector<16xi32>], vector<16xi32>,
        %add3A_300 = arith.constant 512 : i32
        %add3A_301 = arith.addi %add3A_293, %add3A_300 : i32
        %swap3A_302 = arith.index_cast %add3A_301 : i32 to index
        %swap3A_303 = tpu.vector_load %arg16[%swap3A_302] {strides = array<i32>} : memref<3072xi32, #tpu.memory_space<vmem>>, vector<16xi32>,
        tpu.vector_store %arg16[%swap3A_302], %gather3A_299 {strides = array<i32>} : memref<3072xi32, #tpu.memory_space<vmem>>, vector<16xi32>,
        %gather3A_304 = tpu.vector_load_idx %arg14[%add3A_248, %broadcast_in_dim3A_13] : memref<1024x8xi32, #tpu.memory_space<vmem>>[vector<16xi32>, vector<16xi32>], vector<16xi32>,
        %add3A_305 = arith.constant 1024 : i32
        %add3A_306 = arith.addi %add3A_293, %add3A_305 : i32
        %swap3A_307 = arith.index_cast %add3A_306 : i32 to index
        %swap3A_308 = tpu.vector_load %arg16[%swap3A_307] {strides = array<i32>} : memref<3072xi32, #tpu.memory_space<vmem>>, vector<16xi32>,
        tpu.vector_store %arg16[%swap3A_307], %gather3A_304 {strides = array<i32>} : memref<3072xi32, #tpu.memory_space<vmem>>, vector<16xi32>,
        %scan3A_309 = arith.constant 3 : i32
        %scan3A_310 = arith.addi %scan3A_122, %scan3A_309 : i32
        %mul3A_311 = arith.constant 16 : i32
        %mul3A_312 = arith.muli %scan3A_310, %mul3A_311 : i32
        %add3A_313 = vector.broadcast %mul3A_312 : i32 to vector<16xi32>
        %add3A_314 = arith.addi %add3A_313, %iota3A : vector<16xi32>
        %jit3A_315 = arith.constant 32 : i32
        %div3A_316 = arith.divsi %scan3A_310, %jit3A_315 : i32
        %sign3A_317 = arith.constant 0 : i32
        %sign3A_318 = arith.cmpi sgt, %scan3A_310, %sign3A_317 : i32
        %sign3A_319 = arith.extui %sign3A_318 : i1 to i32
        %sign3A_320 = arith.constant 0 : i32
        %sign3A_321 = arith.cmpi slt, %scan3A_310, %sign3A_320 : i32
        %sign3A_322 = arith.extui %sign3A_321 : i1 to i32
        %sign3A_323 = arith.subi %sign3A_319, %sign3A_322 : i32
        %sign3A_324 = arith.constant 0 : i32
        %sign3A_325 = arith.cmpi sgt, %jit3A_315, %sign3A_324 : i32
        %sign3A_326 = arith.extui %sign3A_325 : i1 to i32
        %sign3A_327 = arith.constant 0 : i32
        %sign3A_328 = arith.cmpi slt, %jit3A_315, %sign3A_327 : i32
        %sign3A_329 = arith.extui %sign3A_328 : i1 to i32
        %sign3A_330 = arith.subi %sign3A_326, %sign3A_329 : i32
        %ne3A_331 = arith.cmpi ne, %sign3A_323, %sign3A_330 : i32
        %rem3A_332 = arith.remsi %scan3A_310, %jit3A_315 : i32
        %ne3A_333 = arith.constant 0 : i32
        %ne3A_334 = arith.cmpi ne, %rem3A_332, %ne3A_333 : i32
        %and3A_335 = arith.andi %ne3A_331, %ne3A_334 : i1
        %sub3A_336 = arith.constant 1 : i32
        %sub3A_337 = arith.subi %div3A_316, %sub3A_336 : i32
        %select_n3A_338 = arith.select %and3A_335, %sub3A_337, %div3A_316 : i32
        %mul3A_339 = arith.constant 1536 : i32
        %mul3A_340 = arith.muli %select_n3A_338, %mul3A_339 : i32
        %jit3A_341 = arith.constant 32 : i32
        %eq3A_342 = arith.constant 0 : i32
        %eq3A_343 = arith.cmpi eq, %jit3A_341, %eq3A_342 : i32
        %jit3A_344 = arith.constant 1 : i32
        %select_n3A_345 = arith.select %eq3A_343, %jit3A_344, %jit3A_341 : i32
        %rem3A_346 = arith.remsi %scan3A_310, %select_n3A_345 : i32
        %ne3A_347 = arith.constant 0 : i32
        %ne3A_348 = arith.cmpi ne, %rem3A_346, %ne3A_347 : i32
        %lt3A_349 = arith.constant 0 : i32
        %lt3A_350 = arith.cmpi slt, %rem3A_346, %lt3A_349 : i32
        %lt3A_351 = arith.constant 0 : i32
        %lt3A_352 = arith.cmpi slt, %select_n3A_345, %lt3A_351 : i32
        %ne3A_353 = arith.xori %lt3A_350, %lt3A_352 : i1
        %and3A_354 = arith.andi %ne3A_353, %ne3A_348 : i1
        %add3A_355 = arith.addi %rem3A_346, %select_n3A_345 : i32
        %select_n3A_356 = arith.select %and3A_354, %add3A_355, %rem3A_346 : i32
        %mul3A_357 = arith.constant 16 : i32
        %mul3A_358 = arith.muli %select_n3A_356, %mul3A_357 : i32
        %add3A_359 = arith.addi %mul3A_340, %mul3A_358 : i32
        %gather3A_360 = tpu.vector_load_idx %arg14[%add3A_314, %broadcast_in_dim3A_9] : memref<1024x8xi32, #tpu.memory_space<vmem>>[vector<16xi32>, vector<16xi32>], vector<16xi32>,
        %add3A_361 = arith.constant 0 : i32
        %add3A_362 = arith.addi %add3A_359, %add3A_361 : i32
        %swap3A_363 = arith.index_cast %add3A_362 : i32 to index
        %swap3A_364 = tpu.vector_load %arg16[%swap3A_363] {strides = array<i32>} : memref<3072xi32, #tpu.memory_space<vmem>>, vector<16xi32>,
        tpu.vector_store %arg16[%swap3A_363], %gather3A_360 {strides = array<i32>} : memref<3072xi32, #tpu.memory_space<vmem>>, vector<16xi32>,
        %gather3A_365 = tpu.vector_load_idx %arg14[%add3A_314, %broadcast_in_dim3A_11] : memref<1024x8xi32, #tpu.memory_space<vmem>>[vector<16xi32>, vector<16xi32>], vector<16xi32>,
        %add3A_366 = arith.constant 512 : i32
        %add3A_367 = arith.addi %add3A_359, %add3A_366 : i32
        %swap3A_368 = arith.index_cast %add3A_367 : i32 to index
        %swap3A_369 = tpu.vector_load %arg16[%swap3A_368] {strides = array<i32>} : memref<3072xi32, #tpu.memory_space<vmem>>, vector<16xi32>,
        tpu.vector_store %arg16[%swap3A_368], %gather3A_365 {strides = array<i32>} : memref<3072xi32, #tpu.memory_space<vmem>>, vector<16xi32>,
        %gather3A_370 = tpu.vector_load_idx %arg14[%add3A_314, %broadcast_in_dim3A_13] : memref<1024x8xi32, #tpu.memory_space<vmem>>[vector<16xi32>, vector<16xi32>], vector<16xi32>,
        %add3A_371 = arith.constant 1024 : i32
        %add3A_372 = arith.addi %add3A_359, %add3A_371 : i32
        %swap3A_373 = arith.index_cast %add3A_372 : i32 to index
        %swap3A_374 = tpu.vector_load %arg16[%swap3A_373] {strides = array<i32>} : memref<3072xi32, #tpu.memory_space<vmem>>, vector<16xi32>,
        tpu.vector_store %arg16[%swap3A_373], %gather3A_370 {strides = array<i32>} : memref<3072xi32, #tpu.memory_space<vmem>>, vector<16xi32>,
      }
      %scan3A_92 = arith.constant 64 : i32
      %dma_start3A_93 = arith.constant 0 : i32
      %dma_start3A_94 = arith.constant 0 : i32
      %dma_start3A_95 = tpu.memref_slice %arg5[%dma_start3A_93, %dma_start3A_94] : memref<50000x8xf32, #tpu.memory_space<hbm>> -> memref<50000x8xf32, #tpu.memory_space<hbm>>
      tpu.enqueue_indirect_dma source(%dma_start3A_95 : memref<50000x8xf32, #tpu.memory_space<hbm>>) target(%arg18 : memref<3072x8xf32, #tpu.memory_space<vmem>>) offsets(%arg16 : memref<3072xi32, #tpu.memory_space<vmem>>) semaphore(%arg28 : memref<!tpu.dma_semaphore, #tpu.memory_space<semaphore_mem>>)
      %mul3A_96 = arith.constant 3 : i32
      %mul3A_97 = arith.muli %mul3A_96, %add3A_41 : i32
      "tpu.region"() ({
        %run_scoped3A = tpu.sem_alloc : memref<!tpu.dma_semaphore, #tpu.memory_space<semaphore_mem>>
        %dma_start3A_122 = tpu.memref_slice %arg7[%mul3A_97] : memref<3145728xi32, #tpu.memory_space<hbm>> -> memref<3072xi32, #tpu.memory_space<hbm>>
        %dma_start3A_123 = tpu.memref_slice %arg7[%mul3A_97] : memref<3145728xi32, #tpu.memory_space<hbm>> -> memref<3072xi32, #tpu.memory_space<hbm>>
        tpu.enqueue_dma source(%arg16 : memref<3072xi32, #tpu.memory_space<vmem>>) target(%dma_start3A_123 : memref<3072xi32, #tpu.memory_space<hbm>>) target_semaphore(%run_scoped3A : memref<!tpu.dma_semaphore, #tpu.memory_space<semaphore_mem>>)
        %dma_wait3A_124 = tpu.memref_slice %arg7[%mul3A_97] : memref<3145728xi32, #tpu.memory_space<hbm>> -> memref<3072xi32, #tpu.memory_space<hbm>>
        %dma_wait3A_125 = tpu.memref_slice %arg7[%mul3A_97] : memref<3145728xi32, #tpu.memory_space<hbm>> -> memref<3072xi32, #tpu.memory_space<hbm>>
        tpu.wait_dma2 semaphore(%run_scoped3A : memref<!tpu.dma_semaphore, #tpu.memory_space<semaphore_mem>>) src(%arg16 : memref<3072xi32, #tpu.memory_space<vmem>>) dst(%dma_wait3A_125 : memref<3072xi32, #tpu.memory_space<hbm>>)
        tpu.yield
      }) : () -> ()
      %mul3A_98 = arith.constant 3 : i32
      %mul3A_99 = arith.muli %mul3A_98, %add3A_41 : i32
      %dma_wait3A_100 = tpu.memref_slice %arg3[%mul3A_99] : memref<3145728xf32, #tpu.memory_space<hbm>> -> memref<3072xf32, #tpu.memory_space<hbm>>
      %dma_wait3A_101 = tpu.memref_slice %arg3[%mul3A_99] : memref<3145728xf32, #tpu.memory_space<hbm>> -> memref<3072xf32, #tpu.memory_space<hbm>>
      tpu.wait_dma2 semaphore(%arg26 : memref<!tpu.dma_semaphore, #tpu.memory_space<semaphore_mem>>) src(%dma_wait3A_101 : memref<3072xf32, #tpu.memory_space<hbm>>) dst(%arg12 : memref<3072xf32, #tpu.memory_space<vmem>>)
      %mul3A_102 = arith.constant 3 : i32
      %mul3A_103 = arith.muli %mul3A_102, %add3A_41 : i32
      "tpu.region"() ({
        %run_scoped3A = tpu.sem_alloc : memref<!tpu.dma_semaphore, #tpu.memory_space<semaphore_mem>>
        %dma_start3A_122 = tpu.memref_slice %arg8[%mul3A_103] : memref<3145728xf32, #tpu.memory_space<hbm>> -> memref<3072xf32, #tpu.memory_space<hbm>>
        %dma_start3A_123 = tpu.memref_slice %arg8[%mul3A_103] : memref<3145728xf32, #tpu.memory_space<hbm>> -> memref<3072xf32, #tpu.memory_space<hbm>>
        tpu.enqueue_dma source(%arg12 : memref<3072xf32, #tpu.memory_space<vmem>>) target(%dma_start3A_123 : memref<3072xf32, #tpu.memory_space<hbm>>) target_semaphore(%run_scoped3A : memref<!tpu.dma_semaphore, #tpu.memory_space<semaphore_mem>>)
        %dma_wait3A_124 = tpu.memref_slice %arg8[%mul3A_103] : memref<3145728xf32, #tpu.memory_space<hbm>> -> memref<3072xf32, #tpu.memory_space<hbm>>
        %dma_wait3A_125 = tpu.memref_slice %arg8[%mul3A_103] : memref<3145728xf32, #tpu.memory_space<hbm>> -> memref<3072xf32, #tpu.memory_space<hbm>>
        tpu.wait_dma2 semaphore(%run_scoped3A : memref<!tpu.dma_semaphore, #tpu.memory_space<semaphore_mem>>) src(%arg12 : memref<3072xf32, #tpu.memory_space<vmem>>) dst(%dma_wait3A_125 : memref<3072xf32, #tpu.memory_space<hbm>>)
        tpu.yield
      }) : () -> ()
      %dma_wait3A_104 = arith.constant 0 : i32
      %dma_wait3A_105 = arith.constant 0 : i32
      %dma_wait3A_106 = tpu.memref_slice %arg5[%dma_wait3A_104, %dma_wait3A_105] : memref<50000x8xf32, #tpu.memory_space<hbm>> -> memref<50000x8xf32, #tpu.memory_space<hbm>>
      tpu.wait_indirect_dma semaphore(%arg27 : memref<!tpu.dma_semaphore, #tpu.memory_space<semaphore_mem>>) src(%dma_wait3A_106 : memref<50000x8xf32, #tpu.memory_space<hbm>>) dst(%arg17 : memref<3072x8xf32, #tpu.memory_space<vmem>>)
      %scan3A_107 = arith.constant 0 : i32
      %scan3A_108 = arith.constant 0 : i32
      %scan3A_109 = arith.constant 64 : i32
      %scan3A_110 = arith.addi %scan3A_108, %scan3A_109 : i32
      %scan3A_111 = arith.constant 4 : i32
      scf.for %scan3A_122 = %scan3A_108 to %scan3A_110 step %scan3A_111  : i32 {
        %jit3A = arith.constant 32 : i32
        %div3A = arith.divsi %scan3A_122, %jit3A : i32
        %sign3A = arith.constant 0 : i32
        %sign3A_123 = arith.cmpi sgt, %scan3A_122, %sign3A : i32
        %sign3A_124 = arith.extui %sign3A_123 : i1 to i32
        %sign3A_125 = arith.constant 0 : i32
        %sign3A_126 = arith.cmpi slt, %scan3A_122, %sign3A_125 : i32
        %sign3A_127 = arith.extui %sign3A_126 : i1 to i32
        %sign3A_128 = arith.subi %sign3A_124, %sign3A_127 : i32
        %sign3A_129 = arith.constant 0 : i32
        %sign3A_130 = arith.cmpi sgt, %jit3A, %sign3A_129 : i32
        %sign3A_131 = arith.extui %sign3A_130 : i1 to i32
        %sign3A_132 = arith.constant 0 : i32
        %sign3A_133 = arith.cmpi slt, %jit3A, %sign3A_132 : i32
        %sign3A_134 = arith.extui %sign3A_133 : i1 to i32
        %sign3A_135 = arith.subi %sign3A_131, %sign3A_134 : i32
        %ne3A = arith.cmpi ne, %sign3A_128, %sign3A_135 : i32
        %rem3A = arith.remsi %scan3A_122, %jit3A : i32
        %ne3A_136 = arith.constant 0 : i32
        %ne3A_137 = arith.cmpi ne, %rem3A, %ne3A_136 : i32
        %and3A = arith.andi %ne3A, %ne3A_137 : i1
        %sub3A = arith.constant 1 : i32
        %sub3A_138 = arith.subi %div3A, %sub3A : i32
        %select_n3A_139 = arith.select %and3A, %sub3A_138, %div3A : i32
        %jit3A_140 = arith.constant 32 : i32
        %eq3A = arith.constant 0 : i32
        %eq3A_141 = arith.cmpi eq, %jit3A_140, %eq3A : i32
        %jit3A_142 = arith.constant 1 : i32
        %select_n3A_143 = arith.select %eq3A_141, %jit3A_142, %jit3A_140 : i32
        %rem3A_144 = arith.remsi %scan3A_122, %select_n3A_143 : i32
        %ne3A_145 = arith.constant 0 : i32
        %ne3A_146 = arith.cmpi ne, %rem3A_144, %ne3A_145 : i32
        %lt3A_147 = arith.constant 0 : i32
        %lt3A_148 = arith.cmpi slt, %rem3A_144, %lt3A_147 : i32
        %lt3A_149 = arith.constant 0 : i32
        %lt3A_150 = arith.cmpi slt, %select_n3A_143, %lt3A_149 : i32
        %ne3A_151 = arith.xori %lt3A_148, %lt3A_150 : i1
        %and3A_152 = arith.andi %ne3A_151, %ne3A_146 : i1
        %add3A_153 = arith.addi %rem3A_144, %select_n3A_143 : i32
        %select_n3A_154 = arith.select %and3A_152, %add3A_153, %rem3A_144 : i32
        %mul3A_155 = arith.constant 16 : i32
        %mul3A_156 = arith.muli %select_n3A_154, %mul3A_155 : i32
        %mul3A_157 = arith.constant 1536 : i32
        %mul3A_158 = arith.muli %select_n3A_139, %mul3A_157 : i32
        %add3A_159 = arith.addi %mul3A_158, %mul3A_156 : i32
        %mul3A_160 = arith.constant 2048 : i32
        %mul3A_161 = arith.muli %select_n3A_139, %mul3A_160 : i32
        %add3A_162 = arith.addi %mul3A_161, %mul3A_156 : i32
        %add3A_163 = vector.broadcast %add3A_159 : i32 to vector<16xi32>
        %add3A_164 = arith.addi %add3A_163, %iota3A : vector<16xi32>
        %mul3A_165 = arith.constant 16 : i32
        %mul3A_166 = arith.muli %scan3A_122, %mul3A_165 : i32
        %get3A = arith.index_cast %mul3A_166 : i32 to index
        %get3A_167 = tpu.vector_load %arg9[%get3A] {strides = array<i32>} : memref<1024xi32, #tpu.memory_space<vmem>>, vector<16xi32>,
        %ne3A_168 = arith.cmpi ne, %get3A_167, %broadcast_in_dim3A_7 : vector<16xi32>
        %select_n3A_169 = arith.select %ne3A_168, %broadcast_in_dim3A_3, %broadcast_in_dim3A_5 : vector<16xi1>, vector<16xf32>
        %get3A_170 = arith.index_cast %add3A_159 : i32 to index
        %get3A_171 = tpu.vector_load %arg11[%get3A_170] {strides = array<i32>} : memref<3072xf32, #tpu.memory_space<vmem>>, vector<16xf32>,
        %add3A_172 = arith.constant 512 : i32
        %add3A_173 = arith.addi %add3A_159, %add3A_172 : i32
        %get3A_174 = arith.index_cast %add3A_173 : i32 to index
        %get3A_175 = tpu.vector_load %arg11[%get3A_174] {strides = array<i32>} : memref<3072xf32, #tpu.memory_space<vmem>>, vector<16xf32>,
        %add3A_176 = arith.constant 1024 : i32
        %add3A_177 = arith.addi %add3A_159, %add3A_176 : i32
        %get3A_178 = arith.index_cast %add3A_177 : i32 to index
        %get3A_179 = tpu.vector_load %arg11[%get3A_178] {strides = array<i32>} : memref<3072xf32, #tpu.memory_space<vmem>>, vector<16xf32>,
        %gather3A = tpu.vector_load_idx %arg17[%add3A_164, %broadcast_in_dim3A_9] : memref<3072x8xf32, #tpu.memory_space<vmem>>[vector<16xi32>, vector<16xi32>], vector<16xf32>,
        %add3A_180 = arith.constant 512 : i32
        %add3A_181 = vector.broadcast %add3A_180 : i32 to vector<16xi32>
        %add3A_182 = arith.addi %add3A_164, %add3A_181 : vector<16xi32>
        %gather3A_183 = tpu.vector_load_idx %arg17[%add3A_182, %broadcast_in_dim3A_9] : memref<3072x8xf32, #tpu.memory_space<vmem>>[vector<16xi32>, vector<16xi32>], vector<16xf32>,
        %add3A_184 = arith.constant 1024 : i32
        %add3A_185 = vector.broadcast %add3A_184 : i32 to vector<16xi32>
        %add3A_186 = arith.addi %add3A_164, %add3A_185 : vector<16xi32>
        %gather3A_187 = tpu.vector_load_idx %arg17[%add3A_186, %broadcast_in_dim3A_9] : memref<3072x8xf32, #tpu.memory_space<vmem>>[vector<16xi32>, vector<16xi32>], vector<16xf32>,
        %mul3A_188 = arith.mulf %get3A_171, %gather3A : vector<16xf32>
        %mul3A_189 = arith.mulf %get3A_175, %gather3A_183 : vector<16xf32>
        %add3A_190 = arith.addf %mul3A_188, %mul3A_189 : vector<16xf32>
        %mul3A_191 = arith.mulf %get3A_179, %gather3A_187 : vector<16xf32>
        %add3A_192 = arith.addf %add3A_190, %mul3A_191 : vector<16xf32>
        %add3A_193 = arith.constant 0 : i32
        %add3A_194 = arith.addi %add3A_162, %add3A_193 : i32
        %swap3A = arith.index_cast %add3A_194 : i32 to index
        %swap3A_195 = tpu.vector_load %arg19[%swap3A] {strides = array<i32>} : memref<4096xf32, #tpu.memory_space<vmem>>, vector<16xf32>,
        tpu.vector_store %arg19[%swap3A], %add3A_192 {strides = array<i32>} : memref<4096xf32, #tpu.memory_space<vmem>>, vector<16xf32>,
        %gather3A_196 = tpu.vector_load_idx %arg17[%add3A_164, %broadcast_in_dim3A_11] : memref<3072x8xf32, #tpu.memory_space<vmem>>[vector<16xi32>, vector<16xi32>], vector<16xf32>,
        %add3A_197 = arith.constant 512 : i32
        %add3A_198 = vector.broadcast %add3A_197 : i32 to vector<16xi32>
        %add3A_199 = arith.addi %add3A_164, %add3A_198 : vector<16xi32>
        %gather3A_200 = tpu.vector_load_idx %arg17[%add3A_199, %broadcast_in_dim3A_11] : memref<3072x8xf32, #tpu.memory_space<vmem>>[vector<16xi32>, vector<16xi32>], vector<16xf32>,
        %add3A_201 = arith.constant 1024 : i32
        %add3A_202 = vector.broadcast %add3A_201 : i32 to vector<16xi32>
        %add3A_203 = arith.addi %add3A_164, %add3A_202 : vector<16xi32>
        %gather3A_204 = tpu.vector_load_idx %arg17[%add3A_203, %broadcast_in_dim3A_11] : memref<3072x8xf32, #tpu.memory_space<vmem>>[vector<16xi32>, vector<16xi32>], vector<16xf32>,
        %mul3A_205 = arith.mulf %get3A_171, %gather3A_196 : vector<16xf32>
        %mul3A_206 = arith.mulf %get3A_175, %gather3A_200 : vector<16xf32>
        %add3A_207 = arith.addf %mul3A_205, %mul3A_206 : vector<16xf32>
        %mul3A_208 = arith.mulf %get3A_179, %gather3A_204 : vector<16xf32>
        %add3A_209 = arith.addf %add3A_207, %mul3A_208 : vector<16xf32>
        %add3A_210 = arith.constant 512 : i32
        %add3A_211 = arith.addi %add3A_162, %add3A_210 : i32
        %swap3A_212 = arith.index_cast %add3A_211 : i32 to index
        %swap3A_213 = tpu.vector_load %arg19[%swap3A_212] {strides = array<i32>} : memref<4096xf32, #tpu.memory_space<vmem>>, vector<16xf32>,
        tpu.vector_store %arg19[%swap3A_212], %add3A_209 {strides = array<i32>} : memref<4096xf32, #tpu.memory_space<vmem>>, vector<16xf32>,
        %gather3A_214 = tpu.vector_load_idx %arg17[%add3A_164, %broadcast_in_dim3A_13] : memref<3072x8xf32, #tpu.memory_space<vmem>>[vector<16xi32>, vector<16xi32>], vector<16xf32>,
        %add3A_215 = arith.constant 512 : i32
        %add3A_216 = vector.broadcast %add3A_215 : i32 to vector<16xi32>
        %add3A_217 = arith.addi %add3A_164, %add3A_216 : vector<16xi32>
        %gather3A_218 = tpu.vector_load_idx %arg17[%add3A_217, %broadcast_in_dim3A_13] : memref<3072x8xf32, #tpu.memory_space<vmem>>[vector<16xi32>, vector<16xi32>], vector<16xf32>,
        %add3A_219 = arith.constant 1024 : i32
        %add3A_220 = vector.broadcast %add3A_219 : i32 to vector<16xi32>
        %add3A_221 = arith.addi %add3A_164, %add3A_220 : vector<16xi32>
        %gather3A_222 = tpu.vector_load_idx %arg17[%add3A_221, %broadcast_in_dim3A_13] : memref<3072x8xf32, #tpu.memory_space<vmem>>[vector<16xi32>, vector<16xi32>], vector<16xf32>,
        %mul3A_223 = arith.mulf %get3A_171, %gather3A_214 : vector<16xf32>
        %mul3A_224 = arith.mulf %get3A_175, %gather3A_218 : vector<16xf32>
        %add3A_225 = arith.addf %mul3A_223, %mul3A_224 : vector<16xf32>
        %mul3A_226 = arith.mulf %get3A_179, %gather3A_222 : vector<16xf32>
        %add3A_227 = arith.addf %add3A_225, %mul3A_226 : vector<16xf32>
        %add3A_228 = arith.constant 1024 : i32
        %add3A_229 = arith.addi %add3A_162, %add3A_228 : i32
        %swap3A_230 = arith.index_cast %add3A_229 : i32 to index
        %swap3A_231 = tpu.vector_load %arg19[%swap3A_230] {strides = array<i32>} : memref<4096xf32, #tpu.memory_space<vmem>>, vector<16xf32>,
        tpu.vector_store %arg19[%swap3A_230], %add3A_227 {strides = array<i32>} : memref<4096xf32, #tpu.memory_space<vmem>>, vector<16xf32>,
        %add3A_232 = arith.constant 1536 : i32
        %add3A_233 = arith.addi %add3A_162, %add3A_232 : i32
        %swap3A_234 = arith.index_cast %add3A_233 : i32 to index
        %swap3A_235 = tpu.vector_load %arg19[%swap3A_234] {strides = array<i32>} : memref<4096xf32, #tpu.memory_space<vmem>>, vector<16xf32>,
        tpu.vector_store %arg19[%swap3A_234], %select_n3A_169 {strides = array<i32>} : memref<4096xf32, #tpu.memory_space<vmem>>, vector<16xf32>,
        %scan3A_236 = arith.constant 1 : i32
        %scan3A_237 = arith.addi %scan3A_122, %scan3A_236 : i32
        %jit3A_238 = arith.constant 32 : i32
        %div3A_239 = arith.divsi %scan3A_237, %jit3A_238 : i32
        %sign3A_240 = arith.constant 0 : i32
        %sign3A_241 = arith.cmpi sgt, %scan3A_237, %sign3A_240 : i32
        %sign3A_242 = arith.extui %sign3A_241 : i1 to i32
        %sign3A_243 = arith.constant 0 : i32
        %sign3A_244 = arith.cmpi slt, %scan3A_237, %sign3A_243 : i32
        %sign3A_245 = arith.extui %sign3A_244 : i1 to i32
        %sign3A_246 = arith.subi %sign3A_242, %sign3A_245 : i32
        %sign3A_247 = arith.constant 0 : i32
        %sign3A_248 = arith.cmpi sgt, %jit3A_238, %sign3A_247 : i32
        %sign3A_249 = arith.extui %sign3A_248 : i1 to i32
        %sign3A_250 = arith.constant 0 : i32
        %sign3A_251 = arith.cmpi slt, %jit3A_238, %sign3A_250 : i32
        %sign3A_252 = arith.extui %sign3A_251 : i1 to i32
        %sign3A_253 = arith.subi %sign3A_249, %sign3A_252 : i32
        %ne3A_254 = arith.cmpi ne, %sign3A_246, %sign3A_253 : i32
        %rem3A_255 = arith.remsi %scan3A_237, %jit3A_238 : i32
        %ne3A_256 = arith.constant 0 : i32
        %ne3A_257 = arith.cmpi ne, %rem3A_255, %ne3A_256 : i32
        %and3A_258 = arith.andi %ne3A_254, %ne3A_257 : i1
        %sub3A_259 = arith.constant 1 : i32
        %sub3A_260 = arith.subi %div3A_239, %sub3A_259 : i32
        %select_n3A_261 = arith.select %and3A_258, %sub3A_260, %div3A_239 : i32
        %jit3A_262 = arith.constant 32 : i32
        %eq3A_263 = arith.constant 0 : i32
        %eq3A_264 = arith.cmpi eq, %jit3A_262, %eq3A_263 : i32
        %jit3A_265 = arith.constant 1 : i32
        %select_n3A_266 = arith.select %eq3A_264, %jit3A_265, %jit3A_262 : i32
        %rem3A_267 = arith.remsi %scan3A_237, %select_n3A_266 : i32
        %ne3A_268 = arith.constant 0 : i32
        %ne3A_269 = arith.cmpi ne, %rem3A_267, %ne3A_268 : i32
        %lt3A_270 = arith.constant 0 : i32
        %lt3A_271 = arith.cmpi slt, %rem3A_267, %lt3A_270 : i32
        %lt3A_272 = arith.constant 0 : i32
        %lt3A_273 = arith.cmpi slt, %select_n3A_266, %lt3A_272 : i32
        %ne3A_274 = arith.xori %lt3A_271, %lt3A_273 : i1
        %and3A_275 = arith.andi %ne3A_274, %ne3A_269 : i1
        %add3A_276 = arith.addi %rem3A_267, %select_n3A_266 : i32
        %select_n3A_277 = arith.select %and3A_275, %add3A_276, %rem3A_267 : i32
        %mul3A_278 = arith.constant 16 : i32
        %mul3A_279 = arith.muli %select_n3A_277, %mul3A_278 : i32
        %mul3A_280 = arith.constant 1536 : i32
        %mul3A_281 = arith.muli %select_n3A_261, %mul3A_280 : i32
        %add3A_282 = arith.addi %mul3A_281, %mul3A_279 : i32
        %mul3A_283 = arith.constant 2048 : i32
        %mul3A_284 = arith.muli %select_n3A_261, %mul3A_283 : i32
        %add3A_285 = arith.addi %mul3A_284, %mul3A_279 : i32
        %add3A_286 = vector.broadcast %add3A_282 : i32 to vector<16xi32>
        %add3A_287 = arith.addi %add3A_286, %iota3A : vector<16xi32>
        %mul3A_288 = arith.constant 16 : i32
        %mul3A_289 = arith.muli %scan3A_237, %mul3A_288 : i32
        %get3A_290 = arith.index_cast %mul3A_289 : i32 to index
        %get3A_291 = tpu.vector_load %arg9[%get3A_290] {strides = array<i32>} : memref<1024xi32, #tpu.memory_space<vmem>>, vector<16xi32>,
        %ne3A_292 = arith.cmpi ne, %get3A_291, %broadcast_in_dim3A_7 : vector<16xi32>
        %select_n3A_293 = arith.select %ne3A_292, %broadcast_in_dim3A_3, %broadcast_in_dim3A_5 : vector<16xi1>, vector<16xf32>
        %get3A_294 = arith.index_cast %add3A_282 : i32 to index
        %get3A_295 = tpu.vector_load %arg11[%get3A_294] {strides = array<i32>} : memref<3072xf32, #tpu.memory_space<vmem>>, vector<16xf32>,
        %add3A_296 = arith.constant 512 : i32
        %add3A_297 = arith.addi %add3A_282, %add3A_296 : i32
        %get3A_298 = arith.index_cast %add3A_297 : i32 to index
        %get3A_299 = tpu.vector_load %arg11[%get3A_298] {strides = array<i32>} : memref<3072xf32, #tpu.memory_space<vmem>>, vector<16xf32>,
        %add3A_300 = arith.constant 1024 : i32
        %add3A_301 = arith.addi %add3A_282, %add3A_300 : i32
        %get3A_302 = arith.index_cast %add3A_301 : i32 to index
        %get3A_303 = tpu.vector_load %arg11[%get3A_302] {strides = array<i32>} : memref<3072xf32, #tpu.memory_space<vmem>>, vector<16xf32>,
        %gather3A_304 = tpu.vector_load_idx %arg17[%add3A_287, %broadcast_in_dim3A_9] : memref<3072x8xf32, #tpu.memory_space<vmem>>[vector<16xi32>, vector<16xi32>], vector<16xf32>,
        %add3A_305 = arith.constant 512 : i32
        %add3A_306 = vector.broadcast %add3A_305 : i32 to vector<16xi32>
        %add3A_307 = arith.addi %add3A_287, %add3A_306 : vector<16xi32>
        %gather3A_308 = tpu.vector_load_idx %arg17[%add3A_307, %broadcast_in_dim3A_9] : memref<3072x8xf32, #tpu.memory_space<vmem>>[vector<16xi32>, vector<16xi32>], vector<16xf32>,
        %add3A_309 = arith.constant 1024 : i32
        %add3A_310 = vector.broadcast %add3A_309 : i32 to vector<16xi32>
        %add3A_311 = arith.addi %add3A_287, %add3A_310 : vector<16xi32>
        %gather3A_312 = tpu.vector_load_idx %arg17[%add3A_311, %broadcast_in_dim3A_9] : memref<3072x8xf32, #tpu.memory_space<vmem>>[vector<16xi32>, vector<16xi32>], vector<16xf32>,
        %mul3A_313 = arith.mulf %get3A_295, %gather3A_304 : vector<16xf32>
        %mul3A_314 = arith.mulf %get3A_299, %gather3A_308 : vector<16xf32>
        %add3A_315 = arith.addf %mul3A_313, %mul3A_314 : vector<16xf32>
        %mul3A_316 = arith.mulf %get3A_303, %gather3A_312 : vector<16xf32>
        %add3A_317 = arith.addf %add3A_315, %mul3A_316 : vector<16xf32>
        %add3A_318 = arith.constant 0 : i32
        %add3A_319 = arith.addi %add3A_285, %add3A_318 : i32
        %swap3A_320 = arith.index_cast %add3A_319 : i32 to index
        %swap3A_321 = tpu.vector_load %arg19[%swap3A_320] {strides = array<i32>} : memref<4096xf32, #tpu.memory_space<vmem>>, vector<16xf32>,
        tpu.vector_store %arg19[%swap3A_320], %add3A_317 {strides = array<i32>} : memref<4096xf32, #tpu.memory_space<vmem>>, vector<16xf32>,
        %gather3A_322 = tpu.vector_load_idx %arg17[%add3A_287, %broadcast_in_dim3A_11] : memref<3072x8xf32, #tpu.memory_space<vmem>>[vector<16xi32>, vector<16xi32>], vector<16xf32>,
        %add3A_323 = arith.constant 512 : i32
        %add3A_324 = vector.broadcast %add3A_323 : i32 to vector<16xi32>
        %add3A_325 = arith.addi %add3A_287, %add3A_324 : vector<16xi32>
        %gather3A_326 = tpu.vector_load_idx %arg17[%add3A_325, %broadcast_in_dim3A_11] : memref<3072x8xf32, #tpu.memory_space<vmem>>[vector<16xi32>, vector<16xi32>], vector<16xf32>,
        %add3A_327 = arith.constant 1024 : i32
        %add3A_328 = vector.broadcast %add3A_327 : i32 to vector<16xi32>
        %add3A_329 = arith.addi %add3A_287, %add3A_328 : vector<16xi32>
        %gather3A_330 = tpu.vector_load_idx %arg17[%add3A_329, %broadcast_in_dim3A_11] : memref<3072x8xf32, #tpu.memory_space<vmem>>[vector<16xi32>, vector<16xi32>], vector<16xf32>,
        %mul3A_331 = arith.mulf %get3A_295, %gather3A_322 : vector<16xf32>
        %mul3A_332 = arith.mulf %get3A_299, %gather3A_326 : vector<16xf32>
        %add3A_333 = arith.addf %mul3A_331, %mul3A_332 : vector<16xf32>
        %mul3A_334 = arith.mulf %get3A_303, %gather3A_330 : vector<16xf32>
        %add3A_335 = arith.addf %add3A_333, %mul3A_334 : vector<16xf32>
        %add3A_336 = arith.constant 512 : i32
        %add3A_337 = arith.addi %add3A_285, %add3A_336 : i32
        %swap3A_338 = arith.index_cast %add3A_337 : i32 to index
        %swap3A_339 = tpu.vector_load %arg19[%swap3A_338] {strides = array<i32>} : memref<4096xf32, #tpu.memory_space<vmem>>, vector<16xf32>,
        tpu.vector_store %arg19[%swap3A_338], %add3A_335 {strides = array<i32>} : memref<4096xf32, #tpu.memory_space<vmem>>, vector<16xf32>,
        %gather3A_340 = tpu.vector_load_idx %arg17[%add3A_287, %broadcast_in_dim3A_13] : memref<3072x8xf32, #tpu.memory_space<vmem>>[vector<16xi32>, vector<16xi32>], vector<16xf32>,
        %add3A_341 = arith.constant 512 : i32
        %add3A_342 = vector.broadcast %add3A_341 : i32 to vector<16xi32>
        %add3A_343 = arith.addi %add3A_287, %add3A_342 : vector<16xi32>
        %gather3A_344 = tpu.vector_load_idx %arg17[%add3A_343, %broadcast_in_dim3A_13] : memref<3072x8xf32, #tpu.memory_space<vmem>>[vector<16xi32>, vector<16xi32>], vector<16xf32>,
        %add3A_345 = arith.constant 1024 : i32
        %add3A_346 = vector.broadcast %add3A_345 : i32 to vector<16xi32>
        %add3A_347 = arith.addi %add3A_287, %add3A_346 : vector<16xi32>
        %gather3A_348 = tpu.vector_load_idx %arg17[%add3A_347, %broadcast_in_dim3A_13] : memref<3072x8xf32, #tpu.memory_space<vmem>>[vector<16xi32>, vector<16xi32>], vector<16xf32>,
        %mul3A_349 = arith.mulf %get3A_295, %gather3A_340 : vector<16xf32>
        %mul3A_350 = arith.mulf %get3A_299, %gather3A_344 : vector<16xf32>
        %add3A_351 = arith.addf %mul3A_349, %mul3A_350 : vector<16xf32>
        %mul3A_352 = arith.mulf %get3A_303, %gather3A_348 : vector<16xf32>
        %add3A_353 = arith.addf %add3A_351, %mul3A_352 : vector<16xf32>
        %add3A_354 = arith.constant 1024 : i32
        %add3A_355 = arith.addi %add3A_285, %add3A_354 : i32
        %swap3A_356 = arith.index_cast %add3A_355 : i32 to index
        %swap3A_357 = tpu.vector_load %arg19[%swap3A_356] {strides = array<i32>} : memref<4096xf32, #tpu.memory_space<vmem>>, vector<16xf32>,
        tpu.vector_store %arg19[%swap3A_356], %add3A_353 {strides = array<i32>} : memref<4096xf32, #tpu.memory_space<vmem>>, vector<16xf32>,
        %add3A_358 = arith.constant 1536 : i32
        %add3A_359 = arith.addi %add3A_285, %add3A_358 : i32
        %swap3A_360 = arith.index_cast %add3A_359 : i32 to index
        %swap3A_361 = tpu.vector_load %arg19[%swap3A_360] {strides = array<i32>} : memref<4096xf32, #tpu.memory_space<vmem>>, vector<16xf32>,
        tpu.vector_store %arg19[%swap3A_360], %select_n3A_293 {strides = array<i32>} : memref<4096xf32, #tpu.memory_space<vmem>>, vector<16xf32>,
        %scan3A_362 = arith.constant 2 : i32
        %scan3A_363 = arith.addi %scan3A_122, %scan3A_362 : i32
        %jit3A_364 = arith.constant 32 : i32
        %div3A_365 = arith.divsi %scan3A_363, %jit3A_364 : i32
        %sign3A_366 = arith.constant 0 : i32
        %sign3A_367 = arith.cmpi sgt, %scan3A_363, %sign3A_366 : i32
        %sign3A_368 = arith.extui %sign3A_367 : i1 to i32
        %sign3A_369 = arith.constant 0 : i32
        %sign3A_370 = arith.cmpi slt, %scan3A_363, %sign3A_369 : i32
        %sign3A_371 = arith.extui %sign3A_370 : i1 to i32
        %sign3A_372 = arith.subi %sign3A_368, %sign3A_371 : i32
        %sign3A_373 = arith.constant 0 : i32
        %sign3A_374 = arith.cmpi sgt, %jit3A_364, %sign3A_373 : i32
        %sign3A_375 = arith.extui %sign3A_374 : i1 to i32
        %sign3A_376 = arith.constant 0 : i32
        %sign3A_377 = arith.cmpi slt, %jit3A_364, %sign3A_376 : i32
        %sign3A_378 = arith.extui %sign3A_377 : i1 to i32
        %sign3A_379 = arith.subi %sign3A_375, %sign3A_378 : i32
        %ne3A_380 = arith.cmpi ne, %sign3A_372, %sign3A_379 : i32
        %rem3A_381 = arith.remsi %scan3A_363, %jit3A_364 : i32
        %ne3A_382 = arith.constant 0 : i32
        %ne3A_383 = arith.cmpi ne, %rem3A_381, %ne3A_382 : i32
        %and3A_384 = arith.andi %ne3A_380, %ne3A_383 : i1
        %sub3A_385 = arith.constant 1 : i32
        %sub3A_386 = arith.subi %div3A_365, %sub3A_385 : i32
        %select_n3A_387 = arith.select %and3A_384, %sub3A_386, %div3A_365 : i32
        %jit3A_388 = arith.constant 32 : i32
        %eq3A_389 = arith.constant 0 : i32
        %eq3A_390 = arith.cmpi eq, %jit3A_388, %eq3A_389 : i32
        %jit3A_391 = arith.constant 1 : i32
        %select_n3A_392 = arith.select %eq3A_390, %jit3A_391, %jit3A_388 : i32
        %rem3A_393 = arith.remsi %scan3A_363, %select_n3A_392 : i32
        %ne3A_394 = arith.constant 0 : i32
        %ne3A_395 = arith.cmpi ne, %rem3A_393, %ne3A_394 : i32
        %lt3A_396 = arith.constant 0 : i32
        %lt3A_397 = arith.cmpi slt, %rem3A_393, %lt3A_396 : i32
        %lt3A_398 = arith.constant 0 : i32
        %lt3A_399 = arith.cmpi slt, %select_n3A_392, %lt3A_398 : i32
        %ne3A_400 = arith.xori %lt3A_397, %lt3A_399 : i1
        %and3A_401 = arith.andi %ne3A_400, %ne3A_395 : i1
        %add3A_402 = arith.addi %rem3A_393, %select_n3A_392 : i32
        %select_n3A_403 = arith.select %and3A_401, %add3A_402, %rem3A_393 : i32
        %mul3A_404 = arith.constant 16 : i32
        %mul3A_405 = arith.muli %select_n3A_403, %mul3A_404 : i32
        %mul3A_406 = arith.constant 1536 : i32
        %mul3A_407 = arith.muli %select_n3A_387, %mul3A_406 : i32
        %add3A_408 = arith.addi %mul3A_407, %mul3A_405 : i32
        %mul3A_409 = arith.constant 2048 : i32
        %mul3A_410 = arith.muli %select_n3A_387, %mul3A_409 : i32
        %add3A_411 = arith.addi %mul3A_410, %mul3A_405 : i32
        %add3A_412 = vector.broadcast %add3A_408 : i32 to vector<16xi32>
        %add3A_413 = arith.addi %add3A_412, %iota3A : vector<16xi32>
        %mul3A_414 = arith.constant 16 : i32
        %mul3A_415 = arith.muli %scan3A_363, %mul3A_414 : i32
        %get3A_416 = arith.index_cast %mul3A_415 : i32 to index
        %get3A_417 = tpu.vector_load %arg9[%get3A_416] {strides = array<i32>} : memref<1024xi32, #tpu.memory_space<vmem>>, vector<16xi32>,
        %ne3A_418 = arith.cmpi ne, %get3A_417, %broadcast_in_dim3A_7 : vector<16xi32>
        %select_n3A_419 = arith.select %ne3A_418, %broadcast_in_dim3A_3, %broadcast_in_dim3A_5 : vector<16xi1>, vector<16xf32>
        %get3A_420 = arith.index_cast %add3A_408 : i32 to index
        %get3A_421 = tpu.vector_load %arg11[%get3A_420] {strides = array<i32>} : memref<3072xf32, #tpu.memory_space<vmem>>, vector<16xf32>,
        %add3A_422 = arith.constant 512 : i32
        %add3A_423 = arith.addi %add3A_408, %add3A_422 : i32
        %get3A_424 = arith.index_cast %add3A_423 : i32 to index
        %get3A_425 = tpu.vector_load %arg11[%get3A_424] {strides = array<i32>} : memref<3072xf32, #tpu.memory_space<vmem>>, vector<16xf32>,
        %add3A_426 = arith.constant 1024 : i32
        %add3A_427 = arith.addi %add3A_408, %add3A_426 : i32
        %get3A_428 = arith.index_cast %add3A_427 : i32 to index
        %get3A_429 = tpu.vector_load %arg11[%get3A_428] {strides = array<i32>} : memref<3072xf32, #tpu.memory_space<vmem>>, vector<16xf32>,
        %gather3A_430 = tpu.vector_load_idx %arg17[%add3A_413, %broadcast_in_dim3A_9] : memref<3072x8xf32, #tpu.memory_space<vmem>>[vector<16xi32>, vector<16xi32>], vector<16xf32>,
        %add3A_431 = arith.constant 512 : i32
        %add3A_432 = vector.broadcast %add3A_431 : i32 to vector<16xi32>
        %add3A_433 = arith.addi %add3A_413, %add3A_432 : vector<16xi32>
        %gather3A_434 = tpu.vector_load_idx %arg17[%add3A_433, %broadcast_in_dim3A_9] : memref<3072x8xf32, #tpu.memory_space<vmem>>[vector<16xi32>, vector<16xi32>], vector<16xf32>,
        %add3A_435 = arith.constant 1024 : i32
        %add3A_436 = vector.broadcast %add3A_435 : i32 to vector<16xi32>
        %add3A_437 = arith.addi %add3A_413, %add3A_436 : vector<16xi32>
        %gather3A_438 = tpu.vector_load_idx %arg17[%add3A_437, %broadcast_in_dim3A_9] : memref<3072x8xf32, #tpu.memory_space<vmem>>[vector<16xi32>, vector<16xi32>], vector<16xf32>,
        %mul3A_439 = arith.mulf %get3A_421, %gather3A_430 : vector<16xf32>
        %mul3A_440 = arith.mulf %get3A_425, %gather3A_434 : vector<16xf32>
        %add3A_441 = arith.addf %mul3A_439, %mul3A_440 : vector<16xf32>
        %mul3A_442 = arith.mulf %get3A_429, %gather3A_438 : vector<16xf32>
        %add3A_443 = arith.addf %add3A_441, %mul3A_442 : vector<16xf32>
        %add3A_444 = arith.constant 0 : i32
        %add3A_445 = arith.addi %add3A_411, %add3A_444 : i32
        %swap3A_446 = arith.index_cast %add3A_445 : i32 to index
        %swap3A_447 = tpu.vector_load %arg19[%swap3A_446] {strides = array<i32>} : memref<4096xf32, #tpu.memory_space<vmem>>, vector<16xf32>,
        tpu.vector_store %arg19[%swap3A_446], %add3A_443 {strides = array<i32>} : memref<4096xf32, #tpu.memory_space<vmem>>, vector<16xf32>,
        %gather3A_448 = tpu.vector_load_idx %arg17[%add3A_413, %broadcast_in_dim3A_11] : memref<3072x8xf32, #tpu.memory_space<vmem>>[vector<16xi32>, vector<16xi32>], vector<16xf32>,
        %add3A_449 = arith.constant 512 : i32
        %add3A_450 = vector.broadcast %add3A_449 : i32 to vector<16xi32>
        %add3A_451 = arith.addi %add3A_413, %add3A_450 : vector<16xi32>
        %gather3A_452 = tpu.vector_load_idx %arg17[%add3A_451, %broadcast_in_dim3A_11] : memref<3072x8xf32, #tpu.memory_space<vmem>>[vector<16xi32>, vector<16xi32>], vector<16xf32>,
        %add3A_453 = arith.constant 1024 : i32
        %add3A_454 = vector.broadcast %add3A_453 : i32 to vector<16xi32>
        %add3A_455 = arith.addi %add3A_413, %add3A_454 : vector<16xi32>
        %gather3A_456 = tpu.vector_load_idx %arg17[%add3A_455, %broadcast_in_dim3A_11] : memref<3072x8xf32, #tpu.memory_space<vmem>>[vector<16xi32>, vector<16xi32>], vector<16xf32>,
        %mul3A_457 = arith.mulf %get3A_421, %gather3A_448 : vector<16xf32>
        %mul3A_458 = arith.mulf %get3A_425, %gather3A_452 : vector<16xf32>
        %add3A_459 = arith.addf %mul3A_457, %mul3A_458 : vector<16xf32>
        %mul3A_460 = arith.mulf %get3A_429, %gather3A_456 : vector<16xf32>
        %add3A_461 = arith.addf %add3A_459, %mul3A_460 : vector<16xf32>
        %add3A_462 = arith.constant 512 : i32
        %add3A_463 = arith.addi %add3A_411, %add3A_462 : i32
        %swap3A_464 = arith.index_cast %add3A_463 : i32 to index
        %swap3A_465 = tpu.vector_load %arg19[%swap3A_464] {strides = array<i32>} : memref<4096xf32, #tpu.memory_space<vmem>>, vector<16xf32>,
        tpu.vector_store %arg19[%swap3A_464], %add3A_461 {strides = array<i32>} : memref<4096xf32, #tpu.memory_space<vmem>>, vector<16xf32>,
        %gather3A_466 = tpu.vector_load_idx %arg17[%add3A_413, %broadcast_in_dim3A_13] : memref<3072x8xf32, #tpu.memory_space<vmem>>[vector<16xi32>, vector<16xi32>], vector<16xf32>,
        %add3A_467 = arith.constant 512 : i32
        %add3A_468 = vector.broadcast %add3A_467 : i32 to vector<16xi32>
        %add3A_469 = arith.addi %add3A_413, %add3A_468 : vector<16xi32>
        %gather3A_470 = tpu.vector_load_idx %arg17[%add3A_469, %broadcast_in_dim3A_13] : memref<3072x8xf32, #tpu.memory_space<vmem>>[vector<16xi32>, vector<16xi32>], vector<16xf32>,
        %add3A_471 = arith.constant 1024 : i32
        %add3A_472 = vector.broadcast %add3A_471 : i32 to vector<16xi32>
        %add3A_473 = arith.addi %add3A_413, %add3A_472 : vector<16xi32>
        %gather3A_474 = tpu.vector_load_idx %arg17[%add3A_473, %broadcast_in_dim3A_13] : memref<3072x8xf32, #tpu.memory_space<vmem>>[vector<16xi32>, vector<16xi32>], vector<16xf32>,
        %mul3A_475 = arith.mulf %get3A_421, %gather3A_466 : vector<16xf32>
        %mul3A_476 = arith.mulf %get3A_425, %gather3A_470 : vector<16xf32>
        %add3A_477 = arith.addf %mul3A_475, %mul3A_476 : vector<16xf32>
        %mul3A_478 = arith.mulf %get3A_429, %gather3A_474 : vector<16xf32>
        %add3A_479 = arith.addf %add3A_477, %mul3A_478 : vector<16xf32>
        %add3A_480 = arith.constant 1024 : i32
        %add3A_481 = arith.addi %add3A_411, %add3A_480 : i32
        %swap3A_482 = arith.index_cast %add3A_481 : i32 to index
        %swap3A_483 = tpu.vector_load %arg19[%swap3A_482] {strides = array<i32>} : memref<4096xf32, #tpu.memory_space<vmem>>, vector<16xf32>,
        tpu.vector_store %arg19[%swap3A_482], %add3A_479 {strides = array<i32>} : memref<4096xf32, #tpu.memory_space<vmem>>, vector<16xf32>,
        %add3A_484 = arith.constant 1536 : i32
        %add3A_485 = arith.addi %add3A_411, %add3A_484 : i32
        %swap3A_486 = arith.index_cast %add3A_485 : i32 to index
        %swap3A_487 = tpu.vector_load %arg19[%swap3A_486] {strides = array<i32>} : memref<4096xf32, #tpu.memory_space<vmem>>, vector<16xf32>,
        tpu.vector_store %arg19[%swap3A_486], %select_n3A_419 {strides = array<i32>} : memref<4096xf32, #tpu.memory_space<vmem>>, vector<16xf32>,
        %scan3A_488 = arith.constant 3 : i32
        %scan3A_489 = arith.addi %scan3A_122, %scan3A_488 : i32
        %jit3A_490 = arith.constant 32 : i32
        %div3A_491 = arith.divsi %scan3A_489, %jit3A_490 : i32
        %sign3A_492 = arith.constant 0 : i32
        %sign3A_493 = arith.cmpi sgt, %scan3A_489, %sign3A_492 : i32
        %sign3A_494 = arith.extui %sign3A_493 : i1 to i32
        %sign3A_495 = arith.constant 0 : i32
        %sign3A_496 = arith.cmpi slt, %scan3A_489, %sign3A_495 : i32
        %sign3A_497 = arith.extui %sign3A_496 : i1 to i32
        %sign3A_498 = arith.subi %sign3A_494, %sign3A_497 : i32
        %sign3A_499 = arith.constant 0 : i32
        %sign3A_500 = arith.cmpi sgt, %jit3A_490, %sign3A_499 : i32
        %sign3A_501 = arith.extui %sign3A_500 : i1 to i32
        %sign3A_502 = arith.constant 0 : i32
        %sign3A_503 = arith.cmpi slt, %jit3A_490, %sign3A_502 : i32
        %sign3A_504 = arith.extui %sign3A_503 : i1 to i32
        %sign3A_505 = arith.subi %sign3A_501, %sign3A_504 : i32
        %ne3A_506 = arith.cmpi ne, %sign3A_498, %sign3A_505 : i32
        %rem3A_507 = arith.remsi %scan3A_489, %jit3A_490 : i32
        %ne3A_508 = arith.constant 0 : i32
        %ne3A_509 = arith.cmpi ne, %rem3A_507, %ne3A_508 : i32
        %and3A_510 = arith.andi %ne3A_506, %ne3A_509 : i1
        %sub3A_511 = arith.constant 1 : i32
        %sub3A_512 = arith.subi %div3A_491, %sub3A_511 : i32
        %select_n3A_513 = arith.select %and3A_510, %sub3A_512, %div3A_491 : i32
        %jit3A_514 = arith.constant 32 : i32
        %eq3A_515 = arith.constant 0 : i32
        %eq3A_516 = arith.cmpi eq, %jit3A_514, %eq3A_515 : i32
        %jit3A_517 = arith.constant 1 : i32
        %select_n3A_518 = arith.select %eq3A_516, %jit3A_517, %jit3A_514 : i32
        %rem3A_519 = arith.remsi %scan3A_489, %select_n3A_518 : i32
        %ne3A_520 = arith.constant 0 : i32
        %ne3A_521 = arith.cmpi ne, %rem3A_519, %ne3A_520 : i32
        %lt3A_522 = arith.constant 0 : i32
        %lt3A_523 = arith.cmpi slt, %rem3A_519, %lt3A_522 : i32
        %lt3A_524 = arith.constant 0 : i32
        %lt3A_525 = arith.cmpi slt, %select_n3A_518, %lt3A_524 : i32
        %ne3A_526 = arith.xori %lt3A_523, %lt3A_525 : i1
        %and3A_527 = arith.andi %ne3A_526, %ne3A_521 : i1
        %add3A_528 = arith.addi %rem3A_519, %select_n3A_518 : i32
        %select_n3A_529 = arith.select %and3A_527, %add3A_528, %rem3A_519 : i32
        %mul3A_530 = arith.constant 16 : i32
        %mul3A_531 = arith.muli %select_n3A_529, %mul3A_530 : i32
        %mul3A_532 = arith.constant 1536 : i32
        %mul3A_533 = arith.muli %select_n3A_513, %mul3A_532 : i32
        %add3A_534 = arith.addi %mul3A_533, %mul3A_531 : i32
        %mul3A_535 = arith.constant 2048 : i32
        %mul3A_536 = arith.muli %select_n3A_513, %mul3A_535 : i32
        %add3A_537 = arith.addi %mul3A_536, %mul3A_531 : i32
        %add3A_538 = vector.broadcast %add3A_534 : i32 to vector<16xi32>
        %add3A_539 = arith.addi %add3A_538, %iota3A : vector<16xi32>
        %mul3A_540 = arith.constant 16 : i32
        %mul3A_541 = arith.muli %scan3A_489, %mul3A_540 : i32
        %get3A_542 = arith.index_cast %mul3A_541 : i32 to index
        %get3A_543 = tpu.vector_load %arg9[%get3A_542] {strides = array<i32>} : memref<1024xi32, #tpu.memory_space<vmem>>, vector<16xi32>,
        %ne3A_544 = arith.cmpi ne, %get3A_543, %broadcast_in_dim3A_7 : vector<16xi32>
        %select_n3A_545 = arith.select %ne3A_544, %broadcast_in_dim3A_3, %broadcast_in_dim3A_5 : vector<16xi1>, vector<16xf32>
        %get3A_546 = arith.index_cast %add3A_534 : i32 to index
        %get3A_547 = tpu.vector_load %arg11[%get3A_546] {strides = array<i32>} : memref<3072xf32, #tpu.memory_space<vmem>>, vector<16xf32>,
        %add3A_548 = arith.constant 512 : i32
        %add3A_549 = arith.addi %add3A_534, %add3A_548 : i32
        %get3A_550 = arith.index_cast %add3A_549 : i32 to index
        %get3A_551 = tpu.vector_load %arg11[%get3A_550] {strides = array<i32>} : memref<3072xf32, #tpu.memory_space<vmem>>, vector<16xf32>,
        %add3A_552 = arith.constant 1024 : i32
        %add3A_553 = arith.addi %add3A_534, %add3A_552 : i32
        %get3A_554 = arith.index_cast %add3A_553 : i32 to index
        %get3A_555 = tpu.vector_load %arg11[%get3A_554] {strides = array<i32>} : memref<3072xf32, #tpu.memory_space<vmem>>, vector<16xf32>,
        %gather3A_556 = tpu.vector_load_idx %arg17[%add3A_539, %broadcast_in_dim3A_9] : memref<3072x8xf32, #tpu.memory_space<vmem>>[vector<16xi32>, vector<16xi32>], vector<16xf32>,
        %add3A_557 = arith.constant 512 : i32
        %add3A_558 = vector.broadcast %add3A_557 : i32 to vector<16xi32>
        %add3A_559 = arith.addi %add3A_539, %add3A_558 : vector<16xi32>
        %gather3A_560 = tpu.vector_load_idx %arg17[%add3A_559, %broadcast_in_dim3A_9] : memref<3072x8xf32, #tpu.memory_space<vmem>>[vector<16xi32>, vector<16xi32>], vector<16xf32>,
        %add3A_561 = arith.constant 1024 : i32
        %add3A_562 = vector.broadcast %add3A_561 : i32 to vector<16xi32>
        %add3A_563 = arith.addi %add3A_539, %add3A_562 : vector<16xi32>
        %gather3A_564 = tpu.vector_load_idx %arg17[%add3A_563, %broadcast_in_dim3A_9] : memref<3072x8xf32, #tpu.memory_space<vmem>>[vector<16xi32>, vector<16xi32>], vector<16xf32>,
        %mul3A_565 = arith.mulf %get3A_547, %gather3A_556 : vector<16xf32>
        %mul3A_566 = arith.mulf %get3A_551, %gather3A_560 : vector<16xf32>
        %add3A_567 = arith.addf %mul3A_565, %mul3A_566 : vector<16xf32>
        %mul3A_568 = arith.mulf %get3A_555, %gather3A_564 : vector<16xf32>
        %add3A_569 = arith.addf %add3A_567, %mul3A_568 : vector<16xf32>
        %add3A_570 = arith.constant 0 : i32
        %add3A_571 = arith.addi %add3A_537, %add3A_570 : i32
        %swap3A_572 = arith.index_cast %add3A_571 : i32 to index
        %swap3A_573 = tpu.vector_load %arg19[%swap3A_572] {strides = array<i32>} : memref<4096xf32, #tpu.memory_space<vmem>>, vector<16xf32>,
        tpu.vector_store %arg19[%swap3A_572], %add3A_569 {strides = array<i32>} : memref<4096xf32, #tpu.memory_space<vmem>>, vector<16xf32>,
        %gather3A_574 = tpu.vector_load_idx %arg17[%add3A_539, %broadcast_in_dim3A_11] : memref<3072x8xf32, #tpu.memory_space<vmem>>[vector<16xi32>, vector<16xi32>], vector<16xf32>,
        %add3A_575 = arith.constant 512 : i32
        %add3A_576 = vector.broadcast %add3A_575 : i32 to vector<16xi32>
        %add3A_577 = arith.addi %add3A_539, %add3A_576 : vector<16xi32>
        %gather3A_578 = tpu.vector_load_idx %arg17[%add3A_577, %broadcast_in_dim3A_11] : memref<3072x8xf32, #tpu.memory_space<vmem>>[vector<16xi32>, vector<16xi32>], vector<16xf32>,
        %add3A_579 = arith.constant 1024 : i32
        %add3A_580 = vector.broadcast %add3A_579 : i32 to vector<16xi32>
        %add3A_581 = arith.addi %add3A_539, %add3A_580 : vector<16xi32>
        %gather3A_582 = tpu.vector_load_idx %arg17[%add3A_581, %broadcast_in_dim3A_11] : memref<3072x8xf32, #tpu.memory_space<vmem>>[vector<16xi32>, vector<16xi32>], vector<16xf32>,
        %mul3A_583 = arith.mulf %get3A_547, %gather3A_574 : vector<16xf32>
        %mul3A_584 = arith.mulf %get3A_551, %gather3A_578 : vector<16xf32>
        %add3A_585 = arith.addf %mul3A_583, %mul3A_584 : vector<16xf32>
        %mul3A_586 = arith.mulf %get3A_555, %gather3A_582 : vector<16xf32>
        %add3A_587 = arith.addf %add3A_585, %mul3A_586 : vector<16xf32>
        %add3A_588 = arith.constant 512 : i32
        %add3A_589 = arith.addi %add3A_537, %add3A_588 : i32
        %swap3A_590 = arith.index_cast %add3A_589 : i32 to index
        %swap3A_591 = tpu.vector_load %arg19[%swap3A_590] {strides = array<i32>} : memref<4096xf32, #tpu.memory_space<vmem>>, vector<16xf32>,
        tpu.vector_store %arg19[%swap3A_590], %add3A_587 {strides = array<i32>} : memref<4096xf32, #tpu.memory_space<vmem>>, vector<16xf32>,
        %gather3A_592 = tpu.vector_load_idx %arg17[%add3A_539, %broadcast_in_dim3A_13] : memref<3072x8xf32, #tpu.memory_space<vmem>>[vector<16xi32>, vector<16xi32>], vector<16xf32>,
        %add3A_593 = arith.constant 512 : i32
        %add3A_594 = vector.broadcast %add3A_593 : i32 to vector<16xi32>
        %add3A_595 = arith.addi %add3A_539, %add3A_594 : vector<16xi32>
        %gather3A_596 = tpu.vector_load_idx %arg17[%add3A_595, %broadcast_in_dim3A_13] : memref<3072x8xf32, #tpu.memory_space<vmem>>[vector<16xi32>, vector<16xi32>], vector<16xf32>,
        %add3A_597 = arith.constant 1024 : i32
        %add3A_598 = vector.broadcast %add3A_597 : i32 to vector<16xi32>
        %add3A_599 = arith.addi %add3A_539, %add3A_598 : vector<16xi32>
        %gather3A_600 = tpu.vector_load_idx %arg17[%add3A_599, %broadcast_in_dim3A_13] : memref<3072x8xf32, #tpu.memory_space<vmem>>[vector<16xi32>, vector<16xi32>], vector<16xf32>,
        %mul3A_601 = arith.mulf %get3A_547, %gather3A_592 : vector<16xf32>
        %mul3A_602 = arith.mulf %get3A_551, %gather3A_596 : vector<16xf32>
        %add3A_603 = arith.addf %mul3A_601, %mul3A_602 : vector<16xf32>
        %mul3A_604 = arith.mulf %get3A_555, %gather3A_600 : vector<16xf32>
        %add3A_605 = arith.addf %add3A_603, %mul3A_604 : vector<16xf32>
        %add3A_606 = arith.constant 1024 : i32
        %add3A_607 = arith.addi %add3A_537, %add3A_606 : i32
        %swap3A_608 = arith.index_cast %add3A_607 : i32 to index
        %swap3A_609 = tpu.vector_load %arg19[%swap3A_608] {strides = array<i32>} : memref<4096xf32, #tpu.memory_space<vmem>>, vector<16xf32>,
        tpu.vector_store %arg19[%swap3A_608], %add3A_605 {strides = array<i32>} : memref<4096xf32, #tpu.memory_space<vmem>>, vector<16xf32>,
        %add3A_610 = arith.constant 1536 : i32
        %add3A_611 = arith.addi %add3A_537, %add3A_610 : i32
        %swap3A_612 = arith.index_cast %add3A_611 : i32 to index
        %swap3A_613 = tpu.vector_load %arg19[%swap3A_612] {strides = array<i32>} : memref<4096xf32, #tpu.memory_space<vmem>>, vector<16xf32>,
        tpu.vector_store %arg19[%swap3A_612], %select_n3A_545 {strides = array<i32>} : memref<4096xf32, #tpu.memory_space<vmem>>, vector<16xf32>,
      }
      %scan3A_112 = arith.constant 64 : i32
      %mul3A_113 = arith.constant 4 : i32
      %mul3A_114 = arith.muli %mul3A_113, %add3A_39 : i32
      "tpu.region"() ({
        %run_scoped3A = tpu.sem_alloc : memref<!tpu.dma_semaphore, #tpu.memory_space<semaphore_mem>>
        %dma_start3A_122 = tpu.memref_slice %arg6[%mul3A_114] : memref<4194304xf32, #tpu.memory_space<hbm>> -> memref<4096xf32, #tpu.memory_space<hbm>>
        %dma_start3A_123 = tpu.memref_slice %arg6[%mul3A_114] : memref<4194304xf32, #tpu.memory_space<hbm>> -> memref<4096xf32, #tpu.memory_space<hbm>>
        tpu.enqueue_dma source(%arg19 : memref<4096xf32, #tpu.memory_space<vmem>>) target(%dma_start3A_123 : memref<4096xf32, #tpu.memory_space<hbm>>) target_semaphore(%run_scoped3A : memref<!tpu.dma_semaphore, #tpu.memory_space<semaphore_mem>>)
        %dma_wait3A_124 = tpu.memref_slice %arg6[%mul3A_114] : memref<4194304xf32, #tpu.memory_space<hbm>> -> memref<4096xf32, #tpu.memory_space<hbm>>
        %dma_wait3A_125 = tpu.memref_slice %arg6[%mul3A_114] : memref<4194304xf32, #tpu.memory_space<hbm>> -> memref<4096xf32, #tpu.memory_space<hbm>>
        tpu.wait_dma2 semaphore(%run_scoped3A : memref<!tpu.dma_semaphore, #tpu.memory_space<semaphore_mem>>) src(%arg19 : memref<4096xf32, #tpu.memory_space<vmem>>) dst(%dma_wait3A_125 : memref<4096xf32, #tpu.memory_space<hbm>>)
        tpu.yield
      }) : () -> ()
      %add3A_115 = arith.constant 1 : i32
      %add3A_116 = arith.addi %scan3A_34, %add3A_115 : i32
      %lt3A = arith.constant 16 : i32
      %lt3A_117 = arith.cmpi slt, %add3A_116, %lt3A : i32
      %add3A_118 = arith.constant 2048 : i32
      %add3A_119 = arith.addi %add3A_39, %add3A_118 : i32
      %select_n3A = arith.select %lt3A_117, %add3A_119, %mul3A_2 : i32
      %dma_start3A_120 = tpu.memref_slice %arg2[%select_n3A] : memref<1048576xi32, #tpu.memory_space<hbm>> -> memref<1024xi32, #tpu.memory_space<hbm>>
      %dma_start3A_121 = tpu.memref_slice %arg2[%select_n3A] : memref<1048576xi32, #tpu.memory_space<hbm>> -> memref<1024xi32, #tpu.memory_space<hbm>>
      tpu.enqueue_dma source(%dma_start3A_121 : memref<1024xi32, #tpu.memory_space<hbm>>) target(%arg9 : memref<1024xi32, #tpu.memory_space<vmem>>) target_semaphore(%arg21 : memref<!tpu.dma_semaphore, #tpu.memory_space<semaphore_mem>>)
    }
    %scan3A_19 = arith.constant 16 : i32
    %add3A_20 = arith.constant 31744 : i32
    %add3A_21 = arith.addi %mul3A_2, %add3A_20 : i32
    %dma_wait3A = arith.constant 0 : i32
    %dma_wait3A_22 = arith.constant 0 : i32
    %dma_wait3A_23 = tpu.memref_slice %arg5[%dma_wait3A, %dma_wait3A_22] : memref<50000x8xf32, #tpu.memory_space<hbm>> -> memref<50000x8xf32, #tpu.memory_space<hbm>>
    tpu.wait_indirect_dma semaphore(%arg28 : memref<!tpu.dma_semaphore, #tpu.memory_space<semaphore_mem>>) src(%dma_wait3A_23 : memref<50000x8xf32, #tpu.memory_space<hbm>>) dst(%arg18 : memref<3072x8xf32, #tpu.memory_space<vmem>>)
    %scan3A_24 = arith.constant 0 : i32
    %scan3A_25 = arith.constant 0 : i32
    %scan3A_26 = arith.constant 64 : i32
    %scan3A_27 = arith.addi %scan3A_25, %scan3A_26 : i32
    %scan3A_28 = arith.constant 4 : i32
    scf.for %scan3A_34 = %scan3A_25 to %scan3A_27 step %scan3A_28  : i32 {
      %jit3A = arith.constant 32 : i32
      %div3A = arith.divsi %scan3A_34, %jit3A : i32
      %sign3A = arith.constant 0 : i32
      %sign3A_35 = arith.cmpi sgt, %scan3A_34, %sign3A : i32
      %sign3A_36 = arith.extui %sign3A_35 : i1 to i32
      %sign3A_37 = arith.constant 0 : i32
      %sign3A_38 = arith.cmpi slt, %scan3A_34, %sign3A_37 : i32
      %sign3A_39 = arith.extui %sign3A_38 : i1 to i32
      %sign3A_40 = arith.subi %sign3A_36, %sign3A_39 : i32
      %sign3A_41 = arith.constant 0 : i32
      %sign3A_42 = arith.cmpi sgt, %jit3A, %sign3A_41 : i32
      %sign3A_43 = arith.extui %sign3A_42 : i1 to i32
      %sign3A_44 = arith.constant 0 : i32
      %sign3A_45 = arith.cmpi slt, %jit3A, %sign3A_44 : i32
      %sign3A_46 = arith.extui %sign3A_45 : i1 to i32
      %sign3A_47 = arith.subi %sign3A_43, %sign3A_46 : i32
      %ne3A = arith.cmpi ne, %sign3A_40, %sign3A_47 : i32
      %rem3A = arith.remsi %scan3A_34, %jit3A : i32
      %ne3A_48 = arith.constant 0 : i32
      %ne3A_49 = arith.cmpi ne, %rem3A, %ne3A_48 : i32
      %and3A = arith.andi %ne3A, %ne3A_49 : i1
      %sub3A = arith.constant 1 : i32
      %sub3A_50 = arith.subi %div3A, %sub3A : i32
      %select_n3A = arith.select %and3A, %sub3A_50, %div3A : i32
      %jit3A_51 = arith.constant 32 : i32
      %eq3A = arith.constant 0 : i32
      %eq3A_52 = arith.cmpi eq, %jit3A_51, %eq3A : i32
      %jit3A_53 = arith.constant 1 : i32
      %select_n3A_54 = arith.select %eq3A_52, %jit3A_53, %jit3A_51 : i32
      %rem3A_55 = arith.remsi %scan3A_34, %select_n3A_54 : i32
      %ne3A_56 = arith.constant 0 : i32
      %ne3A_57 = arith.cmpi ne, %rem3A_55, %ne3A_56 : i32
      %lt3A = arith.constant 0 : i32
      %lt3A_58 = arith.cmpi slt, %rem3A_55, %lt3A : i32
      %lt3A_59 = arith.constant 0 : i32
      %lt3A_60 = arith.cmpi slt, %select_n3A_54, %lt3A_59 : i32
      %ne3A_61 = arith.xori %lt3A_58, %lt3A_60 : i1
      %and3A_62 = arith.andi %ne3A_61, %ne3A_57 : i1
      %add3A_63 = arith.addi %rem3A_55, %select_n3A_54 : i32
      %select_n3A_64 = arith.select %and3A_62, %add3A_63, %rem3A_55 : i32
      %mul3A_65 = arith.constant 16 : i32
      %mul3A_66 = arith.muli %select_n3A_64, %mul3A_65 : i32
      %mul3A_67 = arith.constant 1536 : i32
      %mul3A_68 = arith.muli %select_n3A, %mul3A_67 : i32
      %add3A_69 = arith.addi %mul3A_68, %mul3A_66 : i32
      %mul3A_70 = arith.constant 2048 : i32
      %mul3A_71 = arith.muli %select_n3A, %mul3A_70 : i32
      %add3A_72 = arith.addi %mul3A_71, %mul3A_66 : i32
      %add3A_73 = vector.broadcast %add3A_69 : i32 to vector<16xi32>
      %add3A_74 = arith.addi %add3A_73, %iota3A : vector<16xi32>
      %mul3A_75 = arith.constant 16 : i32
      %mul3A_76 = arith.muli %scan3A_34, %mul3A_75 : i32
      %get3A = arith.index_cast %mul3A_76 : i32 to index
      %get3A_77 = tpu.vector_load %arg10[%get3A] {strides = array<i32>} : memref<1024xi32, #tpu.memory_space<vmem>>, vector<16xi32>,
      %ne3A_78 = arith.cmpi ne, %get3A_77, %broadcast_in_dim3A_7 : vector<16xi32>
      %select_n3A_79 = arith.select %ne3A_78, %broadcast_in_dim3A_3, %broadcast_in_dim3A_5 : vector<16xi1>, vector<16xf32>
      %get3A_80 = arith.index_cast %add3A_69 : i32 to index
      %get3A_81 = tpu.vector_load %arg12[%get3A_80] {strides = array<i32>} : memref<3072xf32, #tpu.memory_space<vmem>>, vector<16xf32>,
      %add3A_82 = arith.constant 512 : i32
      %add3A_83 = arith.addi %add3A_69, %add3A_82 : i32
      %get3A_84 = arith.index_cast %add3A_83 : i32 to index
      %get3A_85 = tpu.vector_load %arg12[%get3A_84] {strides = array<i32>} : memref<3072xf32, #tpu.memory_space<vmem>>, vector<16xf32>,
      %add3A_86 = arith.constant 1024 : i32
      %add3A_87 = arith.addi %add3A_69, %add3A_86 : i32
      %get3A_88 = arith.index_cast %add3A_87 : i32 to index
      %get3A_89 = tpu.vector_load %arg12[%get3A_88] {strides = array<i32>} : memref<3072xf32, #tpu.memory_space<vmem>>, vector<16xf32>,
      %gather3A = tpu.vector_load_idx %arg18[%add3A_74, %broadcast_in_dim3A_9] : memref<3072x8xf32, #tpu.memory_space<vmem>>[vector<16xi32>, vector<16xi32>], vector<16xf32>,
      %add3A_90 = arith.constant 512 : i32
      %add3A_91 = vector.broadcast %add3A_90 : i32 to vector<16xi32>
      %add3A_92 = arith.addi %add3A_74, %add3A_91 : vector<16xi32>
      %gather3A_93 = tpu.vector_load_idx %arg18[%add3A_92, %broadcast_in_dim3A_9] : memref<3072x8xf32, #tpu.memory_space<vmem>>[vector<16xi32>, vector<16xi32>], vector<16xf32>,
      %add3A_94 = arith.constant 1024 : i32
      %add3A_95 = vector.broadcast %add3A_94 : i32 to vector<16xi32>
      %add3A_96 = arith.addi %add3A_74, %add3A_95 : vector<16xi32>
      %gather3A_97 = tpu.vector_load_idx %arg18[%add3A_96, %broadcast_in_dim3A_9] : memref<3072x8xf32, #tpu.memory_space<vmem>>[vector<16xi32>, vector<16xi32>], vector<16xf32>,
      %mul3A_98 = arith.mulf %get3A_81, %gather3A : vector<16xf32>
      %mul3A_99 = arith.mulf %get3A_85, %gather3A_93 : vector<16xf32>
      %add3A_100 = arith.addf %mul3A_98, %mul3A_99 : vector<16xf32>
      %mul3A_101 = arith.mulf %get3A_89, %gather3A_97 : vector<16xf32>
      %add3A_102 = arith.addf %add3A_100, %mul3A_101 : vector<16xf32>
      %add3A_103 = arith.constant 0 : i32
      %add3A_104 = arith.addi %add3A_72, %add3A_103 : i32
      %swap3A = arith.index_cast %add3A_104 : i32 to index
      %swap3A_105 = tpu.vector_load %arg20[%swap3A] {strides = array<i32>} : memref<4096xf32, #tpu.memory_space<vmem>>, vector<16xf32>,
      tpu.vector_store %arg20[%swap3A], %add3A_102 {strides = array<i32>} : memref<4096xf32, #tpu.memory_space<vmem>>, vector<16xf32>,
      %gather3A_106 = tpu.vector_load_idx %arg18[%add3A_74, %broadcast_in_dim3A_11] : memref<3072x8xf32, #tpu.memory_space<vmem>>[vector<16xi32>, vector<16xi32>], vector<16xf32>,
      %add3A_107 = arith.constant 512 : i32
      %add3A_108 = vector.broadcast %add3A_107 : i32 to vector<16xi32>
      %add3A_109 = arith.addi %add3A_74, %add3A_108 : vector<16xi32>
      %gather3A_110 = tpu.vector_load_idx %arg18[%add3A_109, %broadcast_in_dim3A_11] : memref<3072x8xf32, #tpu.memory_space<vmem>>[vector<16xi32>, vector<16xi32>], vector<16xf32>,
      %add3A_111 = arith.constant 1024 : i32
      %add3A_112 = vector.broadcast %add3A_111 : i32 to vector<16xi32>
      %add3A_113 = arith.addi %add3A_74, %add3A_112 : vector<16xi32>
      %gather3A_114 = tpu.vector_load_idx %arg18[%add3A_113, %broadcast_in_dim3A_11] : memref<3072x8xf32, #tpu.memory_space<vmem>>[vector<16xi32>, vector<16xi32>], vector<16xf32>,
      %mul3A_115 = arith.mulf %get3A_81, %gather3A_106 : vector<16xf32>
      %mul3A_116 = arith.mulf %get3A_85, %gather3A_110 : vector<16xf32>
      %add3A_117 = arith.addf %mul3A_115, %mul3A_116 : vector<16xf32>
      %mul3A_118 = arith.mulf %get3A_89, %gather3A_114 : vector<16xf32>
      %add3A_119 = arith.addf %add3A_117, %mul3A_118 : vector<16xf32>
      %add3A_120 = arith.constant 512 : i32
      %add3A_121 = arith.addi %add3A_72, %add3A_120 : i32
      %swap3A_122 = arith.index_cast %add3A_121 : i32 to index
      %swap3A_123 = tpu.vector_load %arg20[%swap3A_122] {strides = array<i32>} : memref<4096xf32, #tpu.memory_space<vmem>>, vector<16xf32>,
      tpu.vector_store %arg20[%swap3A_122], %add3A_119 {strides = array<i32>} : memref<4096xf32, #tpu.memory_space<vmem>>, vector<16xf32>,
      %gather3A_124 = tpu.vector_load_idx %arg18[%add3A_74, %broadcast_in_dim3A_13] : memref<3072x8xf32, #tpu.memory_space<vmem>>[vector<16xi32>, vector<16xi32>], vector<16xf32>,
      %add3A_125 = arith.constant 512 : i32
      %add3A_126 = vector.broadcast %add3A_125 : i32 to vector<16xi32>
      %add3A_127 = arith.addi %add3A_74, %add3A_126 : vector<16xi32>
      %gather3A_128 = tpu.vector_load_idx %arg18[%add3A_127, %broadcast_in_dim3A_13] : memref<3072x8xf32, #tpu.memory_space<vmem>>[vector<16xi32>, vector<16xi32>], vector<16xf32>,
      %add3A_129 = arith.constant 1024 : i32
      %add3A_130 = vector.broadcast %add3A_129 : i32 to vector<16xi32>
      %add3A_131 = arith.addi %add3A_74, %add3A_130 : vector<16xi32>
      %gather3A_132 = tpu.vector_load_idx %arg18[%add3A_131, %broadcast_in_dim3A_13] : memref<3072x8xf32, #tpu.memory_space<vmem>>[vector<16xi32>, vector<16xi32>], vector<16xf32>,
      %mul3A_133 = arith.mulf %get3A_81, %gather3A_124 : vector<16xf32>
      %mul3A_134 = arith.mulf %get3A_85, %gather3A_128 : vector<16xf32>
      %add3A_135 = arith.addf %mul3A_133, %mul3A_134 : vector<16xf32>
      %mul3A_136 = arith.mulf %get3A_89, %gather3A_132 : vector<16xf32>
      %add3A_137 = arith.addf %add3A_135, %mul3A_136 : vector<16xf32>
      %add3A_138 = arith.constant 1024 : i32
      %add3A_139 = arith.addi %add3A_72, %add3A_138 : i32
      %swap3A_140 = arith.index_cast %add3A_139 : i32 to index
      %swap3A_141 = tpu.vector_load %arg20[%swap3A_140] {strides = array<i32>} : memref<4096xf32, #tpu.memory_space<vmem>>, vector<16xf32>,
      tpu.vector_store %arg20[%swap3A_140], %add3A_137 {strides = array<i32>} : memref<4096xf32, #tpu.memory_space<vmem>>, vector<16xf32>,
      %add3A_142 = arith.constant 1536 : i32
      %add3A_143 = arith.addi %add3A_72, %add3A_142 : i32
      %swap3A_144 = arith.index_cast %add3A_143 : i32 to index
      %swap3A_145 = tpu.vector_load %arg20[%swap3A_144] {strides = array<i32>} : memref<4096xf32, #tpu.memory_space<vmem>>, vector<16xf32>,
      tpu.vector_store %arg20[%swap3A_144], %select_n3A_79 {strides = array<i32>} : memref<4096xf32, #tpu.memory_space<vmem>>, vector<16xf32>,
      %scan3A_146 = arith.constant 1 : i32
      %scan3A_147 = arith.addi %scan3A_34, %scan3A_146 : i32
      %jit3A_148 = arith.constant 32 : i32
      %div3A_149 = arith.divsi %scan3A_147, %jit3A_148 : i32
      %sign3A_150 = arith.constant 0 : i32
      %sign3A_151 = arith.cmpi sgt, %scan3A_147, %sign3A_150 : i32
      %sign3A_152 = arith.extui %sign3A_151 : i1 to i32
      %sign3A_153 = arith.constant 0 : i32
      %sign3A_154 = arith.cmpi slt, %scan3A_147, %sign3A_153 : i32
      %sign3A_155 = arith.extui %sign3A_154 : i1 to i32
      %sign3A_156 = arith.subi %sign3A_152, %sign3A_155 : i32
      %sign3A_157 = arith.constant 0 : i32
      %sign3A_158 = arith.cmpi sgt, %jit3A_148, %sign3A_157 : i32
      %sign3A_159 = arith.extui %sign3A_158 : i1 to i32
      %sign3A_160 = arith.constant 0 : i32
      %sign3A_161 = arith.cmpi slt, %jit3A_148, %sign3A_160 : i32
      %sign3A_162 = arith.extui %sign3A_161 : i1 to i32
      %sign3A_163 = arith.subi %sign3A_159, %sign3A_162 : i32
      %ne3A_164 = arith.cmpi ne, %sign3A_156, %sign3A_163 : i32
      %rem3A_165 = arith.remsi %scan3A_147, %jit3A_148 : i32
      %ne3A_166 = arith.constant 0 : i32
      %ne3A_167 = arith.cmpi ne, %rem3A_165, %ne3A_166 : i32
      %and3A_168 = arith.andi %ne3A_164, %ne3A_167 : i1
      %sub3A_169 = arith.constant 1 : i32
      %sub3A_170 = arith.subi %div3A_149, %sub3A_169 : i32
      %select_n3A_171 = arith.select %and3A_168, %sub3A_170, %div3A_149 : i32
      %jit3A_172 = arith.constant 32 : i32
      %eq3A_173 = arith.constant 0 : i32
      %eq3A_174 = arith.cmpi eq, %jit3A_172, %eq3A_173 : i32
      %jit3A_175 = arith.constant 1 : i32
      %select_n3A_176 = arith.select %eq3A_174, %jit3A_175, %jit3A_172 : i32
      %rem3A_177 = arith.remsi %scan3A_147, %select_n3A_176 : i32
      %ne3A_178 = arith.constant 0 : i32
      %ne3A_179 = arith.cmpi ne, %rem3A_177, %ne3A_178 : i32
      %lt3A_180 = arith.constant 0 : i32
      %lt3A_181 = arith.cmpi slt, %rem3A_177, %lt3A_180 : i32
      %lt3A_182 = arith.constant 0 : i32
      %lt3A_183 = arith.cmpi slt, %select_n3A_176, %lt3A_182 : i32
      %ne3A_184 = arith.xori %lt3A_181, %lt3A_183 : i1
      %and3A_185 = arith.andi %ne3A_184, %ne3A_179 : i1
      %add3A_186 = arith.addi %rem3A_177, %select_n3A_176 : i32
      %select_n3A_187 = arith.select %and3A_185, %add3A_186, %rem3A_177 : i32
      %mul3A_188 = arith.constant 16 : i32
      %mul3A_189 = arith.muli %select_n3A_187, %mul3A_188 : i32
      %mul3A_190 = arith.constant 1536 : i32
      %mul3A_191 = arith.muli %select_n3A_171, %mul3A_190 : i32
      %add3A_192 = arith.addi %mul3A_191, %mul3A_189 : i32
      %mul3A_193 = arith.constant 2048 : i32
      %mul3A_194 = arith.muli %select_n3A_171, %mul3A_193 : i32
      %add3A_195 = arith.addi %mul3A_194, %mul3A_189 : i32
      %add3A_196 = vector.broadcast %add3A_192 : i32 to vector<16xi32>
      %add3A_197 = arith.addi %add3A_196, %iota3A : vector<16xi32>
      %mul3A_198 = arith.constant 16 : i32
      %mul3A_199 = arith.muli %scan3A_147, %mul3A_198 : i32
      %get3A_200 = arith.index_cast %mul3A_199 : i32 to index
      %get3A_201 = tpu.vector_load %arg10[%get3A_200] {strides = array<i32>} : memref<1024xi32, #tpu.memory_space<vmem>>, vector<16xi32>,
      %ne3A_202 = arith.cmpi ne, %get3A_201, %broadcast_in_dim3A_7 : vector<16xi32>
      %select_n3A_203 = arith.select %ne3A_202, %broadcast_in_dim3A_3, %broadcast_in_dim3A_5 : vector<16xi1>, vector<16xf32>
      %get3A_204 = arith.index_cast %add3A_192 : i32 to index
      %get3A_205 = tpu.vector_load %arg12[%get3A_204] {strides = array<i32>} : memref<3072xf32, #tpu.memory_space<vmem>>, vector<16xf32>,
      %add3A_206 = arith.constant 512 : i32
      %add3A_207 = arith.addi %add3A_192, %add3A_206 : i32
      %get3A_208 = arith.index_cast %add3A_207 : i32 to index
      %get3A_209 = tpu.vector_load %arg12[%get3A_208] {strides = array<i32>} : memref<3072xf32, #tpu.memory_space<vmem>>, vector<16xf32>,
      %add3A_210 = arith.constant 1024 : i32
      %add3A_211 = arith.addi %add3A_192, %add3A_210 : i32
      %get3A_212 = arith.index_cast %add3A_211 : i32 to index
      %get3A_213 = tpu.vector_load %arg12[%get3A_212] {strides = array<i32>} : memref<3072xf32, #tpu.memory_space<vmem>>, vector<16xf32>,
      %gather3A_214 = tpu.vector_load_idx %arg18[%add3A_197, %broadcast_in_dim3A_9] : memref<3072x8xf32, #tpu.memory_space<vmem>>[vector<16xi32>, vector<16xi32>], vector<16xf32>,
      %add3A_215 = arith.constant 512 : i32
      %add3A_216 = vector.broadcast %add3A_215 : i32 to vector<16xi32>
      %add3A_217 = arith.addi %add3A_197, %add3A_216 : vector<16xi32>
      %gather3A_218 = tpu.vector_load_idx %arg18[%add3A_217, %broadcast_in_dim3A_9] : memref<3072x8xf32, #tpu.memory_space<vmem>>[vector<16xi32>, vector<16xi32>], vector<16xf32>,
      %add3A_219 = arith.constant 1024 : i32
      %add3A_220 = vector.broadcast %add3A_219 : i32 to vector<16xi32>
      %add3A_221 = arith.addi %add3A_197, %add3A_220 : vector<16xi32>
      %gather3A_222 = tpu.vector_load_idx %arg18[%add3A_221, %broadcast_in_dim3A_9] : memref<3072x8xf32, #tpu.memory_space<vmem>>[vector<16xi32>, vector<16xi32>], vector<16xf32>,
      %mul3A_223 = arith.mulf %get3A_205, %gather3A_214 : vector<16xf32>
      %mul3A_224 = arith.mulf %get3A_209, %gather3A_218 : vector<16xf32>
      %add3A_225 = arith.addf %mul3A_223, %mul3A_224 : vector<16xf32>
      %mul3A_226 = arith.mulf %get3A_213, %gather3A_222 : vector<16xf32>
      %add3A_227 = arith.addf %add3A_225, %mul3A_226 : vector<16xf32>
      %add3A_228 = arith.constant 0 : i32
      %add3A_229 = arith.addi %add3A_195, %add3A_228 : i32
      %swap3A_230 = arith.index_cast %add3A_229 : i32 to index
      %swap3A_231 = tpu.vector_load %arg20[%swap3A_230] {strides = array<i32>} : memref<4096xf32, #tpu.memory_space<vmem>>, vector<16xf32>,
      tpu.vector_store %arg20[%swap3A_230], %add3A_227 {strides = array<i32>} : memref<4096xf32, #tpu.memory_space<vmem>>, vector<16xf32>,
      %gather3A_232 = tpu.vector_load_idx %arg18[%add3A_197, %broadcast_in_dim3A_11] : memref<3072x8xf32, #tpu.memory_space<vmem>>[vector<16xi32>, vector<16xi32>], vector<16xf32>,
      %add3A_233 = arith.constant 512 : i32
      %add3A_234 = vector.broadcast %add3A_233 : i32 to vector<16xi32>
      %add3A_235 = arith.addi %add3A_197, %add3A_234 : vector<16xi32>
      %gather3A_236 = tpu.vector_load_idx %arg18[%add3A_235, %broadcast_in_dim3A_11] : memref<3072x8xf32, #tpu.memory_space<vmem>>[vector<16xi32>, vector<16xi32>], vector<16xf32>,
      %add3A_237 = arith.constant 1024 : i32
      %add3A_238 = vector.broadcast %add3A_237 : i32 to vector<16xi32>
      %add3A_239 = arith.addi %add3A_197, %add3A_238 : vector<16xi32>
      %gather3A_240 = tpu.vector_load_idx %arg18[%add3A_239, %broadcast_in_dim3A_11] : memref<3072x8xf32, #tpu.memory_space<vmem>>[vector<16xi32>, vector<16xi32>], vector<16xf32>,
      %mul3A_241 = arith.mulf %get3A_205, %gather3A_232 : vector<16xf32>
      %mul3A_242 = arith.mulf %get3A_209, %gather3A_236 : vector<16xf32>
      %add3A_243 = arith.addf %mul3A_241, %mul3A_242 : vector<16xf32>
      %mul3A_244 = arith.mulf %get3A_213, %gather3A_240 : vector<16xf32>
      %add3A_245 = arith.addf %add3A_243, %mul3A_244 : vector<16xf32>
      %add3A_246 = arith.constant 512 : i32
      %add3A_247 = arith.addi %add3A_195, %add3A_246 : i32
      %swap3A_248 = arith.index_cast %add3A_247 : i32 to index
      %swap3A_249 = tpu.vector_load %arg20[%swap3A_248] {strides = array<i32>} : memref<4096xf32, #tpu.memory_space<vmem>>, vector<16xf32>,
      tpu.vector_store %arg20[%swap3A_248], %add3A_245 {strides = array<i32>} : memref<4096xf32, #tpu.memory_space<vmem>>, vector<16xf32>,
      %gather3A_250 = tpu.vector_load_idx %arg18[%add3A_197, %broadcast_in_dim3A_13] : memref<3072x8xf32, #tpu.memory_space<vmem>>[vector<16xi32>, vector<16xi32>], vector<16xf32>,
      %add3A_251 = arith.constant 512 : i32
      %add3A_252 = vector.broadcast %add3A_251 : i32 to vector<16xi32>
      %add3A_253 = arith.addi %add3A_197, %add3A_252 : vector<16xi32>
      %gather3A_254 = tpu.vector_load_idx %arg18[%add3A_253, %broadcast_in_dim3A_13] : memref<3072x8xf32, #tpu.memory_space<vmem>>[vector<16xi32>, vector<16xi32>], vector<16xf32>,
      %add3A_255 = arith.constant 1024 : i32
      %add3A_256 = vector.broadcast %add3A_255 : i32 to vector<16xi32>
      %add3A_257 = arith.addi %add3A_197, %add3A_256 : vector<16xi32>
      %gather3A_258 = tpu.vector_load_idx %arg18[%add3A_257, %broadcast_in_dim3A_13] : memref<3072x8xf32, #tpu.memory_space<vmem>>[vector<16xi32>, vector<16xi32>], vector<16xf32>,
      %mul3A_259 = arith.mulf %get3A_205, %gather3A_250 : vector<16xf32>
      %mul3A_260 = arith.mulf %get3A_209, %gather3A_254 : vector<16xf32>
      %add3A_261 = arith.addf %mul3A_259, %mul3A_260 : vector<16xf32>
      %mul3A_262 = arith.mulf %get3A_213, %gather3A_258 : vector<16xf32>
      %add3A_263 = arith.addf %add3A_261, %mul3A_262 : vector<16xf32>
      %add3A_264 = arith.constant 1024 : i32
      %add3A_265 = arith.addi %add3A_195, %add3A_264 : i32
      %swap3A_266 = arith.index_cast %add3A_265 : i32 to index
      %swap3A_267 = tpu.vector_load %arg20[%swap3A_266] {strides = array<i32>} : memref<4096xf32, #tpu.memory_space<vmem>>, vector<16xf32>,
      tpu.vector_store %arg20[%swap3A_266], %add3A_263 {strides = array<i32>} : memref<4096xf32, #tpu.memory_space<vmem>>, vector<16xf32>,
      %add3A_268 = arith.constant 1536 : i32
      %add3A_269 = arith.addi %add3A_195, %add3A_268 : i32
      %swap3A_270 = arith.index_cast %add3A_269 : i32 to index
      %swap3A_271 = tpu.vector_load %arg20[%swap3A_270] {strides = array<i32>} : memref<4096xf32, #tpu.memory_space<vmem>>, vector<16xf32>,
      tpu.vector_store %arg20[%swap3A_270], %select_n3A_203 {strides = array<i32>} : memref<4096xf32, #tpu.memory_space<vmem>>, vector<16xf32>,
      %scan3A_272 = arith.constant 2 : i32
      %scan3A_273 = arith.addi %scan3A_34, %scan3A_272 : i32
      %jit3A_274 = arith.constant 32 : i32
      %div3A_275 = arith.divsi %scan3A_273, %jit3A_274 : i32
      %sign3A_276 = arith.constant 0 : i32
      %sign3A_277 = arith.cmpi sgt, %scan3A_273, %sign3A_276 : i32
      %sign3A_278 = arith.extui %sign3A_277 : i1 to i32
      %sign3A_279 = arith.constant 0 : i32
      %sign3A_280 = arith.cmpi slt, %scan3A_273, %sign3A_279 : i32
      %sign3A_281 = arith.extui %sign3A_280 : i1 to i32
      %sign3A_282 = arith.subi %sign3A_278, %sign3A_281 : i32
      %sign3A_283 = arith.constant 0 : i32
      %sign3A_284 = arith.cmpi sgt, %jit3A_274, %sign3A_283 : i32
      %sign3A_285 = arith.extui %sign3A_284 : i1 to i32
      %sign3A_286 = arith.constant 0 : i32
      %sign3A_287 = arith.cmpi slt, %jit3A_274, %sign3A_286 : i32
      %sign3A_288 = arith.extui %sign3A_287 : i1 to i32
      %sign3A_289 = arith.subi %sign3A_285, %sign3A_288 : i32
      %ne3A_290 = arith.cmpi ne, %sign3A_282, %sign3A_289 : i32
      %rem3A_291 = arith.remsi %scan3A_273, %jit3A_274 : i32
      %ne3A_292 = arith.constant 0 : i32
      %ne3A_293 = arith.cmpi ne, %rem3A_291, %ne3A_292 : i32
      %and3A_294 = arith.andi %ne3A_290, %ne3A_293 : i1
      %sub3A_295 = arith.constant 1 : i32
      %sub3A_296 = arith.subi %div3A_275, %sub3A_295 : i32
      %select_n3A_297 = arith.select %and3A_294, %sub3A_296, %div3A_275 : i32
      %jit3A_298 = arith.constant 32 : i32
      %eq3A_299 = arith.constant 0 : i32
      %eq3A_300 = arith.cmpi eq, %jit3A_298, %eq3A_299 : i32
      %jit3A_301 = arith.constant 1 : i32
      %select_n3A_302 = arith.select %eq3A_300, %jit3A_301, %jit3A_298 : i32
      %rem3A_303 = arith.remsi %scan3A_273, %select_n3A_302 : i32
      %ne3A_304 = arith.constant 0 : i32
      %ne3A_305 = arith.cmpi ne, %rem3A_303, %ne3A_304 : i32
      %lt3A_306 = arith.constant 0 : i32
      %lt3A_307 = arith.cmpi slt, %rem3A_303, %lt3A_306 : i32
      %lt3A_308 = arith.constant 0 : i32
      %lt3A_309 = arith.cmpi slt, %select_n3A_302, %lt3A_308 : i32
      %ne3A_310 = arith.xori %lt3A_307, %lt3A_309 : i1
      %and3A_311 = arith.andi %ne3A_310, %ne3A_305 : i1
      %add3A_312 = arith.addi %rem3A_303, %select_n3A_302 : i32
      %select_n3A_313 = arith.select %and3A_311, %add3A_312, %rem3A_303 : i32
      %mul3A_314 = arith.constant 16 : i32
      %mul3A_315 = arith.muli %select_n3A_313, %mul3A_314 : i32
      %mul3A_316 = arith.constant 1536 : i32
      %mul3A_317 = arith.muli %select_n3A_297, %mul3A_316 : i32
      %add3A_318 = arith.addi %mul3A_317, %mul3A_315 : i32
      %mul3A_319 = arith.constant 2048 : i32
      %mul3A_320 = arith.muli %select_n3A_297, %mul3A_319 : i32
      %add3A_321 = arith.addi %mul3A_320, %mul3A_315 : i32
      %add3A_322 = vector.broadcast %add3A_318 : i32 to vector<16xi32>
      %add3A_323 = arith.addi %add3A_322, %iota3A : vector<16xi32>
      %mul3A_324 = arith.constant 16 : i32
      %mul3A_325 = arith.muli %scan3A_273, %mul3A_324 : i32
      %get3A_326 = arith.index_cast %mul3A_325 : i32 to index
      %get3A_327 = tpu.vector_load %arg10[%get3A_326] {strides = array<i32>} : memref<1024xi32, #tpu.memory_space<vmem>>, vector<16xi32>,
      %ne3A_328 = arith.cmpi ne, %get3A_327, %broadcast_in_dim3A_7 : vector<16xi32>
      %select_n3A_329 = arith.select %ne3A_328, %broadcast_in_dim3A_3, %broadcast_in_dim3A_5 : vector<16xi1>, vector<16xf32>
      %get3A_330 = arith.index_cast %add3A_318 : i32 to index
      %get3A_331 = tpu.vector_load %arg12[%get3A_330] {strides = array<i32>} : memref<3072xf32, #tpu.memory_space<vmem>>, vector<16xf32>,
      %add3A_332 = arith.constant 512 : i32
      %add3A_333 = arith.addi %add3A_318, %add3A_332 : i32
      %get3A_334 = arith.index_cast %add3A_333 : i32 to index
      %get3A_335 = tpu.vector_load %arg12[%get3A_334] {strides = array<i32>} : memref<3072xf32, #tpu.memory_space<vmem>>, vector<16xf32>,
      %add3A_336 = arith.constant 1024 : i32
      %add3A_337 = arith.addi %add3A_318, %add3A_336 : i32
      %get3A_338 = arith.index_cast %add3A_337 : i32 to index
      %get3A_339 = tpu.vector_load %arg12[%get3A_338] {strides = array<i32>} : memref<3072xf32, #tpu.memory_space<vmem>>, vector<16xf32>,
      %gather3A_340 = tpu.vector_load_idx %arg18[%add3A_323, %broadcast_in_dim3A_9] : memref<3072x8xf32, #tpu.memory_space<vmem>>[vector<16xi32>, vector<16xi32>], vector<16xf32>,
      %add3A_341 = arith.constant 512 : i32
      %add3A_342 = vector.broadcast %add3A_341 : i32 to vector<16xi32>
      %add3A_343 = arith.addi %add3A_323, %add3A_342 : vector<16xi32>
      %gather3A_344 = tpu.vector_load_idx %arg18[%add3A_343, %broadcast_in_dim3A_9] : memref<3072x8xf32, #tpu.memory_space<vmem>>[vector<16xi32>, vector<16xi32>], vector<16xf32>,
      %add3A_345 = arith.constant 1024 : i32
      %add3A_346 = vector.broadcast %add3A_345 : i32 to vector<16xi32>
      %add3A_347 = arith.addi %add3A_323, %add3A_346 : vector<16xi32>
      %gather3A_348 = tpu.vector_load_idx %arg18[%add3A_347, %broadcast_in_dim3A_9] : memref<3072x8xf32, #tpu.memory_space<vmem>>[vector<16xi32>, vector<16xi32>], vector<16xf32>,
      %mul3A_349 = arith.mulf %get3A_331, %gather3A_340 : vector<16xf32>
      %mul3A_350 = arith.mulf %get3A_335, %gather3A_344 : vector<16xf32>
      %add3A_351 = arith.addf %mul3A_349, %mul3A_350 : vector<16xf32>
      %mul3A_352 = arith.mulf %get3A_339, %gather3A_348 : vector<16xf32>
      %add3A_353 = arith.addf %add3A_351, %mul3A_352 : vector<16xf32>
      %add3A_354 = arith.constant 0 : i32
      %add3A_355 = arith.addi %add3A_321, %add3A_354 : i32
      %swap3A_356 = arith.index_cast %add3A_355 : i32 to index
      %swap3A_357 = tpu.vector_load %arg20[%swap3A_356] {strides = array<i32>} : memref<4096xf32, #tpu.memory_space<vmem>>, vector<16xf32>,
      tpu.vector_store %arg20[%swap3A_356], %add3A_353 {strides = array<i32>} : memref<4096xf32, #tpu.memory_space<vmem>>, vector<16xf32>,
      %gather3A_358 = tpu.vector_load_idx %arg18[%add3A_323, %broadcast_in_dim3A_11] : memref<3072x8xf32, #tpu.memory_space<vmem>>[vector<16xi32>, vector<16xi32>], vector<16xf32>,
      %add3A_359 = arith.constant 512 : i32
      %add3A_360 = vector.broadcast %add3A_359 : i32 to vector<16xi32>
      %add3A_361 = arith.addi %add3A_323, %add3A_360 : vector<16xi32>
      %gather3A_362 = tpu.vector_load_idx %arg18[%add3A_361, %broadcast_in_dim3A_11] : memref<3072x8xf32, #tpu.memory_space<vmem>>[vector<16xi32>, vector<16xi32>], vector<16xf32>,
      %add3A_363 = arith.constant 1024 : i32
      %add3A_364 = vector.broadcast %add3A_363 : i32 to vector<16xi32>
      %add3A_365 = arith.addi %add3A_323, %add3A_364 : vector<16xi32>
      %gather3A_366 = tpu.vector_load_idx %arg18[%add3A_365, %broadcast_in_dim3A_11] : memref<3072x8xf32, #tpu.memory_space<vmem>>[vector<16xi32>, vector<16xi32>], vector<16xf32>,
      %mul3A_367 = arith.mulf %get3A_331, %gather3A_358 : vector<16xf32>
      %mul3A_368 = arith.mulf %get3A_335, %gather3A_362 : vector<16xf32>
      %add3A_369 = arith.addf %mul3A_367, %mul3A_368 : vector<16xf32>
      %mul3A_370 = arith.mulf %get3A_339, %gather3A_366 : vector<16xf32>
      %add3A_371 = arith.addf %add3A_369, %mul3A_370 : vector<16xf32>
      %add3A_372 = arith.constant 512 : i32
      %add3A_373 = arith.addi %add3A_321, %add3A_372 : i32
      %swap3A_374 = arith.index_cast %add3A_373 : i32 to index
      %swap3A_375 = tpu.vector_load %arg20[%swap3A_374] {strides = array<i32>} : memref<4096xf32, #tpu.memory_space<vmem>>, vector<16xf32>,
      tpu.vector_store %arg20[%swap3A_374], %add3A_371 {strides = array<i32>} : memref<4096xf32, #tpu.memory_space<vmem>>, vector<16xf32>,
      %gather3A_376 = tpu.vector_load_idx %arg18[%add3A_323, %broadcast_in_dim3A_13] : memref<3072x8xf32, #tpu.memory_space<vmem>>[vector<16xi32>, vector<16xi32>], vector<16xf32>,
      %add3A_377 = arith.constant 512 : i32
      %add3A_378 = vector.broadcast %add3A_377 : i32 to vector<16xi32>
      %add3A_379 = arith.addi %add3A_323, %add3A_378 : vector<16xi32>
      %gather3A_380 = tpu.vector_load_idx %arg18[%add3A_379, %broadcast_in_dim3A_13] : memref<3072x8xf32, #tpu.memory_space<vmem>>[vector<16xi32>, vector<16xi32>], vector<16xf32>,
      %add3A_381 = arith.constant 1024 : i32
      %add3A_382 = vector.broadcast %add3A_381 : i32 to vector<16xi32>
      %add3A_383 = arith.addi %add3A_323, %add3A_382 : vector<16xi32>
      %gather3A_384 = tpu.vector_load_idx %arg18[%add3A_383, %broadcast_in_dim3A_13] : memref<3072x8xf32, #tpu.memory_space<vmem>>[vector<16xi32>, vector<16xi32>], vector<16xf32>,
      %mul3A_385 = arith.mulf %get3A_331, %gather3A_376 : vector<16xf32>
      %mul3A_386 = arith.mulf %get3A_335, %gather3A_380 : vector<16xf32>
      %add3A_387 = arith.addf %mul3A_385, %mul3A_386 : vector<16xf32>
      %mul3A_388 = arith.mulf %get3A_339, %gather3A_384 : vector<16xf32>
      %add3A_389 = arith.addf %add3A_387, %mul3A_388 : vector<16xf32>
      %add3A_390 = arith.constant 1024 : i32
      %add3A_391 = arith.addi %add3A_321, %add3A_390 : i32
      %swap3A_392 = arith.index_cast %add3A_391 : i32 to index
      %swap3A_393 = tpu.vector_load %arg20[%swap3A_392] {strides = array<i32>} : memref<4096xf32, #tpu.memory_space<vmem>>, vector<16xf32>,
      tpu.vector_store %arg20[%swap3A_392], %add3A_389 {strides = array<i32>} : memref<4096xf32, #tpu.memory_space<vmem>>, vector<16xf32>,
      %add3A_394 = arith.constant 1536 : i32
      %add3A_395 = arith.addi %add3A_321, %add3A_394 : i32
      %swap3A_396 = arith.index_cast %add3A_395 : i32 to index
      %swap3A_397 = tpu.vector_load %arg20[%swap3A_396] {strides = array<i32>} : memref<4096xf32, #tpu.memory_space<vmem>>, vector<16xf32>,
      tpu.vector_store %arg20[%swap3A_396], %select_n3A_329 {strides = array<i32>} : memref<4096xf32, #tpu.memory_space<vmem>>, vector<16xf32>,
      %scan3A_398 = arith.constant 3 : i32
      %scan3A_399 = arith.addi %scan3A_34, %scan3A_398 : i32
      %jit3A_400 = arith.constant 32 : i32
      %div3A_401 = arith.divsi %scan3A_399, %jit3A_400 : i32
      %sign3A_402 = arith.constant 0 : i32
      %sign3A_403 = arith.cmpi sgt, %scan3A_399, %sign3A_402 : i32
      %sign3A_404 = arith.extui %sign3A_403 : i1 to i32
      %sign3A_405 = arith.constant 0 : i32
      %sign3A_406 = arith.cmpi slt, %scan3A_399, %sign3A_405 : i32
      %sign3A_407 = arith.extui %sign3A_406 : i1 to i32
      %sign3A_408 = arith.subi %sign3A_404, %sign3A_407 : i32
      %sign3A_409 = arith.constant 0 : i32
      %sign3A_410 = arith.cmpi sgt, %jit3A_400, %sign3A_409 : i32
      %sign3A_411 = arith.extui %sign3A_410 : i1 to i32
      %sign3A_412 = arith.constant 0 : i32
      %sign3A_413 = arith.cmpi slt, %jit3A_400, %sign3A_412 : i32
      %sign3A_414 = arith.extui %sign3A_413 : i1 to i32
      %sign3A_415 = arith.subi %sign3A_411, %sign3A_414 : i32
      %ne3A_416 = arith.cmpi ne, %sign3A_408, %sign3A_415 : i32
      %rem3A_417 = arith.remsi %scan3A_399, %jit3A_400 : i32
      %ne3A_418 = arith.constant 0 : i32
      %ne3A_419 = arith.cmpi ne, %rem3A_417, %ne3A_418 : i32
      %and3A_420 = arith.andi %ne3A_416, %ne3A_419 : i1
      %sub3A_421 = arith.constant 1 : i32
      %sub3A_422 = arith.subi %div3A_401, %sub3A_421 : i32
      %select_n3A_423 = arith.select %and3A_420, %sub3A_422, %div3A_401 : i32
      %jit3A_424 = arith.constant 32 : i32
      %eq3A_425 = arith.constant 0 : i32
      %eq3A_426 = arith.cmpi eq, %jit3A_424, %eq3A_425 : i32
      %jit3A_427 = arith.constant 1 : i32
      %select_n3A_428 = arith.select %eq3A_426, %jit3A_427, %jit3A_424 : i32
      %rem3A_429 = arith.remsi %scan3A_399, %select_n3A_428 : i32
      %ne3A_430 = arith.constant 0 : i32
      %ne3A_431 = arith.cmpi ne, %rem3A_429, %ne3A_430 : i32
      %lt3A_432 = arith.constant 0 : i32
      %lt3A_433 = arith.cmpi slt, %rem3A_429, %lt3A_432 : i32
      %lt3A_434 = arith.constant 0 : i32
      %lt3A_435 = arith.cmpi slt, %select_n3A_428, %lt3A_434 : i32
      %ne3A_436 = arith.xori %lt3A_433, %lt3A_435 : i1
      %and3A_437 = arith.andi %ne3A_436, %ne3A_431 : i1
      %add3A_438 = arith.addi %rem3A_429, %select_n3A_428 : i32
      %select_n3A_439 = arith.select %and3A_437, %add3A_438, %rem3A_429 : i32
      %mul3A_440 = arith.constant 16 : i32
      %mul3A_441 = arith.muli %select_n3A_439, %mul3A_440 : i32
      %mul3A_442 = arith.constant 1536 : i32
      %mul3A_443 = arith.muli %select_n3A_423, %mul3A_442 : i32
      %add3A_444 = arith.addi %mul3A_443, %mul3A_441 : i32
      %mul3A_445 = arith.constant 2048 : i32
      %mul3A_446 = arith.muli %select_n3A_423, %mul3A_445 : i32
      %add3A_447 = arith.addi %mul3A_446, %mul3A_441 : i32
      %add3A_448 = vector.broadcast %add3A_444 : i32 to vector<16xi32>
      %add3A_449 = arith.addi %add3A_448, %iota3A : vector<16xi32>
      %mul3A_450 = arith.constant 16 : i32
      %mul3A_451 = arith.muli %scan3A_399, %mul3A_450 : i32
      %get3A_452 = arith.index_cast %mul3A_451 : i32 to index
      %get3A_453 = tpu.vector_load %arg10[%get3A_452] {strides = array<i32>} : memref<1024xi32, #tpu.memory_space<vmem>>, vector<16xi32>,
      %ne3A_454 = arith.cmpi ne, %get3A_453, %broadcast_in_dim3A_7 : vector<16xi32>
      %select_n3A_455 = arith.select %ne3A_454, %broadcast_in_dim3A_3, %broadcast_in_dim3A_5 : vector<16xi1>, vector<16xf32>
      %get3A_456 = arith.index_cast %add3A_444 : i32 to index
      %get3A_457 = tpu.vector_load %arg12[%get3A_456] {strides = array<i32>} : memref<3072xf32, #tpu.memory_space<vmem>>, vector<16xf32>,
      %add3A_458 = arith.constant 512 : i32
      %add3A_459 = arith.addi %add3A_444, %add3A_458 : i32
      %get3A_460 = arith.index_cast %add3A_459 : i32 to index
      %get3A_461 = tpu.vector_load %arg12[%get3A_460] {strides = array<i32>} : memref<3072xf32, #tpu.memory_space<vmem>>, vector<16xf32>,
      %add3A_462 = arith.constant 1024 : i32
      %add3A_463 = arith.addi %add3A_444, %add3A_462 : i32
      %get3A_464 = arith.index_cast %add3A_463 : i32 to index
      %get3A_465 = tpu.vector_load %arg12[%get3A_464] {strides = array<i32>} : memref<3072xf32, #tpu.memory_space<vmem>>, vector<16xf32>,
      %gather3A_466 = tpu.vector_load_idx %arg18[%add3A_449, %broadcast_in_dim3A_9] : memref<3072x8xf32, #tpu.memory_space<vmem>>[vector<16xi32>, vector<16xi32>], vector<16xf32>,
      %add3A_467 = arith.constant 512 : i32
      %add3A_468 = vector.broadcast %add3A_467 : i32 to vector<16xi32>
      %add3A_469 = arith.addi %add3A_449, %add3A_468 : vector<16xi32>
      %gather3A_470 = tpu.vector_load_idx %arg18[%add3A_469, %broadcast_in_dim3A_9] : memref<3072x8xf32, #tpu.memory_space<vmem>>[vector<16xi32>, vector<16xi32>], vector<16xf32>,
      %add3A_471 = arith.constant 1024 : i32
      %add3A_472 = vector.broadcast %add3A_471 : i32 to vector<16xi32>
      %add3A_473 = arith.addi %add3A_449, %add3A_472 : vector<16xi32>
      %gather3A_474 = tpu.vector_load_idx %arg18[%add3A_473, %broadcast_in_dim3A_9] : memref<3072x8xf32, #tpu.memory_space<vmem>>[vector<16xi32>, vector<16xi32>], vector<16xf32>,
      %mul3A_475 = arith.mulf %get3A_457, %gather3A_466 : vector<16xf32>
      %mul3A_476 = arith.mulf %get3A_461, %gather3A_470 : vector<16xf32>
      %add3A_477 = arith.addf %mul3A_475, %mul3A_476 : vector<16xf32>
      %mul3A_478 = arith.mulf %get3A_465, %gather3A_474 : vector<16xf32>
      %add3A_479 = arith.addf %add3A_477, %mul3A_478 : vector<16xf32>
      %add3A_480 = arith.constant 0 : i32
      %add3A_481 = arith.addi %add3A_447, %add3A_480 : i32
      %swap3A_482 = arith.index_cast %add3A_481 : i32 to index
      %swap3A_483 = tpu.vector_load %arg20[%swap3A_482] {strides = array<i32>} : memref<4096xf32, #tpu.memory_space<vmem>>, vector<16xf32>,
      tpu.vector_store %arg20[%swap3A_482], %add3A_479 {strides = array<i32>} : memref<4096xf32, #tpu.memory_space<vmem>>, vector<16xf32>,
      %gather3A_484 = tpu.vector_load_idx %arg18[%add3A_449, %broadcast_in_dim3A_11] : memref<3072x8xf32, #tpu.memory_space<vmem>>[vector<16xi32>, vector<16xi32>], vector<16xf32>,
      %add3A_485 = arith.constant 512 : i32
      %add3A_486 = vector.broadcast %add3A_485 : i32 to vector<16xi32>
      %add3A_487 = arith.addi %add3A_449, %add3A_486 : vector<16xi32>
      %gather3A_488 = tpu.vector_load_idx %arg18[%add3A_487, %broadcast_in_dim3A_11] : memref<3072x8xf32, #tpu.memory_space<vmem>>[vector<16xi32>, vector<16xi32>], vector<16xf32>,
      %add3A_489 = arith.constant 1024 : i32
      %add3A_490 = vector.broadcast %add3A_489 : i32 to vector<16xi32>
      %add3A_491 = arith.addi %add3A_449, %add3A_490 : vector<16xi32>
      %gather3A_492 = tpu.vector_load_idx %arg18[%add3A_491, %broadcast_in_dim3A_11] : memref<3072x8xf32, #tpu.memory_space<vmem>>[vector<16xi32>, vector<16xi32>], vector<16xf32>,
      %mul3A_493 = arith.mulf %get3A_457, %gather3A_484 : vector<16xf32>
      %mul3A_494 = arith.mulf %get3A_461, %gather3A_488 : vector<16xf32>
      %add3A_495 = arith.addf %mul3A_493, %mul3A_494 : vector<16xf32>
      %mul3A_496 = arith.mulf %get3A_465, %gather3A_492 : vector<16xf32>
      %add3A_497 = arith.addf %add3A_495, %mul3A_496 : vector<16xf32>
      %add3A_498 = arith.constant 512 : i32
      %add3A_499 = arith.addi %add3A_447, %add3A_498 : i32
      %swap3A_500 = arith.index_cast %add3A_499 : i32 to index
      %swap3A_501 = tpu.vector_load %arg20[%swap3A_500] {strides = array<i32>} : memref<4096xf32, #tpu.memory_space<vmem>>, vector<16xf32>,
      tpu.vector_store %arg20[%swap3A_500], %add3A_497 {strides = array<i32>} : memref<4096xf32, #tpu.memory_space<vmem>>, vector<16xf32>,
      %gather3A_502 = tpu.vector_load_idx %arg18[%add3A_449, %broadcast_in_dim3A_13] : memref<3072x8xf32, #tpu.memory_space<vmem>>[vector<16xi32>, vector<16xi32>], vector<16xf32>,
      %add3A_503 = arith.constant 512 : i32
      %add3A_504 = vector.broadcast %add3A_503 : i32 to vector<16xi32>
      %add3A_505 = arith.addi %add3A_449, %add3A_504 : vector<16xi32>
      %gather3A_506 = tpu.vector_load_idx %arg18[%add3A_505, %broadcast_in_dim3A_13] : memref<3072x8xf32, #tpu.memory_space<vmem>>[vector<16xi32>, vector<16xi32>], vector<16xf32>,
      %add3A_507 = arith.constant 1024 : i32
      %add3A_508 = vector.broadcast %add3A_507 : i32 to vector<16xi32>
      %add3A_509 = arith.addi %add3A_449, %add3A_508 : vector<16xi32>
      %gather3A_510 = tpu.vector_load_idx %arg18[%add3A_509, %broadcast_in_dim3A_13] : memref<3072x8xf32, #tpu.memory_space<vmem>>[vector<16xi32>, vector<16xi32>], vector<16xf32>,
      %mul3A_511 = arith.mulf %get3A_457, %gather3A_502 : vector<16xf32>
      %mul3A_512 = arith.mulf %get3A_461, %gather3A_506 : vector<16xf32>
      %add3A_513 = arith.addf %mul3A_511, %mul3A_512 : vector<16xf32>
      %mul3A_514 = arith.mulf %get3A_465, %gather3A_510 : vector<16xf32>
      %add3A_515 = arith.addf %add3A_513, %mul3A_514 : vector<16xf32>
      %add3A_516 = arith.constant 1024 : i32
      %add3A_517 = arith.addi %add3A_447, %add3A_516 : i32
      %swap3A_518 = arith.index_cast %add3A_517 : i32 to index
      %swap3A_519 = tpu.vector_load %arg20[%swap3A_518] {strides = array<i32>} : memref<4096xf32, #tpu.memory_space<vmem>>, vector<16xf32>,
      tpu.vector_store %arg20[%swap3A_518], %add3A_515 {strides = array<i32>} : memref<4096xf32, #tpu.memory_space<vmem>>, vector<16xf32>,
      %add3A_520 = arith.constant 1536 : i32
      %add3A_521 = arith.addi %add3A_447, %add3A_520 : i32
      %swap3A_522 = arith.index_cast %add3A_521 : i32 to index
      %swap3A_523 = tpu.vector_load %arg20[%swap3A_522] {strides = array<i32>} : memref<4096xf32, #tpu.memory_space<vmem>>, vector<16xf32>,
      tpu.vector_store %arg20[%swap3A_522], %select_n3A_455 {strides = array<i32>} : memref<4096xf32, #tpu.memory_space<vmem>>, vector<16xf32>,
    }
    %scan3A_29 = arith.constant 64 : i32
    %mul3A_30 = arith.constant 4 : i32
    %mul3A_31 = arith.muli %mul3A_30, %add3A_21 : i32
    "tpu.region"() ({
      %run_scoped3A = tpu.sem_alloc : memref<!tpu.dma_semaphore, #tpu.memory_space<semaphore_mem>>
      %dma_start3A_34 = tpu.memref_slice %arg6[%mul3A_31] : memref<4194304xf32, #tpu.memory_space<hbm>> -> memref<4096xf32, #tpu.memory_space<hbm>>
      %dma_start3A_35 = tpu.memref_slice %arg6[%mul3A_31] : memref<4194304xf32, #tpu.memory_space<hbm>> -> memref<4096xf32, #tpu.memory_space<hbm>>
      tpu.enqueue_dma source(%arg20 : memref<4096xf32, #tpu.memory_space<vmem>>) target(%dma_start3A_35 : memref<4096xf32, #tpu.memory_space<hbm>>) target_semaphore(%run_scoped3A : memref<!tpu.dma_semaphore, #tpu.memory_space<semaphore_mem>>)
      %dma_wait3A_36 = tpu.memref_slice %arg6[%mul3A_31] : memref<4194304xf32, #tpu.memory_space<hbm>> -> memref<4096xf32, #tpu.memory_space<hbm>>
      %dma_wait3A_37 = tpu.memref_slice %arg6[%mul3A_31] : memref<4194304xf32, #tpu.memory_space<hbm>> -> memref<4096xf32, #tpu.memory_space<hbm>>
      tpu.wait_dma2 semaphore(%run_scoped3A : memref<!tpu.dma_semaphore, #tpu.memory_space<semaphore_mem>>) src(%arg20 : memref<4096xf32, #tpu.memory_space<vmem>>) dst(%dma_wait3A_37 : memref<4096xf32, #tpu.memory_space<hbm>>)
      tpu.yield
    }) : () -> ()
    %dma_wait3A_32 = tpu.memref_slice %arg2[%mul3A_2] : memref<1048576xi32, #tpu.memory_space<hbm>> -> memref<1024xi32, #tpu.memory_space<hbm>>
    %dma_wait3A_33 = tpu.memref_slice %arg2[%mul3A_2] : memref<1048576xi32, #tpu.memory_space<hbm>> -> memref<1024xi32, #tpu.memory_space<hbm>>
    tpu.wait_dma2 semaphore(%arg21 : memref<!tpu.dma_semaphore, #tpu.memory_space<semaphore_mem>>) src(%dma_wait3A_33 : memref<1024xi32, #tpu.memory_space<hbm>>) dst(%arg9 : memref<1024xi32, #tpu.memory_space<vmem>>)
    return
  }
}

</mosaic_0001>

<sc_bundles>
// kernel: _sc_call.3.cloned.1.call-start
scs
__scs_entry_jumppad:
0x0: {  	(pc) =	sbr.rel $0x88, $3  }
0x1: {  	(tag) =	ssettag $0x0;
	lr =	simm.s32 $0x1  }
0x2: {  	[smem:$0x3F9D] =	sst lr;
	_ =	strace $0xD0000000  }
0x3: {  	_ = 	snop  }
0x4: {  	_ = 	snop  }
0x5: {  	_ = 	snop  }
0x6: {  	_ = 	snop  }
0x7: {  	_ = 	snop  }
__scs_overlays_trampoline_lowered:
0x8: {  	[smem:$0x3FAC] =	sst s0  }
0x9: {  	[smem:$0x3FAD] =	sst s1  }
0xa: {  	[smem:$0x3FAE] =	sst s2  }
0xb: {  	[smem:$0x3FAF] =	sst s3  }
0xc: {  	[smem:$0x3FB0] =	sst s4  }
0xd: {  	[smem:$0x3FB1] =	sst s5  }
0xe: {  	[smem:$0x3FB2] =	sst s6  }
0xf: {  	[smem:$0x3FB3] =	sst s7  }
0x10: {  	[smem:$0x3FB4] =	sst s8  }
0x11: {  	[smem:$0x3FB5] =	sst s9;
	s0 =	simm.s32 @!p0 $0x0  }
0x12: {  	s1 =	sld [smem:$0x3F9B];
	s0 =	simm.s32 @p0 $0x1  }
0x13: {  	[smem:$0x3FB6] =	sst s0;
	s0 =	simm.s32 @!p1 $0x0  }
0x14: {  	s2 =	sld [smem:$0x3F9A];
	s0 =	simm.s32 @p1 $0x1  }
0x15: {  	[smem:$0x3FB7] =	sst s0;
	s0 =	simm.s32 @!p2 $0x0  }
0x16: {  	s3 =	sld [smem:$0x3FDB];
	s0 =	simm.s32 @p2 $0x1  }
0x17: {  	s4 =	simm.s32 $0x1BF5;
	[smem:$0x3FB9] =	sst s0  }
0x18: {  	s0 =	sld [smem:$0x3F9C];
	_ =	swait.ge [sflag:s4], $0x0  }
0x19: {  	s7 =	sld [smem:$0x3F9D]  }
0x1a: {  	s8 =	sadd.s32 $0xFFFFE003, lr  }
0x1b: {  	s9 =	sadd.s32 $0xFFFFFEF7, lr;
	s5 =	simm.s32 $0xFFFFFFFF;
	p2 =	slt.u32 s8, $0xFFFFF086  }
0x1c: {  	p1 =	slt.u32 s9, $0xF7A;
	s5 =	simm.s32 @!p2 $0x0  }
0x1d: {  	s5 =	simm.s32 @p1 $0x1;
	p0 =	seq.s32 s7, s2  }
0x1e: {  	s7 =	smul.u32 @!p0 $0xF7A, s2;
	p2 =	seq.s32 @!p0 s5, $0x0  }
0x1f: {  	s9 =	smul.u32 $0xF7A, s1;
	s8 =	simm.s32 @!p0 $0x1BF5;
	p2 =	por !p2, p0  }
0x20: {  	[sflag:s8] =	ssyncset.s32 @!p0 $0xFFFFF086;
	s6 =	sadd.s32 @!p0 s3, s7;
	s7 =	simm.s32 @!p0 $0x108  }
0x21: {  	s3 =	sadd.s32 s3, s9;
	s6 =	sadd.s32 @!p0 $0x88, s6;
	s7 =	simm.s32 @p2 $0x1082  }
0x22: {  	[simem:s7], [sflag:s8] =	dma.local @!p0 [hbm:s6], $0xF7A  }
0x23: {  	s9 =	sor.u32 $0xD0000000, s2;
	s6 =	simm.s32 $0x108;
	_ =	swait.ge @!p0 [sflag:s8], $0x0  }
0x24: {  	s3 =	sadd.s32 $0x88, s3;
	s6 =	simm.s32 @!p1 $0x1082;
	[sflag:s4] =	ssyncset.s32 $0xFFFFF086  }
0x25: {  	[simem:s6], [sflag:s4] =	dma.local [hbm:s3], $0xF7A  }
0x26: {  	[smem:$0x3F9D] =	sst s1;
	(tag) =	ssettag s2;
	_ =	strace s9  }
0x27: {  	s1 =	sld [smem:$0x3FAD]  }
0x28: {  	s2 =	sld [smem:$0x3FAE]  }
0x29: {  	s4 =	sld [smem:$0x3FB0]  }
0x2a: {  	p0 =	seq.s32 s5, $0x0;
	s5 =	sld [smem:$0x3FB1]  }
0x2b: {  	s6 =	sld [smem:$0x3FB2]  }
0x2c: {  	s7 =	sld [smem:$0x3FB3]  }
0x2d: {  	s3 =	simm.s32 $0x108;
	s8 =	sld [smem:$0x3FB4]  }
0x2e: {  	s3 =	simm.s32 @!p0 $0x1082;
	s9 =	sld [smem:$0x3FB5]  }
0x2f: {  	lr =	sadd.s32 s0, s3;
	s0 =	sld [smem:$0x3FAC]  }
0x30: {  	s3 =	sld [smem:$0x3FAF]  }
0x31: {  	[smem:$0x3FB8] =	sst s10  }
0x32: {  	s10 =	sld [smem:$0x3FB6];
	_ =	sdelay $0x3  }
0x33: {  	p0 =	seq.s32 s10, $0x1;
	s10 =	sld [smem:$0x3FB8];
	_ =	sdelay $0x3  }
0x34: {  	[smem:$0x3FB8] =	sst s10  }
0x35: {  	s10 =	sld [smem:$0x3FB7];
	_ =	sdelay $0x3  }
0x36: {  	p1 =	seq.s32 s10, $0x1;
	s10 =	sld [smem:$0x3FB8];
	_ =	sdelay $0x3  }
0x37: {  	[smem:$0x3FB8] =	sst s10  }
0x38: {  	s10 =	sld [smem:$0x3FB9]  }
0x39: {  	_ = 	snop;
	(pc) =	sbr.ind lr, $3  }
0x3a: {  	_ = 	snop  }
0x3b: {  	_ = 	snop  }
0x3c: {  	p2 =	seq.s32 s10, $0x1;
	s10 =	sld [smem:$0x3FB8]  }
0x3d: {  	_ =	shalt  }
0x3e: {  	_ =	shalt  }
0x3f: {  	_ =	shalt  }
0x40: {  	_ =	shalt  }
0x41: {  	_ =	shalt  }
0x42: {  	_ =	shalt  }
0x43: {  	_ =	shalt  }
0x44: {  	_ =	shalt  }
0x45: {  	_ =	shalt  }
0x46: {  	_ =	shalt  }
0x47: {  	_ =	shalt  }
0x48: {  	_ =	shalt  }
0x49: {  	_ =	shalt  }
0x4a: {  	_ =	shalt  }
0x4b: {  	_ =	shalt  }
0x4c: {  	_ =	shalt  }
0x4d: {  	_ =	shalt  }
0x4e: {  	_ =	shalt  }
0x4f: {  	_ =	shalt  }
0x50: {  	_ =	shalt  }
0x51: {  	_ =	shalt  }
0x52: {  	_ =	shalt  }
0x53: {  	_ =	shalt  }
0x54: {  	_ =	shalt  }
0x55: {  	_ =	shalt  }
0x56: {  	_ =	shalt  }
0x57: {  	_ =	shalt  }
0x58: {  	_ =	shalt  }
0x59: {  	_ =	shalt  }
0x5a: {  	_ =	shalt  }
0x5b: {  	_ =	shalt  }
0x5c: {  	_ =	shalt  }
0x5d: {  	_ =	shalt  }
0x5e: {  	_ =	shalt  }
0x5f: {  	_ =	shalt  }
0x60: {  	_ =	shalt  }
0x61: {  	_ =	shalt  }
0x62: {  	_ =	shalt  }
0x63: {  	_ =	shalt  }
0x64: {  	_ =	shalt  }
0x65: {  	_ =	shalt  }
0x66: {  	_ =	shalt  }
0x67: {  	_ =	shalt  }
0x68: {  	_ =	shalt  }
0x69: {  	_ =	shalt  }
0x6a: {  	_ =	shalt  }
0x6b: {  	_ =	shalt  }
0x6c: {  	_ =	shalt  }
0x6d: {  	_ =	shalt  }
0x6e: {  	_ =	shalt  }
0x6f: {  	_ =	shalt  }
0x70: {  	_ =	shalt  }
0x71: {  	_ =	shalt  }
0x72: {  	_ =	shalt  }
0x73: {  	_ =	shalt  }
0x74: {  	_ =	shalt  }
0x75: {  	_ =	shalt  }
0x76: {  	_ =	shalt  }
0x77: {  	_ =	shalt  }
0x78: {  	_ =	shalt  }
0x79: {  	_ =	shalt  }
0x7a: {  	_ =	shalt  }
0x7b: {  	_ =	shalt  }
0x7c: {  	_ =	shalt  }
0x7d: {  	_ =	shalt  }
0x7e: {  	_ =	shalt  }
0x7f: {  	_ =	shalt  }
0x80: {  	_ =	shalt  }
0x81: {  	_ =	shalt  }
0x82: {  	_ =	shalt  }
0x83: {  	_ =	shalt  }
0x84: {  	_ =	shalt  }
0x85: {  	_ =	shalt  }
0x86: {  	_ =	shalt  }
0x87: {  	_ =	shalt  }
.Lfunc_end0:
.L_simem_size_0:
called_computation_lowered:
.L_overlay_start_0:
0x88: {  	s2 =	sld [smem:$0x3FD9]  }
0x89: {  	s3 =	sld [smem:$0x3FFE];
	_ =	sdelay $0x1  }
0x8a: {  	s1 =	srdreg.scid  }
0x8b: {  	s0 =	sand.u32 $0x1, s1  }
0x8c: {  	s14 =	sshll.u32 s0, $0xA;
	s2 =	sadd.s32 s3, s2  }
0x8d: {  	s2 =	sadd.s32 s2, s14  }
0x8e: {  	[smem:$0x3FC4] =	sst s2  }
0x8f: {  	_ = 	snop  }
0x90: {  	s2 =	sld [smem:$0x3FD0];
	_ =	sdelay $0x1  }
0x91: {  	s15 =	sld [smem:$0x3FC9]  }
0x92: {  	s5 =	simm.s32 $0xA;
	s6 =	simm.s32 $0x10;
	s4 =	sld [smem:$0x3FC8]  }
0x93: {  	[smem:s6], [sflag:s5] =	dma.local [hbm:s2], $0x1  }
0x94: {  	_ =	swait.eq [sflag:s5], $0x1  }
0x95: {  	s16 =	sld [smem:$0x10];
	[sflag:s5] =	ssyncset.done $0x0  }
0x96: {  	s17 =	sld [smem:$0x11];
	[sflag:s5] =	ssyncadd.s32 $0xFFFFFFFF  }
0x97: {  	s18 =	sld [smem:$0x12];
	(tm) =	ssettm $0x1  }
0x98: {  	s7 =	sld [smem:$0x3FFB];
	_ =	sdelay $0x3  }
0x99: {  	_ =	strace s7  }
0x9a: {  	s7 =	sld [smem:$0x3FFC];
	_ =	sdelay $0x3  }
0x9b: {  	_ =	strace s7  }
0x9c: {  	s7 =	sld [smem:$0x3FFD];
	_ =	sdelay $0x3  }
0x9d: {  	_ =	strace s7  }
0x9e: {  	_ =	strace $0x8FFFFFFF  }
0x9f: {  	s19 =	sld [smem:$0x3FDB];
	_ =	sdelay $0x1  }
0xa0: {  	s8 =	simm.s32 $_scs_section_size  }
0xa1: {  	s9 =	simm.s32 $_size__tile_overlayer_lowered;
	s10 =	simm.s32 $_tile_overlayer_lowered  }
0xa2: {  	s22 =	simm.s32 $0x1BFF;
	s21 =	sshll.u32 s10, $0x1;
	s7 =	sadd.s32 s8, s19  }
0xa3: {  	s11 =	simm.s32 $0x0;
	s20 =	sshll.u32 s9, $0x1;
	s9 =	sadd.s32 s21, s7  }
0xa4: {  	[timem:s11], [sflag:s22] =	dma.local [hbm:s9], s20  }
0xa5: {  	_ =	swait.ge [sflag:s22], s20  }
0xa6: {  	s8 =	ssub.s32 $0x0, s20;
	[sflag:s22] =	ssyncset.done $0x0  }
0xa7: {  	[sflag:s22] =	ssyncadd.s32 s8;
	_ =	sdelay $0x1  }
0xa8: {  	s23 =	simm.s32 $0x1B8B  }
0xa9: {  	_ =	swait.ge [sflag:s23], $0x1  }
0xaa: {  	[sflag:s23] =	ssyncset.done $0x0  }
0xab: {  	s25 =	simm.s32 $0x1B8E;
	s24 =	sld [smem:$0x3FFE];
	[sflag:s23] =	ssyncadd.s32 $0xFFFFFFFF  }
0xac: {  	s26 =	simm.s32 $execute0_lowered;
	[smem:$0x3FD2] =	sst s25  }
0xad: {  	s9 =	sshll.u32 s26, $0x1;
	_ =	strace $0x80000046;
	[dreg:$0x1] =	wrdreg $0xFFFFFFFF  }
0xae: {  	s28 =	simm.s32 $_size_execute0_lowered;
	s7 =	sadd.s32 s7, s9;
	[dreg:$0x0] =	wrdreg $0x0  }
0xaf: {  	s9 =	sshll.u32 s28, $0x1;
	[dreg:$0x2] =	wrdreg s7  }
0xb0: {  	[dreg:$0x3] =	wrdreg s9  }
0xb1: {  	[dreg:$0x4] =	wrdreg $0xC0  }
0xb2: {  	_ =	task [dreg:s11], $0x5FFFF  }
0xb3: {  	[dreg:$0x1] =	wrdreg $0xFFFFFFFF  }
0xb4: {  	[dreg:$0x0] =	wrdreg $0x60  }
0xb5: {  	[dreg:$0x2] =	wrdreg s15  }
0xb6: {  	[dreg:$0x3] =	wrdreg s4  }
0xb7: {  	[dreg:$0x4] =	wrdreg s24  }
0xb8: {  	[dreg:$0x5] =	wrdreg s16  }
0xb9: {  	[dreg:$0x6] =	wrdreg s17  }
0xba: {  	[dreg:$0x7] =	wrdreg s18  }
0xbb: {  	[dreg:$0x8] =	wrdreg $0x9  }
0xbc: {  	_ =	task.clear_ibuf [dreg:s11], $0x9FFFF;
	_ =	strace $0x90000046  }
0xbd: {  	s29 =	simm.s32 $0x9;
	_ =	strace $0x80000048  }
0xbe: {  	_ =	swait.ge [sflag:s29], $0x1  }
0xbf: {  	[sflag:s29] =	ssyncadd.s32 $0xFFFFFFFF  }
0xc0: {  	_ =	strace $0x90000048  }
0xc1: {  	_ =	sfence  }
0xc2: {  	s30 =	sld [smem:$0x0];
	_ =	sdelay $0x2  }
0xc3: {  	s31 =	sshll.u32 s1, $0xD;
	s1 =	sshrl.u32 s1, $0x2  }
0xc4: {  	s3 =	sand.u32 $0x4000, s31;
	s1 =	sadd.s32 s1, s30  }
0xc5: {  	s0 =	sor.u32 s3, s0;
	s1 =	sshll.u32 s1, $0x11  }
0xc6: {  	s0 =	sor.u32 s1, s0  }
0xc7: {  	s0 =	sadd.s32 $0x8F2B, s0  }
0xc8: {  	[sflag:s0] =	ssyncadd.remote.s32 $0x1  }
0xc9: {  	_ =	sfence.sel $0xFFFF  }
0xca: {  	[dreg:$0x0] =	wrdreg $0xFFFFFFFF;
	(pc) =	sbr.abs _section_cstart, $3  }
0xcb: {  	[dreg:$0x1] =	wrdreg $0xFFFFFFFF  }
0xcc: {  	_ =	task.clear_ibuf [dreg:s11], $0x2FFFF;
	_ =	strace $0x9FFFFFFF  }
0xcd: {  	(tm) =	ssettm $0x7FFFFFFF  }
tec
execute0_lowered:
.L_overlay_start_1:
0x0: {  	(tag) =	ssettag $0x1  }
0x1: {  	s4 =	rddreg [dreg:$0x0]  }
0x2: {  	s0 =	rddreg [dreg:$0x2]  }
0x3: {  	s5 =	rddreg [dreg:$0x3]  }
0x4: {  	s7 =	simm.s32 $0x0;
	s1 =	srdreg.scid;
	s2 =	stileid.u32  }
0x5: {  	s14 =	simm.s32 $0x1;
	s15 =	simm.s32 $0x400;
	s16 =	simm.s32 $0x2000  }
0x6: {  	s17 =	simm.s32 $0x800;
	s18 =	simm.s32 $0x3;
	s20 =	simm.s32 $0x6000  }
0x7: {  	s21 =	simm.s32 $0x7800;
	s22 =	simm.s32 $0x9;
	s23 =	simm.s32 $0x5  }
0x8: {  	s28 =	simm.s32 $0x4;
	s29 =	simm.s32 $0x6C00;
	s30 =	simm.s32 $0xD800  }
0x9: {  	s31 =	simm.s32 $0x6;
	[smem:$0x7FF] =	sst s7;
	s1 =	sand.u32 $0x1, s1  }
0xa: {  	s8 =	sadd.s32 $0x187400, s0;
	s2 =	sshll.u32 s2, $0x10;
	s9 =	sadd.s32 $0xA00, s0  }
0xb: {  	s19 =	smov.u32 s4;
	s3 =	sshll.u32 s1, $0xF;
	s24 =	ssub.s32 $0x2, s1  }
0xc: {  	_ =	strace $0x80000047;
	s10 =	sor.u32 s3, s2;
	s1 =	sshrl.u32 s24, $0x1  }
0xd: {  	s2 =	sshrl.u32 s10, $0x3;
	s3 =	sshrl.u32 s10, $0x1;
	s0 =	ssub.s32 s24, s1  }
0xe: {  	v0 =	vlaneseq.u32;
	s24 =	simm.s32 $0x2;
	s25 =	sadd.s32 s4, s2;
	s26 =	sadd.s32 s3, s5  }
0xf: {  	v0 =	vmul.u32 $0x8, v0;
	s0 =	smax.u32 s0, $0x1;
	s2 =	simm.s32 $0x0;
	[dreg:$0x7] =	wrdreg s25  }
0x10: {  	s1 =	sadd.s32 $0x3E00, s26;
	[dreg:$0x9] =	wrdreg s0;
	s25 =	simm.s32 $0x4000  }
0x11: {  	v1 =	vimm.f32 $1.000000000e+00;
	v2 =	vor.u32 $0x2000, v0;
	v3 =	vor.u32 $0x1000, v0;
	s26 =	simm.s32 $0x1400;
	s0 =	simm.s32 $0x7;
	[dreg:$0x8] =	wrdreg s1  }
.LBB2_1:
0x12: {  	[dreg:$0xa] =	wrdreg s2  }
0x13: {  	s1 =	rddreg [dreg:$0x7];
	s13 =	simm.s32 $0x0  }
0x14: {  	[tilespmem:s7], [sflag:$0x1] =	stream.linear.gather [hbm4b:s1+s7], $0x400, $0x38;
	[tilespmem:$0x15800] =	vst v63  }
.LBB2_2:
0x15: {  	s1 =	sshll.u32 s13, $0xB;
	_ =	swait.ge [sflag:s14], $0x400  }
0x16: {  	s12 =	sadd.s32 s10, s1;
	[sflag:s14] =	ssyncset.done $0x0  }
0x17: {  	s2 =	simm.s32 $0x0;
	[sflag:s14] =	ssyncadd.s32 $0xFFFFFC00;
	s1 =	smul.u32 $0x3, s12  }
0x18: {  	v4 =	vmov s2;
	[tilespmem:s16], [sflag:$0x3] =	stream.indirect.gather [hbm4b:s8+s15], $0x8, s7, s15, $0xb8;
	[tilespmem:$0x15800] =	vst v63  }
0x19: {  	v4 =	vshll.u32 v4, $0x3;
	s3 =	rddreg [dreg:$0x1];
	s1 =	sshrl.u32 s1, $0x3  }
0x1a: {  	v4 =	vor.u32 v0, v4;
	s3 =	sadd.s32 s3, s1  }
0x1b: {  	[tilespmem:s17], [sflag:$0x5] =	stream.linear.gather [hbm4b:s3+s7], $0xC00, $0x38;
	[tilespmem:$0x15800] =	vst v63  }
0x1c: {  	_ =	swait.ge [sflag:s18], $0x2000  }
0x1d: {  	[sflag:s18] =	ssyncset.done $0x0  }
0x1e: {  	s5 =	simm.s32 $0x0;
	[sflag:s18] =	ssyncadd.s32 $0xFFFFE000  }
0x1f: {  	s3 =	smul.u32 $0x1800, s5;
	v5 =	vld.idx.msk [tilespmem:v4+s16+$0x0], $0xffff  }
0x20: {  	v6 =	vor.u32 $0x1, v4  }
0x21: {  	s3 =	sshra.s32 s3, $0x2  }
0x22: {  	s2 =	sand.u32 $0x1C0, s2;
	s3 =	sadd.s32 $0x6000, s3  }
0x23: {  	s2 =	sor.u32 s2, s3  }
0x24: {  	[tilespmem:s2+$0x0] =	vst v5  }
0x25: {  	v5 =	vld.idx.msk [tilespmem:v6+s16+$0x0], $0xffff  }
0x26: {  	v4 =	vor.u32 $0x2, v4;
	_ =	sdelay $0x2  }
0x27: {  	s4 =	simm.s32 $0x10  }
0x28: {  	[tilespmem:s2+$0x200] =	vst v5;
	v5 =	vmov s4  }
0x29: {  	v4 =	vld.idx.msk [tilespmem:v4+s16+$0x0], $0xffff;
	v5 =	vshll.u32 v5, $0x3  }
0x2a: {  	v5 =	vor.u32 v0, v5;
	_ =	sdelay $0x3  }
0x2b: {  	[tilespmem:s2+$0x400] =	vst v4  }
0x2c: {  	v4 =	vld.idx.msk [tilespmem:v5+s16+$0x0], $0xffff  }
0x2d: {  	v6 =	vor.u32 $0x1, v5;
	_ =	sdelay $0x1  }
0x2e: {  	s6 =	sand.u32 $0x1D0, s4  }
0x2f: {  	s2 =	sor.u32 s6, s3  }
0x30: {  	[tilespmem:s2+$0x0] =	vst v4  }
0x31: {  	v4 =	vld.idx.msk [tilespmem:v6+s16+$0x0], $0xffff  }
0x32: {  	v5 =	vor.u32 $0x2, v5;
	_ =	sdelay $0x2  }
0x33: {  	s11 =	simm.s32 $0x20  }
0x34: {  	[tilespmem:s2+$0x200] =	vst v4;
	v4 =	vmov s11  }
0x35: {  	v5 =	vld.idx.msk [tilespmem:v5+s16+$0x0], $0xffff;
	v4 =	vshll.u32 v4, $0x3  }
0x36: {  	v4 =	vor.u32 v0, v4;
	_ =	sdelay $0x3  }
0x37: {  	[tilespmem:s2+$0x400] =	vst v5  }
0x38: {  	v5 =	vld.idx.msk [tilespmem:v4+s16+$0x0], $0xffff  }
0x39: {  	v6 =	vor.u32 $0x1, v4;
	_ =	sdelay $0x1  }
0x3a: {  	s4 =	sand.u32 $0x1E0, s11  }
0x3b: {  	s2 =	sor.u32 s4, s3  }
0x3c: {  	[tilespmem:s2+$0x0] =	vst v5  }
0x3d: {  	v5 =	vld.idx.msk [tilespmem:v6+s16+$0x0], $0xffff  }
0x3e: {  	v4 =	vor.u32 $0x2, v4;
	_ =	sdelay $0x2  }
0x3f: {  	s5 =	simm.s32 $0x30  }
0x40: {  	[tilespmem:s2+$0x200] =	vst v5;
	v5 =	vmov s5  }
0x41: {  	v4 =	vld.idx.msk [tilespmem:v4+s16+$0x0], $0xffff;
	v5 =	vshll.u32 v5, $0x3  }
0x42: {  	v5 =	vor.u32 v0, v5;
	_ =	sdelay $0x3  }
0x43: {  	[tilespmem:s2+$0x400] =	vst v4  }
0x44: {  	v4 =	vld.idx.msk [tilespmem:v5+s16+$0x0], $0xffff  }
0x45: {  	v6 =	vor.u32 $0x1, v5;
	_ =	sdelay $0x1  }
0x46: {  	s6 =	sand.u32 $0x1F0, s5  }
0x47: {  	s5 =	sor.u32 s6, s3  }
0x48: {  	[tilespmem:s5+$0x0] =	vst v4  }
0x49: {  	v4 =	vld.idx.msk [tilespmem:v6+s16+$0x0], $0xffff  }
0x4a: {  	v5 =	vor.u32 $0x2, v5;
	_ =	sdelay $0x2  }
0x4b: {  	s11 =	simm.s32 $0x0;
	s6 =	simm.s32 $0x40  }
0x4c: {  	s2 =	smul.u32 $0x1800, s11;
	v6 =	vmov s6;
	[tilespmem:s5+$0x200] =	vst v4  }
0x4d: {  	s4 =	simm.s32 $0x4;
	v4 =	vshll.u32 v6, $0x3;
	v5 =	vld.idx.msk [tilespmem:v5+s16+$0x0], $0xffff  }
0x4e: {  	s11 =	sand.u32 $0x1C0, s6;
	s3 =	sshra.s32 s2, $0x2;
	s2 =	simm.s32 $0x70;
	v4 =	vor.u32 v0, v4  }
.LBB2_3:
0x4f: {  	_ =	sdelay $0x2  }
0x50: {  	s4 =	sadd.s32 $0x4, s4;
	[tilespmem:s5+$0x400] =	vst v5  }
0x51: {  	p0 =	slt.u32 s4, $0x3C;
	s5 =	sshrl.u32 s4, $0x5;
	v5 =	vld.idx.msk [tilespmem:v4+s16+$0x0], $0xffff  }
0x52: {  	s5 =	smul.u32 $0x1800, s5  }
0x53: {  	v6 =	vor.u32 $0x1, v4  }
0x54: {  	s5 =	sshra.s32 s5, $0x2  }
0x55: {  	s6 =	sadd.s32 $0x6000, s3;
	s3 =	smov.u32 s5  }
0x56: {  	s5 =	sor.u32 s11, s6  }
0x57: {  	[tilespmem:s5+$0x0] =	vst v5  }
0x58: {  	v5 =	vld.idx.msk [tilespmem:v6+s16+$0x0], $0xffff;
	_ =	sdelay $0x1  }
0x59: {  	v4 =	vor.u32 $0x2, v4;
	_ =	sdelay $0x3  }
0x5a: {  	s11 =	sadd.s32 $0xFFFFFFE0, s2;
	[tilespmem:s5+$0x200] =	vst v5  }
0x5b: {  	v5 =	vmov s11;
	s11 =	sand.u32 $0x1D0, s11;
	v4 =	vld.idx.msk [tilespmem:v4+s16+$0x0], $0xffff  }
0x5c: {  	v5 =	vshll.u32 v5, $0x3  }
0x5d: {  	v5 =	vor.u32 v0, v5;
	_ =	sdelay $0x3  }
0x5e: {  	[tilespmem:s5+$0x400] =	vst v4  }
0x5f: {  	v4 =	vld.idx.msk [tilespmem:v5+s16+$0x0], $0xffff;
	_ =	sdelay $0x1  }
0x60: {  	v6 =	vor.u32 $0x1, v5;
	_ =	sdelay $0x2  }
0x61: {  	s5 =	sor.u32 s11, s6  }
0x62: {  	[tilespmem:s5+$0x0] =	vst v4  }
0x63: {  	v4 =	vld.idx.msk [tilespmem:v6+s16+$0x0], $0xffff;
	_ =	sdelay $0x1  }
0x64: {  	v5 =	vor.u32 $0x2, v5;
	_ =	sdelay $0x3  }
0x65: {  	s11 =	sadd.s32 $0xFFFFFFF0, s2;
	[tilespmem:s5+$0x200] =	vst v4  }
0x66: {  	v4 =	vld.idx.msk [tilespmem:v5+s16+$0x0], $0xffff;
	v5 =	vmov s11  }
0x67: {  	v5 =	vshll.u32 v5, $0x3  }
0x68: {  	v5 =	vor.u32 v0, v5;
	_ =	sdelay $0x3  }
0x69: {  	[tilespmem:s5+$0x400] =	vst v4  }
0x6a: {  	v4 =	vld.idx.msk [tilespmem:v5+s16+$0x0], $0xffff;
	_ =	sdelay $0x1  }
0x6b: {  	v6 =	vor.u32 $0x1, v5;
	_ =	sdelay $0x1  }
0x6c: {  	s5 =	sand.u32 $0x1E0, s11  }
0x6d: {  	s5 =	sor.u32 s5, s6  }
0x6e: {  	[tilespmem:s5+$0x0] =	vst v4  }
0x6f: {  	v4 =	vld.idx.msk [tilespmem:v6+s16+$0x0], $0xffff;
	_ =	sdelay $0x1  }
0x70: {  	v5 =	vor.u32 $0x2, v5;
	_ =	sdelay $0x3  }
0x71: {  	[tilespmem:s5+$0x200] =	vst v4  }
0x72: {  	v4 =	vld.idx.msk [tilespmem:v5+s16+$0x0], $0xffff;
	v5 =	vmov s2  }
0x73: {  	v5 =	vshll.u32 v5, $0x3  }
0x74: {  	v5 =	vor.u32 v0, v5;
	_ =	sdelay $0x3  }
0x75: {  	[tilespmem:s5+$0x400] =	vst v4  }
0x76: {  	v4 =	vld.idx.msk [tilespmem:v5+s16+$0x0], $0xffff;
	_ =	sdelay $0x1  }
0x77: {  	v6 =	vor.u32 $0x1, v5;
	_ =	sdelay $0x1  }
0x78: {  	s5 =	sand.u32 $0x1F0, s2  }
0x79: {  	s5 =	sor.u32 s5, s6  }
0x7a: {  	[tilespmem:s5+$0x0] =	vst v4  }
0x7b: {  	v4 =	vld.idx.msk [tilespmem:v6+s16+$0x0], $0xffff;
	_ =	sdelay $0x1  }
0x7c: {  	v5 =	vor.u32 $0x2, v5;
	_ =	sdelay $0x2  }
.Ltmp0:
0x7d: {  	s2 =	sadd.s32 $0x40, s2;
	(pc) =	sbr.rel @p0 .LBB2_3-.Ltmp0, $4  }
0x7e: {  	s6 =	sadd.s32 $0xFFFFFFD0, s2;
	[tilespmem:s5+$0x200] =	vst v4  }
0x7f: {  	s11 =	sand.u32 $0x1C0, s6;
	v4 =	vmov s6;
	v5 =	vld.idx.msk [tilespmem:v5+s16+$0x0], $0xffff  }
0x80: {  	v4 =	vshll.u32 v4, $0x3  }
0x81: {  	v4 =	vor.u32 v0, v4  }
0x82: {  	_ =	sdelay $0x2  }
0x83: {  	[tilespmem:s5+$0x400] =	vst v5  }
0x84: {  	v5 =	vld.idx.msk [tilespmem:v4+s16+$0x0], $0xffff  }
0x85: {  	v6 =	vor.u32 $0x1, v4;
	_ =	sdelay $0x1  }
0x86: {  	s3 =	sadd.s32 $0x6000, s3  }
0x87: {  	s4 =	sor.u32 s11, s3  }
0x88: {  	[tilespmem:s4+$0x0] =	vst v5  }
0x89: {  	v5 =	vld.idx.msk [tilespmem:v6+s16+$0x0], $0xffff  }
0x8a: {  	v4 =	vor.u32 $0x2, v4;
	_ =	sdelay $0x2  }
0x8b: {  	s11 =	sadd.s32 $0xFFFFFFE0, s2  }
0x8c: {  	[tilespmem:s4+$0x200] =	vst v5;
	v5 =	vmov s11  }
0x8d: {  	v4 =	vld.idx.msk [tilespmem:v4+s16+$0x0], $0xffff;
	v5 =	vshll.u32 v5, $0x3  }
0x8e: {  	v5 =	vor.u32 v0, v5;
	_ =	sdelay $0x3  }
0x8f: {  	[tilespmem:s4+$0x400] =	vst v4  }
0x90: {  	v4 =	vld.idx.msk [tilespmem:v5+s16+$0x0], $0xffff  }
0x91: {  	v61 =	vor.u32 $0x1, v5;
	_ =	sdelay $0x1  }
0x92: {  	s6 =	sand.u32 $0x1D0, s11  }
0x93: {  	s4 =	sor.u32 s6, s3  }
0x94: {  	[tilespmem:s4+$0x0] =	vst v4  }
0x95: {  	v4 =	vld.idx.msk [tilespmem:v61+s16+$0x0], $0xffff  }
0x96: {  	v5 =	vor.u32 $0x2, v5;
	_ =	sdelay $0x2  }
0x97: {  	s11 =	sadd.s32 $0xFFFFFFF0, s2  }
0x98: {  	[tilespmem:s4+$0x200] =	vst v4;
	v4 =	vmov s11  }
0x99: {  	v5 =	vld.idx.msk [tilespmem:v5+s16+$0x0], $0xffff;
	v4 =	vshll.u32 v4, $0x3  }
0x9a: {  	v4 =	vor.u32 v0, v4;
	_ =	sdelay $0x3  }
0x9b: {  	[tilespmem:s4+$0x400] =	vst v5  }
0x9c: {  	v5 =	vld.idx.msk [tilespmem:v4+s16+$0x0], $0xffff  }
0x9d: {  	v62 =	vor.u32 $0x1, v4;
	_ =	sdelay $0x1  }
0x9e: {  	s6 =	sand.u32 $0x1E0, s11  }
0x9f: {  	s4 =	sor.u32 s6, s3  }
0xa0: {  	[tilespmem:s4+$0x0] =	vst v5  }
0xa1: {  	v5 =	vld.idx.msk [tilespmem:v62+s16+$0x0], $0xffff  }
0xa2: {  	v4 =	vor.u32 $0x2, v4;
	_ =	sdelay $0x3  }
0xa3: {  	[tilespmem:s4+$0x200] =	vst v5;
	v5 =	vmov s2  }
0xa4: {  	v4 =	vld.idx.msk [tilespmem:v4+s16+$0x0], $0xffff;
	v5 =	vshll.u32 v5, $0x3  }
0xa5: {  	v5 =	vor.u32 v0, v5;
	_ =	sdelay $0x3  }
0xa6: {  	[tilespmem:s4+$0x400] =	vst v4  }
0xa7: {  	v4 =	vld.idx.msk [tilespmem:v5+s16+$0x0], $0xffff  }
0xa8: {  	v63 =	vor.u32 $0x1, v5;
	_ =	sdelay $0x1  }
0xa9: {  	s11 =	sand.u32 $0x1F0, s2  }
0xaa: {  	s2 =	sor.u32 s11, s3  }
0xab: {  	[tilespmem:s2+$0x0] =	vst v4  }
0xac: {  	v4 =	vld.idx.msk [tilespmem:v63+s16+$0x0], $0xffff  }
0xad: {  	v5 =	vor.u32 $0x2, v5;
	_ =	sdelay $0x3  }
0xae: {  	[tilespmem:s2+$0x200] =	vst v4  }
0xaf: {  	v4 =	vld.idx.msk [tilespmem:v5+s16+$0x0], $0xffff;
	_ =	sdelay $0x4  }
0xb0: {  	s5 =	rddreg [dreg:$0x4];
	s4 =	simm.s32 $0xC00;
	[tilespmem:s2+$0x400] =	vst v4  }
0xb1: {  	[tilespmem:s21], [sflag:$0x7] =	stream.indirect.gather [hbm4b:s9+s4], $0x8, s20, s4, $0xb8;
	[tilespmem:$0x15800] =	vst v63  }
0xb2: {  	s2 =	sadd.s32 s5, s1  }
0xb3: {  	[hbm4b:s2+s7] =	stream.linear.scatter [tilespmem:s20], [sflag:$0x9], $0xC00, $0x38;
	[tilespmem:$0x15800] =	vst v63  }
0xb4: {  	_ =	swait.ge [sflag:s22], $0xC00  }
0xb5: {  	[sflag:s22] =	ssyncset.done $0x0  }
0xb6: {  	[sflag:s22] =	ssyncadd.s32 $0xFFFFF400  }
0xb7: {  	_ =	swait.ge [sflag:s23], $0xC00  }
0xb8: {  	[sflag:s23] =	ssyncset.done $0x0  }
0xb9: {  	[sflag:s23] =	ssyncadd.s32 $0xFFFFF400  }
0xba: {  	p0 =	seq.s32 s13, $0x0;
	s6 =	rddreg [dreg:$0x5]  }
.Ltmp1:
0xbb: {  	s11 =	sadd.s32 s6, s1;
	(pc) =	sbr.rel @p0 .LBB2_8-.Ltmp1, $4  }
0xbc: {  	[hbm4b:s11+s7] =	stream.linear.scatter [tilespmem:s17], [sflag:$0x9], $0xC00, $0x38;
	[tilespmem:$0x15800] =	vst v63  }
0xbd: {  	_ =	swait.ge [sflag:s22], $0xC00  }
0xbe: {  	[sflag:s22] =	ssyncset.done $0x0  }
0xbf: {  	[sflag:s22] =	ssyncadd.s32 $0xFFFFF400  }
0xc0: {  	s1 =	simm.s32 $0x0  }
0xc1: {  	s6 =	simm.s32 $0x0;
	s2 =	smul.u32 $0x600, s1  }
0xc2: {  	s4 =	sand.u32 $0x1C0, s6  }
0xc3: {  	s1 =	sor.u32 s4, s2  }
0xc4: {  	v4 =	vmov s1  }
0xc5: {  	s3 =	simm.s32 $0x8;
	v4 =	vshll.u32 v4, $0x3  }
0xc6: {  	_ =	swait.ge [sflag:s3], $0x6000;
	v5 =	vor.u32 v0, v4  }
0xc7: {  	[sflag:s3] =	ssyncset.done $0x0;
	v6 =	vadd.s32 v3, v4  }
0xc8: {  	[sflag:s3] =	ssyncadd.s32 $0xFFFFA000  }
0xc9: {  	v7 =	vld [tilespmem:s1+$0x1400];
	v4 =	vadd.s32 v2, v4  }
0xca: {  	v10 =	vld [tilespmem:s1+$0x1600]  }
0xcb: {  	v8 =	vld.idx.msk [tilespmem:v5+s30+$0x0], $0xffff  }
0xcc: {  	v9 =	vld.idx.msk [tilespmem:v6+s30+$0x0], $0xffff  }
0xcd: {  	v12 =	vld [tilespmem:s1+$0x1800]  }
0xce: {  	v11 =	vld.idx.msk [tilespmem:v4+s30+$0x0], $0xffff;
	_ =	sdelay $0x2  }
0xcf: {  	v8 =	vmul.f32 v8, v7;
	v9 =	vmul.f32 v9, v10;
	_ =	sdelay $0x1  }
0xd0: {  	s5 =	simm.s32 $0x0;
	v8 =	vadd.f32 v9, v8;
	v9 =	vmul.f32 v11, v12;
	v11 =	vor.u32 $0x1, v5  }
0xd1: {  	s1 =	sand.u32 $0x3FFFF800, s5;
	v13 =	vor.u32 $0x1, v6  }
0xd2: {  	s1 =	sadd.s32 $0x14800, s1;
	v8 =	vadd.f32 v9, v8  }
0xd3: {  	s3 =	simm.s32 $0x420;
	s4 =	sor.u32 s4, s1;
	v14 =	vor.u32 $0x1, v4  }
0xd4: {  	v9 =	vld [tilespmem:s3+$0xFFFFFFE0];
	[tilespmem:s4+$0x0] =	vst v8  }
0xd5: {  	v8 =	vld.idx.msk [tilespmem:v11+s30+$0x0], $0xffff  }
0xd6: {  	v11 =	vld.idx.msk [tilespmem:v13+s30+$0x0], $0xffff;
	_ =	sdelay $0x1  }
0xd7: {  	v49 =	vld.idx.msk [tilespmem:v14+s30+$0x0], $0xffff;
	_ =	sdelay $0x2  }
0xd8: {  	v8 =	vmul.f32 v8, v7;
	v11 =	vmul.f32 v11, v10;
	_ =	sdelay $0x1  }
0xd9: {  	v5 =	vor.u32 $0x2, v5;
	v8 =	vadd.f32 v11, v8;
	v11 =	vmul.f32 v49, v12  }
0xda: {  	v6 =	vor.u32 $0x2, v6  }
0xdb: {  	v8 =	vadd.f32 v11, v8  }
0xdc: {  	v4 =	vor.u32 $0x2, v4  }
0xdd: {  	[tilespmem:s4+$0x200] =	vst v8  }
0xde: {  	v5 =	vld.idx.msk [tilespmem:v5+s30+$0x0], $0xffff  }
0xdf: {  	v6 =	vld.idx.msk [tilespmem:v6+s30+$0x0], $0xffff;
	_ =	sdelay $0x1  }
0xe0: {  	v4 =	vld.idx.msk [tilespmem:v4+s30+$0x0], $0xffff;
	_ =	sdelay $0x1  }
0xe1: {  	s5 =	simm.s32 $0x10  }
0xe2: {  	s5 =	sand.u32 $0x1D0, s5;
	v5 =	vmul.f32 v5, v7;
	v6 =	vmul.f32 v6, v10  }
0xe3: {  	s11 =	sor.u32 s2, s5  }
0xe4: {  	v7 =	vmov s11;
	v4 =	vmul.f32 v4, v12;
	v5 =	vadd.f32 v6, v5  }
0xe5: {  	vm0 =	veq.s32 v9, $0xFFFFFFFF;
	v6 =	vshll.u32 v7, $0x3  }
0xe6: {  	v8 =	vsel vm0, $0x0, v1;
	v7 =	vadd.s32 v3, v6;
	v4 =	vadd.f32 v4, v5  }
0xe7: {  	[tilespmem:s4+$0x600] =	vst v8;
	v5 =	vor.u32 v0, v6  }
0xe8: {  	[tilespmem:s4+$0x400] =	vst v4  }
0xe9: {  	v4 =	vadd.s32 v2, v6;
	v6 =	vld [tilespmem:s11+$0x1600]  }
0xea: {  	v10 =	vld [tilespmem:s11+$0x1400]  }
0xeb: {  	v8 =	vld.idx.msk [tilespmem:v7+s30+$0x0], $0xffff  }
0xec: {  	v9 =	vld.idx.msk [tilespmem:v5+s30+$0x0], $0xffff  }
0xed: {  	v50 =	vld [tilespmem:s11+$0x1800]  }
0xee: {  	v11 =	vld.idx.msk [tilespmem:v4+s30+$0x0], $0xffff;
	_ =	sdelay $0x2  }
0xef: {  	v8 =	vmul.f32 v8, v6;
	v9 =	vmul.f32 v9, v10;
	_ =	sdelay $0x1  }
0xf0: {  	v8 =	vadd.f32 v8, v9;
	v9 =	vmul.f32 v11, v50;
	v11 =	vor.u32 $0x1, v5  }
0xf1: {  	v51 =	vor.u32 $0x1, v7  }
0xf2: {  	v8 =	vadd.f32 v9, v8  }
0xf3: {  	s4 =	sor.u32 s5, s1;
	v9 =	vor.u32 $0x1, v4  }
0xf4: {  	v52 =	vld [tilespmem:s3+$0xFFFFFFF0];
	[tilespmem:s4+$0x0] =	vst v8  }
0xf5: {  	v8 =	vld.idx.msk [tilespmem:v11+s30+$0x0], $0xffff  }
0xf6: {  	v11 =	vld.idx.msk [tilespmem:v51+s30+$0x0], $0xffff;
	_ =	sdelay $0x1  }
0xf7: {  	v9 =	vld.idx.msk [tilespmem:v9+s30+$0x0], $0xffff;
	_ =	sdelay $0x2  }
0xf8: {  	v8 =	vmul.f32 v8, v10;
	v11 =	vmul.f32 v11, v6;
	_ =	sdelay $0x1  }
0xf9: {  	v5 =	vor.u32 $0x2, v5;
	v8 =	vadd.f32 v11, v8;
	v9 =	vmul.f32 v9, v50  }
0xfa: {  	v7 =	vor.u32 $0x2, v7  }
0xfb: {  	v8 =	vadd.f32 v9, v8  }
0xfc: {  	v4 =	vor.u32 $0x2, v4  }
0xfd: {  	[tilespmem:s4+$0x200] =	vst v8  }
0xfe: {  	v5 =	vld.idx.msk [tilespmem:v5+s30+$0x0], $0xffff  }
0xff: {  	v7 =	vld.idx.msk [tilespmem:v7+s30+$0x0], $0xffff;
	_ =	sdelay $0x1  }
0x100: {  	v4 =	vld.idx.msk [tilespmem:v4+s30+$0x0], $0xffff;
	_ =	sdelay $0x1  }
0x101: {  	s11 =	simm.s32 $0x20  }
0x102: {  	s5 =	sand.u32 $0x1E0, s11;
	v5 =	vmul.f32 v5, v10;
	v6 =	vmul.f32 v7, v6  }
0x103: {  	s17 =	sor.u32 s2, s5  }
0x104: {  	v7 =	vmov s17;
	v4 =	vmul.f32 v4, v50;
	v5 =	vadd.f32 v6, v5  }
0x105: {  	vm0 =	veq.s32 v52, $0xFFFFFFFF;
	v6 =	vshll.u32 v7, $0x3  }
0x106: {  	v8 =	vsel vm0, $0x0, v1;
	v7 =	vadd.s32 v3, v6;
	v4 =	vadd.f32 v4, v5  }
0x107: {  	[tilespmem:s4+$0x600] =	vst v8;
	v5 =	vor.u32 v0, v6  }
0x108: {  	[tilespmem:s4+$0x400] =	vst v4  }
0x109: {  	v4 =	vadd.s32 v2, v6;
	v6 =	vld [tilespmem:s17+$0x1600]  }
0x10a: {  	v10 =	vld [tilespmem:s17+$0x1400]  }
0x10b: {  	v8 =	vld.idx.msk [tilespmem:v7+s30+$0x0], $0xffff  }
0x10c: {  	v9 =	vld.idx.msk [tilespmem:v5+s30+$0x0], $0xffff  }
0x10d: {  	v53 =	vld [tilespmem:s17+$0x1800]  }
0x10e: {  	v11 =	vld.idx.msk [tilespmem:v4+s30+$0x0], $0xffff;
	_ =	sdelay $0x2  }
0x10f: {  	v8 =	vmul.f32 v8, v6;
	v9 =	vmul.f32 v9, v10;
	_ =	sdelay $0x1  }
0x110: {  	v8 =	vadd.f32 v8, v9;
	v9 =	vmul.f32 v11, v53;
	v11 =	vor.u32 $0x1, v5  }
0x111: {  	v54 =	vor.u32 $0x1, v7  }
0x112: {  	v8 =	vadd.f32 v9, v8  }
0x113: {  	s11 =	sor.u32 s5, s1;
	v9 =	vor.u32 $0x1, v4  }
0x114: {  	v55 =	vld [tilespmem:s3+$0x0];
	[tilespmem:s11+$0x0] =	vst v8  }
0x115: {  	v8 =	vld.idx.msk [tilespmem:v11+s30+$0x0], $0xffff  }
0x116: {  	v11 =	vld.idx.msk [tilespmem:v54+s30+$0x0], $0xffff;
	_ =	sdelay $0x1  }
0x117: {  	v9 =	vld.idx.msk [tilespmem:v9+s30+$0x0], $0xffff;
	_ =	sdelay $0x2  }
0x118: {  	v8 =	vmul.f32 v8, v10;
	v11 =	vmul.f32 v11, v6;
	_ =	sdelay $0x1  }
0x119: {  	v5 =	vor.u32 $0x2, v5;
	v8 =	vadd.f32 v11, v8;
	v9 =	vmul.f32 v9, v53  }
0x11a: {  	v7 =	vor.u32 $0x2, v7  }
0x11b: {  	v8 =	vadd.f32 v9, v8  }
0x11c: {  	v4 =	vor.u32 $0x2, v4  }
0x11d: {  	[tilespmem:s11+$0x200] =	vst v8  }
0x11e: {  	v5 =	vld.idx.msk [tilespmem:v5+s30+$0x0], $0xffff  }
0x11f: {  	v7 =	vld.idx.msk [tilespmem:v7+s30+$0x0], $0xffff;
	_ =	sdelay $0x1  }
0x120: {  	v4 =	vld.idx.msk [tilespmem:v4+s30+$0x0], $0xffff;
	_ =	sdelay $0x1  }
0x121: {  	s17 =	simm.s32 $0x30  }
0x122: {  	s5 =	sand.u32 $0x1F0, s17;
	v5 =	vmul.f32 v5, v10;
	v6 =	vmul.f32 v7, v6  }
0x123: {  	s2 =	sor.u32 s2, s5  }
0x124: {  	v7 =	vmov s2;
	v4 =	vmul.f32 v4, v53;
	v5 =	vadd.f32 v6, v5  }
0x125: {  	vm0 =	veq.s32 v55, $0xFFFFFFFF;
	v6 =	vshll.u32 v7, $0x3  }
0x126: {  	v8 =	vsel vm0, $0x0, v1;
	v7 =	vadd.s32 v3, v6;
	v4 =	vadd.f32 v4, v5  }
0x127: {  	[tilespmem:s11+$0x600] =	vst v8;
	v9 =	vor.u32 v0, v6  }
0x128: {  	[tilespmem:s11+$0x400] =	vst v4  }
0x129: {  	v8 =	vadd.s32 v2, v6;
	v4 =	vld [tilespmem:s2+$0x1400]  }
0x12a: {  	v6 =	vld [tilespmem:s2+$0x1600]  }
0x12b: {  	v10 =	vld.idx.msk [tilespmem:v7+s30+$0x0], $0xffff  }
0x12c: {  	v11 =	vld.idx.msk [tilespmem:v9+s30+$0x0], $0xffff  }
0x12d: {  	v5 =	vld [tilespmem:s2+$0x1800]  }
0x12e: {  	v56 =	vld.idx.msk [tilespmem:v8+s30+$0x0], $0xffff;
	_ =	sdelay $0x2  }
0x12f: {  	v11 =	vmul.f32 v11, v4;
	v10 =	vmul.f32 v10, v6;
	_ =	sdelay $0x1  }
0x130: {  	v57 =	vor.u32 $0x1, v9;
	v10 =	vadd.f32 v10, v11;
	v11 =	vmul.f32 v56, v5  }
0x131: {  	v58 =	vor.u32 $0x1, v7  }
0x132: {  	v10 =	vadd.f32 v11, v10  }
0x133: {  	s5 =	sor.u32 s5, s1;
	v59 =	vor.u32 $0x1, v8  }
0x134: {  	v11 =	vld [tilespmem:s3+$0x10];
	[tilespmem:s5+$0x0] =	vst v10  }
0x135: {  	v10 =	vld.idx.msk [tilespmem:v57+s30+$0x0], $0xffff  }
0x136: {  	v60 =	vld.idx.msk [tilespmem:v58+s30+$0x0], $0xffff;
	_ =	sdelay $0x1  }
0x137: {  	v61 =	vld.idx.msk [tilespmem:v59+s30+$0x0], $0xffff;
	_ =	sdelay $0x2  }
0x138: {  	v10 =	vmul.f32 v10, v4;
	v12 =	vmul.f32 v60, v6;
	_ =	sdelay $0x1  }
0x139: {  	v9 =	vor.u32 $0x2, v9;
	v62 =	vmul.f32 v61, v5;
	v10 =	vadd.f32 v12, v10  }
0x13a: {  	v7 =	vor.u32 $0x2, v7  }
0x13b: {  	v63 =	vor.u32 $0x2, v8;
	v10 =	vadd.f32 v62, v10;
	_ =	sdelay $0x1  }
0x13c: {  	[tilespmem:s5+$0x200] =	vst v10  }
0x13d: {  	v9 =	vld.idx.msk [tilespmem:v9+s30+$0x0], $0xffff  }
0x13e: {  	v8 =	vld.idx.msk [tilespmem:v7+s30+$0x0], $0xffff  }
0x13f: {  	s2 =	simm.s32 $0x0;
	vm0 =	veq.s32 v11, $0xFFFFFFFF;
	v7 =	vld.idx.msk [tilespmem:v63+s30+$0x0], $0xffff  }
.LBB2_6:
0x140: {  	s2 =	sadd.s32 $0x4, s2;
	s6 =	sadd.s32 $0x40, s6;
	s3 =	sadd.s32 $0x40, s3  }
0x141: {  	s1 =	sshrl.u32 s2, $0x5;
	s11 =	sshll.u32 s2, $0x6;
	p0 =	slt.u32 s2, $0x3C  }
0x142: {  	s4 =	smul.u32 $0x600, s1;
	s1 =	sand.u32 $0x3FFFF800, s11  }
0x143: {  	s11 =	sand.u32 $0x1C0, s6;
	v4 =	vmul.f32 v9, v4;
	s1 =	sadd.s32 $0x14800, s1  }
0x144: {  	v6 =	vmul.f32 v8, v6;
	s17 =	sor.u32 s11, s4  }
0x145: {  	v8 =	vmov s17  }
0x146: {  	v5 =	vmul.f32 v7, v5;
	v4 =	vadd.f32 v6, v4;
	v8 =	vshll.u32 v8, $0x3  }
0x147: {  	v6 =	vor.u32 v0, v8;
	v7 =	vadd.s32 v3, v8  }
0x148: {  	v9 =	vsel vm0, $0x0, v1;
	v4 =	vadd.f32 v5, v4  }
0x149: {  	[tilespmem:s5+$0x600] =	vst v9  }
0x14a: {  	v5 =	vadd.s32 v2, v8;
	[tilespmem:s5+$0x400] =	vst v4  }
0x14b: {  	v4 =	vld [tilespmem:s17+$0x1400]  }
0x14c: {  	v8 =	vld.idx.msk [tilespmem:v6+s30+$0x0], $0xffff  }
0x14d: {  	v9 =	vld.idx.msk [tilespmem:v7+s30+$0x0], $0xffff  }
0x14e: {  	v10 =	vld [tilespmem:s17+$0x1600]  }
0x14f: {  	v11 =	vld.idx.msk [tilespmem:v5+s30+$0x0], $0xffff  }
0x150: {  	v12 =	vld [tilespmem:s17+$0x1800];
	_ =	sdelay $0x1  }
0x151: {  	v8 =	vmul.f32 v8, v4  }
0x152: {  	v9 =	vmul.f32 v9, v10;
	_ =	sdelay $0x1  }
0x153: {  	v8 =	vadd.f32 v9, v8;
	v9 =	vmul.f32 v11, v12;
	v11 =	vor.u32 $0x1, v6  }
0x154: {  	v13 =	vor.u32 $0x1, v7  }
0x155: {  	v8 =	vadd.f32 v9, v8  }
0x156: {  	v14 =	vor.u32 $0x1, v5;
	s5 =	sor.u32 s11, s1;
	v9 =	vld [tilespmem:s3+$0xFFFFFFE0]  }
0x157: {  	[tilespmem:s5+$0x0] =	vst v8  }
0x158: {  	v8 =	vld.idx.msk [tilespmem:v11+s30+$0x0], $0xffff  }
0x159: {  	v11 =	vld.idx.msk [tilespmem:v13+s30+$0x0], $0xffff;
	_ =	sdelay $0x1  }
0x15a: {  	vm0 =	veq.s32 v9, $0xFFFFFFFF;
	v9 =	vld.idx.msk [tilespmem:v14+s30+$0x0], $0xffff;
	_ =	sdelay $0x2  }
0x15b: {  	v8 =	vmul.f32 v8, v4  }
0x15c: {  	v11 =	vmul.f32 v11, v10;
	_ =	sdelay $0x1  }
0x15d: {  	v6 =	vor.u32 $0x2, v6;
	v8 =	vadd.f32 v11, v8;
	v9 =	vmul.f32 v9, v12  }
0x15e: {  	v7 =	vor.u32 $0x2, v7  }
0x15f: {  	v5 =	vor.u32 $0x2, v5;
	v8 =	vadd.f32 v9, v8;
	_ =	sdelay $0x1  }
0x160: {  	[tilespmem:s5+$0x200] =	vst v8  }
0x161: {  	v6 =	vld.idx.msk [tilespmem:v6+s30+$0x0], $0xffff  }
0x162: {  	v7 =	vld.idx.msk [tilespmem:v7+s30+$0x0], $0xffff  }
0x163: {  	v5 =	vld.idx.msk [tilespmem:v5+s30+$0x0], $0xffff;
	_ =	sdelay $0x2  }
0x164: {  	s11 =	sadd.s32 $0x10, s6  }
0x165: {  	s11 =	sand.u32 $0x1D0, s11;
	v4 =	vmul.f32 v6, v4  }
0x166: {  	s17 =	sor.u32 s4, s11;
	v6 =	vmul.f32 v7, v10  }
0x167: {  	v7 =	vmov s17  }
0x168: {  	v5 =	vmul.f32 v5, v12;
	v4 =	vadd.f32 v6, v4;
	v6 =	vshll.u32 v7, $0x3  }
0x169: {  	v7 =	vadd.s32 v3, v6  }
0x16a: {  	v8 =	vsel vm0, $0x0, v1;
	v4 =	vadd.f32 v5, v4;
	v5 =	vor.u32 v0, v6  }
0x16b: {  	[tilespmem:s5+$0x600] =	vst v8  }
0x16c: {  	[tilespmem:s5+$0x400] =	vst v4;
	v4 =	vadd.s32 v2, v6  }
0x16d: {  	v6 =	vld [tilespmem:s17+$0x1600]  }
0x16e: {  	v8 =	vld.idx.msk [tilespmem:v7+s30+$0x0], $0xffff  }
0x16f: {  	v9 =	vld.idx.msk [tilespmem:v5+s30+$0x0], $0xffff  }
0x170: {  	v10 =	vld [tilespmem:s17+$0x1400]  }
0x171: {  	v11 =	vld.idx.msk [tilespmem:v4+s30+$0x0], $0xffff  }
0x172: {  	v12 =	vld [tilespmem:s17+$0x1800];
	_ =	sdelay $0x1  }
0x173: {  	v8 =	vmul.f32 v8, v6  }
0x174: {  	v9 =	vmul.f32 v9, v10;
	_ =	sdelay $0x1  }
0x175: {  	v8 =	vadd.f32 v8, v9;
	v9 =	vmul.f32 v11, v12;
	v11 =	vor.u32 $0x1, v5  }
0x176: {  	v13 =	vor.u32 $0x1, v7  }
0x177: {  	v8 =	vadd.f32 v9, v8;
	v9 =	vor.u32 $0x1, v4  }
0x178: {  	s5 =	sor.u32 s11, s1;
	v14 =	vld [tilespmem:s3+$0xFFFFFFF0]  }
0x179: {  	[tilespmem:s5+$0x0] =	vst v8  }
0x17a: {  	v8 =	vld.idx.msk [tilespmem:v11+s30+$0x0], $0xffff  }
0x17b: {  	v11 =	vld.idx.msk [tilespmem:v13+s30+$0x0], $0xffff  }
0x17c: {  	v9 =	vld.idx.msk [tilespmem:v9+s30+$0x0], $0xffff  }
0x17d: {  	vm0 =	veq.s32 v14, $0xFFFFFFFF;
	_ =	sdelay $0x2  }
0x17e: {  	v8 =	vmul.f32 v8, v10  }
0x17f: {  	v11 =	vmul.f32 v11, v6;
	_ =	sdelay $0x1  }
0x180: {  	v5 =	vor.u32 $0x2, v5;
	v9 =	vmul.f32 v9, v12;
	v8 =	vadd.f32 v11, v8  }
0x181: {  	v7 =	vor.u32 $0x2, v7  }
0x182: {  	v4 =	vor.u32 $0x2, v4;
	v8 =	vadd.f32 v9, v8;
	_ =	sdelay $0x1  }
0x183: {  	[tilespmem:s5+$0x200] =	vst v8  }
0x184: {  	v5 =	vld.idx.msk [tilespmem:v5+s30+$0x0], $0xffff  }
0x185: {  	v7 =	vld.idx.msk [tilespmem:v7+s30+$0x0], $0xffff  }
0x186: {  	v4 =	vld.idx.msk [tilespmem:v4+s30+$0x0], $0xffff;
	_ =	sdelay $0x2  }
0x187: {  	s11 =	sadd.s32 $0x20, s6  }
0x188: {  	s11 =	sand.u32 $0x1E0, s11;
	v5 =	vmul.f32 v5, v10  }
0x189: {  	s17 =	sor.u32 s4, s11;
	v6 =	vmul.f32 v7, v6  }
0x18a: {  	v7 =	vmov s17  }
0x18b: {  	v4 =	vmul.f32 v4, v12;
	v5 =	vadd.f32 v6, v5;
	v6 =	vshll.u32 v7, $0x3  }
0x18c: {  	v7 =	vadd.s32 v3, v6  }
0x18d: {  	v8 =	vsel vm0, $0x0, v1;
	v4 =	vadd.f32 v4, v5;
	v5 =	vor.u32 v0, v6  }
0x18e: {  	[tilespmem:s5+$0x600] =	vst v8  }
0x18f: {  	[tilespmem:s5+$0x400] =	vst v4;
	v4 =	vadd.s32 v2, v6  }
0x190: {  	v6 =	vld [tilespmem:s17+$0x1600]  }
0x191: {  	v8 =	vld.idx.msk [tilespmem:v7+s30+$0x0], $0xffff  }
0x192: {  	v9 =	vld.idx.msk [tilespmem:v5+s30+$0x0], $0xffff  }
0x193: {  	v10 =	vld [tilespmem:s17+$0x1400]  }
0x194: {  	v11 =	vld.idx.msk [tilespmem:v4+s30+$0x0], $0xffff  }
0x195: {  	v12 =	vld [tilespmem:s17+$0x1800];
	_ =	sdelay $0x1  }
0x196: {  	v8 =	vmul.f32 v8, v6  }
0x197: {  	v9 =	vmul.f32 v9, v10;
	_ =	sdelay $0x1  }
0x198: {  	v8 =	vadd.f32 v8, v9;
	v9 =	vmul.f32 v11, v12;
	v11 =	vor.u32 $0x1, v5  }
0x199: {  	v13 =	vor.u32 $0x1, v7  }
0x19a: {  	v8 =	vadd.f32 v9, v8;
	v9 =	vor.u32 $0x1, v4  }
0x19b: {  	s5 =	sor.u32 s11, s1;
	v14 =	vld [tilespmem:s3+$0x0]  }
0x19c: {  	[tilespmem:s5+$0x0] =	vst v8  }
0x19d: {  	v8 =	vld.idx.msk [tilespmem:v11+s30+$0x0], $0xffff  }
0x19e: {  	v11 =	vld.idx.msk [tilespmem:v13+s30+$0x0], $0xffff  }
0x19f: {  	v9 =	vld.idx.msk [tilespmem:v9+s30+$0x0], $0xffff  }
0x1a0: {  	vm0 =	veq.s32 v14, $0xFFFFFFFF;
	_ =	sdelay $0x2  }
0x1a1: {  	v8 =	vmul.f32 v8, v10  }
0x1a2: {  	v11 =	vmul.f32 v11, v6;
	_ =	sdelay $0x1  }
0x1a3: {  	v5 =	vor.u32 $0x2, v5;
	v9 =	vmul.f32 v9, v12;
	v8 =	vadd.f32 v11, v8  }
0x1a4: {  	v7 =	vor.u32 $0x2, v7  }
0x1a5: {  	v4 =	vor.u32 $0x2, v4;
	v8 =	vadd.f32 v9, v8;
	_ =	sdelay $0x1  }
0x1a6: {  	[tilespmem:s5+$0x200] =	vst v8  }
0x1a7: {  	v5 =	vld.idx.msk [tilespmem:v5+s30+$0x0], $0xffff  }
0x1a8: {  	v7 =	vld.idx.msk [tilespmem:v7+s30+$0x0], $0xffff  }
0x1a9: {  	v8 =	vsel vm0, $0x0, v1;
	v4 =	vld.idx.msk [tilespmem:v4+s30+$0x0], $0xffff  }
0x1aa: {  	[tilespmem:s5+$0x600] =	vst v8;
	_ =	sdelay $0x1  }
0x1ab: {  	s11 =	sadd.s32 $0x30, s6  }
0x1ac: {  	s11 =	sand.u32 $0x1F0, s11  }
0x1ad: {  	s4 =	sor.u32 s4, s11;
	v5 =	vmul.f32 v5, v10;
	v6 =	vmul.f32 v7, v6  }
0x1ae: {  	v7 =	vmov s4  }
0x1af: {  	v4 =	vmul.f32 v4, v12;
	v5 =	vadd.f32 v6, v5;
	v6 =	vshll.u32 v7, $0x3  }
0x1b0: {  	v7 =	vadd.s32 v3, v6  }
0x1b1: {  	v8 =	vor.u32 v0, v6;
	v4 =	vadd.f32 v4, v5;
	_ =	sdelay $0x1  }
0x1b2: {  	v9 =	vadd.s32 v2, v6;
	[tilespmem:s5+$0x400] =	vst v4  }
0x1b3: {  	v4 =	vld [tilespmem:s4+$0x1400]  }
0x1b4: {  	v10 =	vld.idx.msk [tilespmem:v7+s30+$0x0], $0xffff  }
0x1b5: {  	v11 =	vld.idx.msk [tilespmem:v8+s30+$0x0], $0xffff  }
0x1b6: {  	v6 =	vld [tilespmem:s4+$0x1600]  }
0x1b7: {  	v12 =	vld.idx.msk [tilespmem:v9+s30+$0x0], $0xffff  }
0x1b8: {  	v5 =	vld [tilespmem:s4+$0x1800]  }
0x1b9: {  	v13 =	vld [tilespmem:s3+$0x10];
	_ =	sdelay $0x1  }
0x1ba: {  	v11 =	vmul.f32 v11, v4;
	v10 =	vmul.f32 v10, v6;
	_ =	sdelay $0x1  }
0x1bb: {  	v10 =	vadd.f32 v10, v11;
	v11 =	vmul.f32 v12, v5;
	v12 =	vor.u32 $0x1, v8  }
0x1bc: {  	vm0 =	veq.s32 v13, $0xFFFFFFFF;
	v13 =	vor.u32 $0x1, v7  }
0x1bd: {  	v10 =	vadd.f32 v11, v10;
	v11 =	vor.u32 $0x1, v9  }
0x1be: {  	s5 =	sor.u32 s11, s1  }
0x1bf: {  	[tilespmem:s5+$0x0] =	vst v10  }
0x1c0: {  	v10 =	vld.idx.msk [tilespmem:v12+s30+$0x0], $0xffff  }
0x1c1: {  	v12 =	vld.idx.msk [tilespmem:v13+s30+$0x0], $0xffff  }
0x1c2: {  	v11 =	vld.idx.msk [tilespmem:v11+s30+$0x0], $0xffff;
	_ =	sdelay $0x3  }
0x1c3: {  	v10 =	vmul.f32 v10, v4  }
0x1c4: {  	v12 =	vmul.f32 v12, v6;
	_ =	sdelay $0x1  }
0x1c5: {  	v8 =	vor.u32 $0x2, v8;
	v11 =	vmul.f32 v11, v5;
	v10 =	vadd.f32 v12, v10  }
0x1c6: {  	v7 =	vor.u32 $0x2, v7  }
0x1c7: {  	v10 =	vadd.f32 v11, v10;
	v11 =	vor.u32 $0x2, v9  }
.Ltmp2:
0x1c8: {  	(pc) =	sbr.rel @p0 .LBB2_6-.Ltmp2, $4  }
0x1c9: {  	[tilespmem:s5+$0x200] =	vst v10  }
0x1ca: {  	v9 =	vld.idx.msk [tilespmem:v8+s30+$0x0], $0xffff  }
0x1cb: {  	v8 =	vld.idx.msk [tilespmem:v7+s30+$0x0], $0xffff  }
0x1cc: {  	v7 =	vld.idx.msk [tilespmem:v11+s30+$0x0], $0xffff  }
0x1cd: {  	_ =	sdelay $0x2  }
0x1ce: {  	v4 =	vmul.f32 v9, v4;
	v6 =	vmul.f32 v8, v6;
	_ =	sdelay $0x1  }
0x1cf: {  	v5 =	vmul.f32 v7, v5;
	v4 =	vadd.f32 v6, v4  }
0x1d0: {  	s1 =	sshll.u32 s12, $0x2  }
0x1d1: {  	v63 =	vsel vm0, $0x0, v1;
	s1 =	sadd.s32 $0xFFFFF000, s1;
	v4 =	vadd.f32 v5, v4  }
0x1d2: {  	s2 =	rddreg [dreg:$0x3];
	[tilespmem:s5+$0x600] =	vst v63;
	s1 =	sshrl.u32 s1, $0x3  }
0x1d3: {  	s17 =	simm.s32 $0x14800;
	s1 =	sadd.s32 s2, s1;
	[tilespmem:s5+$0x400] =	vst v4  }
0x1d4: {  	[hbm4b:s1+s7] =	stream.linear.scatter [tilespmem:s17], [sflag:$0x9], $0x1000, $0x38;
	[tilespmem:$0x15800] =	vst v63  }
0x1d5: {  	_ =	swait.ge [sflag:s22], $0x1000  }
0x1d6: {  	[sflag:s22] =	ssyncset.done $0x0  }
0x1d7: {  	[sflag:s22] =	ssyncadd.s32 $0xFFFFF000  }
.LBB2_8:
0x1d8: {  	s1 =	sor.u32 $0x400, s12  }
0x1d9: {  	s2 =	sshrl.u32 s1, $0x3  }
0x1da: {  	s2 =	sadd.s32 s19, s2  }
0x1db: {  	[tilespmem:s15], [sflag:$0x2] =	stream.linear.gather [hbm4b:s2+s7], $0x400, $0x38;
	[tilespmem:$0x15800] =	vst v63  }
0x1dc: {  	_ =	swait.ge [sflag:s24], $0x400  }
0x1dd: {  	[sflag:s24] =	ssyncset.done $0x0  }
0x1de: {  	s5 =	simm.s32 $0x0;
	s1 =	smul.u32 $0x3, s1;
	[sflag:s24] =	ssyncadd.s32 $0xFFFFFC00  }
0x1df: {  	v4 =	vmov s5;
	[tilespmem:s25], [sflag:$0x4] =	stream.indirect.gather [hbm4b:s8+s15], $0x8, s15, s15, $0xb8;
	[tilespmem:$0x15800] =	vst v63  }
0x1e0: {  	v4 =	vshll.u32 v4, $0x3;
	s1 =	sshrl.u32 s1, $0x3;
	s3 =	rddreg [dreg:$0x1]  }
0x1e1: {  	v4 =	vor.u32 v0, v4;
	s3 =	sadd.s32 s3, s1  }
0x1e2: {  	[tilespmem:s26], [sflag:$0x6] =	stream.linear.gather [hbm4b:s3+s7], $0xC00, $0x38;
	[tilespmem:$0x15800] =	vst v63  }
0x1e3: {  	_ =	swait.ge [sflag:s28], $0x2000  }
0x1e4: {  	[sflag:s28] =	ssyncset.done $0x0  }
0x1e5: {  	s6 =	simm.s32 $0x0;
	[sflag:s28] =	ssyncadd.s32 $0xFFFFE000  }
0x1e6: {  	s3 =	smul.u32 $0x1800, s6;
	v5 =	vld.idx.msk [tilespmem:v4+s25+$0x0], $0xffff  }
0x1e7: {  	v6 =	vor.u32 $0x1, v4  }
0x1e8: {  	s3 =	sshra.s32 s3, $0x2  }
0x1e9: {  	s2 =	sand.u32 $0x1C0, s5;
	s3 =	sadd.s32 $0x6C00, s3  }
0x1ea: {  	s2 =	sor.u32 s2, s3  }
0x1eb: {  	[tilespmem:s2+$0x0] =	vst v5  }
0x1ec: {  	v5 =	vld.idx.msk [tilespmem:v6+s25+$0x0], $0xffff  }
0x1ed: {  	v4 =	vor.u32 $0x2, v4;
	_ =	sdelay $0x2  }
0x1ee: {  	s4 =	simm.s32 $0x10  }
0x1ef: {  	[tilespmem:s2+$0x200] =	vst v5;
	v5 =	vmov s4  }
0x1f0: {  	v4 =	vld.idx.msk [tilespmem:v4+s25+$0x0], $0xffff;
	v5 =	vshll.u32 v5, $0x3  }
0x1f1: {  	v5 =	vor.u32 v0, v5;
	_ =	sdelay $0x3  }
0x1f2: {  	[tilespmem:s2+$0x400] =	vst v4  }
0x1f3: {  	v4 =	vld.idx.msk [tilespmem:v5+s25+$0x0], $0xffff  }
0x1f4: {  	v6 =	vor.u32 $0x1, v5;
	_ =	sdelay $0x1  }
0x1f5: {  	s11 =	sand.u32 $0x1D0, s4  }
0x1f6: {  	s2 =	sor.u32 s11, s3  }
0x1f7: {  	[tilespmem:s2+$0x0] =	vst v4  }
0x1f8: {  	v4 =	vld.idx.msk [tilespmem:v6+s25+$0x0], $0xffff  }
0x1f9: {  	v5 =	vor.u32 $0x2, v5;
	_ =	sdelay $0x2  }
0x1fa: {  	s17 =	simm.s32 $0x20  }
0x1fb: {  	[tilespmem:s2+$0x200] =	vst v4;
	v4 =	vmov s17  }
0x1fc: {  	v5 =	vld.idx.msk [tilespmem:v5+s25+$0x0], $0xffff;
	v4 =	vshll.u32 v4, $0x3  }
0x1fd: {  	v4 =	vor.u32 v0, v4;
	_ =	sdelay $0x3  }
0x1fe: {  	[tilespmem:s2+$0x400] =	vst v5  }
0x1ff: {  	v5 =	vld.idx.msk [tilespmem:v4+s25+$0x0], $0xffff  }
0x200: {  	v6 =	vor.u32 $0x1, v4;
	_ =	sdelay $0x1  }
0x201: {  	s5 =	sand.u32 $0x1E0, s17  }
0x202: {  	s2 =	sor.u32 s5, s3  }
0x203: {  	[tilespmem:s2+$0x0] =	vst v5  }
0x204: {  	v5 =	vld.idx.msk [tilespmem:v6+s25+$0x0], $0xffff  }
0x205: {  	v4 =	vor.u32 $0x2, v4;
	_ =	sdelay $0x2  }
0x206: {  	s6 =	simm.s32 $0x30  }
0x207: {  	[tilespmem:s2+$0x200] =	vst v5;
	v5 =	vmov s6  }
0x208: {  	v4 =	vld.idx.msk [tilespmem:v4+s25+$0x0], $0xffff;
	v5 =	vshll.u32 v5, $0x3  }
0x209: {  	v5 =	vor.u32 v0, v5;
	_ =	sdelay $0x3  }
0x20a: {  	[tilespmem:s2+$0x400] =	vst v4  }
0x20b: {  	v4 =	vld.idx.msk [tilespmem:v5+s25+$0x0], $0xffff  }
0x20c: {  	v6 =	vor.u32 $0x1, v5;
	_ =	sdelay $0x1  }
0x20d: {  	s11 =	sand.u32 $0x1F0, s6  }
0x20e: {  	s5 =	sor.u32 s11, s3  }
0x20f: {  	[tilespmem:s5+$0x0] =	vst v4  }
0x210: {  	v4 =	vld.idx.msk [tilespmem:v6+s25+$0x0], $0xffff  }
0x211: {  	v5 =	vor.u32 $0x2, v5;
	_ =	sdelay $0x2  }
0x212: {  	s17 =	simm.s32 $0x0;
	s6 =	simm.s32 $0x40  }
0x213: {  	s2 =	smul.u32 $0x1800, s17;
	v6 =	vmov s6;
	[tilespmem:s5+$0x200] =	vst v4  }
0x214: {  	s4 =	simm.s32 $0x4;
	v4 =	vshll.u32 v6, $0x3;
	v5 =	vld.idx.msk [tilespmem:v5+s25+$0x0], $0xffff  }
0x215: {  	s11 =	sand.u32 $0x1C0, s6;
	s3 =	sshra.s32 s2, $0x2;
	s2 =	simm.s32 $0x70;
	v4 =	vor.u32 v0, v4  }
.LBB2_9:
0x216: {  	_ =	sdelay $0x2  }
0x217: {  	s4 =	sadd.s32 $0x4, s4;
	[tilespmem:s5+$0x400] =	vst v5  }
0x218: {  	p0 =	slt.u32 s4, $0x3C;
	s5 =	sshrl.u32 s4, $0x5;
	v5 =	vld.idx.msk [tilespmem:v4+s25+$0x0], $0xffff  }
0x219: {  	s5 =	smul.u32 $0x1800, s5  }
0x21a: {  	v6 =	vor.u32 $0x1, v4  }
0x21b: {  	s5 =	sshra.s32 s5, $0x2  }
0x21c: {  	s6 =	sadd.s32 $0x6C00, s3;
	s3 =	smov.u32 s5  }
0x21d: {  	s5 =	sor.u32 s11, s6  }
0x21e: {  	[tilespmem:s5+$0x0] =	vst v5  }
0x21f: {  	v5 =	vld.idx.msk [tilespmem:v6+s25+$0x0], $0xffff;
	_ =	sdelay $0x1  }
0x220: {  	v4 =	vor.u32 $0x2, v4;
	_ =	sdelay $0x3  }
0x221: {  	s11 =	sadd.s32 $0xFFFFFFE0, s2;
	[tilespmem:s5+$0x200] =	vst v5  }
0x222: {  	v5 =	vmov s11;
	s11 =	sand.u32 $0x1D0, s11;
	v4 =	vld.idx.msk [tilespmem:v4+s25+$0x0], $0xffff  }
0x223: {  	v5 =	vshll.u32 v5, $0x3  }
0x224: {  	v5 =	vor.u32 v0, v5;
	_ =	sdelay $0x3  }
0x225: {  	[tilespmem:s5+$0x400] =	vst v4  }
0x226: {  	v4 =	vld.idx.msk [tilespmem:v5+s25+$0x0], $0xffff;
	_ =	sdelay $0x1  }
0x227: {  	v6 =	vor.u32 $0x1, v5;
	_ =	sdelay $0x2  }
0x228: {  	s5 =	sor.u32 s11, s6  }
0x229: {  	[tilespmem:s5+$0x0] =	vst v4  }
0x22a: {  	v4 =	vld.idx.msk [tilespmem:v6+s25+$0x0], $0xffff;
	_ =	sdelay $0x1  }
0x22b: {  	v5 =	vor.u32 $0x2, v5;
	_ =	sdelay $0x3  }
0x22c: {  	s11 =	sadd.s32 $0xFFFFFFF0, s2;
	[tilespmem:s5+$0x200] =	vst v4  }
0x22d: {  	v4 =	vld.idx.msk [tilespmem:v5+s25+$0x0], $0xffff;
	v5 =	vmov s11  }
0x22e: {  	v5 =	vshll.u32 v5, $0x3  }
0x22f: {  	v5 =	vor.u32 v0, v5;
	_ =	sdelay $0x3  }
0x230: {  	[tilespmem:s5+$0x400] =	vst v4  }
0x231: {  	v4 =	vld.idx.msk [tilespmem:v5+s25+$0x0], $0xffff;
	_ =	sdelay $0x1  }
0x232: {  	v6 =	vor.u32 $0x1, v5;
	_ =	sdelay $0x1  }
0x233: {  	s5 =	sand.u32 $0x1E0, s11  }
0x234: {  	s5 =	sor.u32 s5, s6  }
0x235: {  	[tilespmem:s5+$0x0] =	vst v4  }
0x236: {  	v4 =	vld.idx.msk [tilespmem:v6+s25+$0x0], $0xffff;
	_ =	sdelay $0x1  }
0x237: {  	v5 =	vor.u32 $0x2, v5;
	_ =	sdelay $0x3  }
0x238: {  	[tilespmem:s5+$0x200] =	vst v4  }
0x239: {  	v4 =	vld.idx.msk [tilespmem:v5+s25+$0x0], $0xffff;
	v5 =	vmov s2  }
0x23a: {  	v5 =	vshll.u32 v5, $0x3  }
0x23b: {  	v5 =	vor.u32 v0, v5;
	_ =	sdelay $0x3  }
0x23c: {  	[tilespmem:s5+$0x400] =	vst v4  }
0x23d: {  	v4 =	vld.idx.msk [tilespmem:v5+s25+$0x0], $0xffff;
	_ =	sdelay $0x1  }
0x23e: {  	v6 =	vor.u32 $0x1, v5;
	_ =	sdelay $0x1  }
0x23f: {  	s5 =	sand.u32 $0x1F0, s2  }
0x240: {  	s5 =	sor.u32 s5, s6  }
0x241: {  	[tilespmem:s5+$0x0] =	vst v4  }
0x242: {  	v4 =	vld.idx.msk [tilespmem:v6+s25+$0x0], $0xffff;
	_ =	sdelay $0x1  }
0x243: {  	v5 =	vor.u32 $0x2, v5;
	_ =	sdelay $0x2  }
.Ltmp3:
0x244: {  	s2 =	sadd.s32 $0x40, s2;
	(pc) =	sbr.rel @p0 .LBB2_9-.Ltmp3, $4  }
0x245: {  	s6 =	sadd.s32 $0xFFFFFFD0, s2;
	[tilespmem:s5+$0x200] =	vst v4  }
0x246: {  	s11 =	sand.u32 $0x1C0, s6;
	v4 =	vmov s6;
	v5 =	vld.idx.msk [tilespmem:v5+s25+$0x0], $0xffff  }
0x247: {  	v4 =	vshll.u32 v4, $0x3  }
0x248: {  	v4 =	vor.u32 v0, v4  }
0x249: {  	_ =	sdelay $0x2  }
0x24a: {  	[tilespmem:s5+$0x400] =	vst v5  }
0x24b: {  	v5 =	vld.idx.msk [tilespmem:v4+s25+$0x0], $0xffff  }
0x24c: {  	v6 =	vor.u32 $0x1, v4;
	_ =	sdelay $0x1  }
0x24d: {  	s3 =	sadd.s32 $0x6C00, s3  }
0x24e: {  	s4 =	sor.u32 s11, s3  }
0x24f: {  	[tilespmem:s4+$0x0] =	vst v5  }
0x250: {  	v5 =	vld.idx.msk [tilespmem:v6+s25+$0x0], $0xffff  }
0x251: {  	v4 =	vor.u32 $0x2, v4;
	_ =	sdelay $0x2  }
0x252: {  	s6 =	sadd.s32 $0xFFFFFFE0, s2  }
0x253: {  	[tilespmem:s4+$0x200] =	vst v5;
	v5 =	vmov s6  }
0x254: {  	v4 =	vld.idx.msk [tilespmem:v4+s25+$0x0], $0xffff;
	v5 =	vshll.u32 v5, $0x3  }
0x255: {  	v5 =	vor.u32 v0, v5;
	_ =	sdelay $0x3  }
0x256: {  	[tilespmem:s4+$0x400] =	vst v4  }
0x257: {  	v4 =	vld.idx.msk [tilespmem:v5+s25+$0x0], $0xffff  }
0x258: {  	v6 =	vor.u32 $0x1, v5;
	_ =	sdelay $0x1  }
0x259: {  	s11 =	sand.u32 $0x1D0, s6  }
0x25a: {  	s4 =	sor.u32 s11, s3  }
0x25b: {  	[tilespmem:s4+$0x0] =	vst v4  }
0x25c: {  	v4 =	vld.idx.msk [tilespmem:v6+s25+$0x0], $0xffff  }
0x25d: {  	v5 =	vor.u32 $0x2, v5;
	_ =	sdelay $0x2  }
0x25e: {  	s17 =	sadd.s32 $0xFFFFFFF0, s2  }
0x25f: {  	[tilespmem:s4+$0x200] =	vst v4;
	v4 =	vmov s17  }
0x260: {  	v5 =	vld.idx.msk [tilespmem:v5+s25+$0x0], $0xffff;
	v4 =	vshll.u32 v4, $0x3  }
0x261: {  	v4 =	vor.u32 v0, v4;
	_ =	sdelay $0x3  }
0x262: {  	[tilespmem:s4+$0x400] =	vst v5  }
0x263: {  	v5 =	vld.idx.msk [tilespmem:v4+s25+$0x0], $0xffff  }
0x264: {  	v6 =	vor.u32 $0x1, v4;
	_ =	sdelay $0x1  }
0x265: {  	s6 =	sand.u32 $0x1E0, s17  }
0x266: {  	s4 =	sor.u32 s6, s3  }
0x267: {  	[tilespmem:s4+$0x0] =	vst v5  }
0x268: {  	v5 =	vld.idx.msk [tilespmem:v6+s25+$0x0], $0xffff  }
0x269: {  	v4 =	vor.u32 $0x2, v4;
	_ =	sdelay $0x3  }
0x26a: {  	[tilespmem:s4+$0x200] =	vst v5;
	v5 =	vmov s2  }
0x26b: {  	v4 =	vld.idx.msk [tilespmem:v4+s25+$0x0], $0xffff;
	v5 =	vshll.u32 v5, $0x3  }
0x26c: {  	v5 =	vor.u32 v0, v5;
	_ =	sdelay $0x3  }
0x26d: {  	[tilespmem:s4+$0x400] =	vst v4  }
0x26e: {  	v4 =	vld.idx.msk [tilespmem:v5+s25+$0x0], $0xffff  }
0x26f: {  	v6 =	vor.u32 $0x1, v5;
	_ =	sdelay $0x1  }
0x270: {  	s11 =	sand.u32 $0x1F0, s2  }
0x271: {  	s2 =	sor.u32 s11, s3  }
0x272: {  	[tilespmem:s2+$0x0] =	vst v4  }
0x273: {  	v4 =	vld.idx.msk [tilespmem:v6+s25+$0x0], $0xffff  }
0x274: {  	v5 =	vor.u32 $0x2, v5;
	_ =	sdelay $0x3  }
0x275: {  	[tilespmem:s2+$0x200] =	vst v4  }
0x276: {  	v4 =	vld.idx.msk [tilespmem:v5+s25+$0x0], $0xffff;
	_ =	sdelay $0x4  }
0x277: {  	s17 =	simm.s32 $0xC00;
	s3 =	rddreg [dreg:$0x4];
	[tilespmem:s2+$0x400] =	vst v4  }
0x278: {  	[tilespmem:s30], [sflag:$0x8] =	stream.indirect.gather [hbm4b:s9+s17], $0x8, s29, s17, $0xb8;
	[tilespmem:$0x15800] =	vst v63  }
0x279: {  	s6 =	simm.s32 $0x0;
	s2 =	sadd.s32 s3, s1  }
0x27a: {  	[hbm4b:s2+s6] =	stream.linear.scatter [tilespmem:s29], [sflag:$0x9], $0xC00, $0x38;
	[tilespmem:$0x15800] =	vst v63  }
0x27b: {  	_ =	swait.ge [sflag:s22], $0xC00  }
0x27c: {  	[sflag:s22] =	ssyncset.done $0x0  }
0x27d: {  	[sflag:s22] =	ssyncadd.s32 $0xFFFFF400  }
0x27e: {  	_ =	swait.ge [sflag:s31], $0xC00  }
0x27f: {  	[sflag:s31] =	ssyncset.done $0x0  }
0x280: {  	[sflag:s31] =	ssyncadd.s32 $0xFFFFF400  }
0x281: {  	s11 =	simm.s32 $0x0;
	s4 =	rddreg [dreg:$0x5]  }
0x282: {  	s17 =	sand.u32 $0x1C0, s6;
	s5 =	sadd.s32 s4, s1;
	s1 =	smul.u32 $0x600, s11  }
0x283: {  	[hbm4b:s5+s6] =	stream.linear.scatter [tilespmem:s26], [sflag:$0x9], $0xC00, $0x38;
	[tilespmem:$0x15800] =	vst v63  }
0x284: {  	s3 =	sor.u32 s17, s1;
	_ =	swait.ge [sflag:s22], $0xC00  }
0x285: {  	v4 =	vmov s3;
	[sflag:s22] =	ssyncset.done $0x0  }
0x286: {  	v4 =	vshll.u32 v4, $0x3;
	[sflag:s22] =	ssyncadd.s32 $0xFFFFF400  }
0x287: {  	v5 =	vor.u32 v0, v4;
	_ =	swait.ge [sflag:s0], $0x6000  }
0x288: {  	v6 =	vadd.s32 v3, v4;
	[sflag:s0] =	ssyncset.done $0x0  }
0x289: {  	[sflag:s0] =	ssyncadd.s32 $0xFFFFA000  }
0x28a: {  	v4 =	vadd.s32 v2, v4;
	v7 =	vld [tilespmem:s3+$0x800]  }
0x28b: {  	v10 =	vld [tilespmem:s3+$0xA00]  }
0x28c: {  	v8 =	vld.idx.msk [tilespmem:v5+s21+$0x0], $0xffff  }
0x28d: {  	v9 =	vld.idx.msk [tilespmem:v6+s21+$0x0], $0xffff  }
0x28e: {  	v12 =	vld [tilespmem:s3+$0xC00]  }
0x28f: {  	v11 =	vld.idx.msk [tilespmem:v4+s21+$0x0], $0xffff;
	_ =	sdelay $0x2  }
0x290: {  	v8 =	vmul.f32 v8, v7;
	v9 =	vmul.f32 v9, v10;
	_ =	sdelay $0x1  }
0x291: {  	s5 =	simm.s32 $0x0;
	v8 =	vadd.f32 v9, v8;
	v9 =	vmul.f32 v11, v12;
	v11 =	vor.u32 $0x1, v5  }
0x292: {  	s2 =	sand.u32 $0x3FFFF800, s5;
	v13 =	vor.u32 $0x1, v6  }
0x293: {  	s2 =	sadd.s32 $0x13800, s2;
	v8 =	vadd.f32 v9, v8  }
0x294: {  	s4 =	sor.u32 s17, s2;
	v14 =	vor.u32 $0x1, v4;
	s3 =	simm.s32 $0x20  }
0x295: {  	v9 =	vld [tilespmem:s3+$0xFFFFFFE0];
	[tilespmem:s4+$0x0] =	vst v8  }
0x296: {  	v8 =	vld.idx.msk [tilespmem:v11+s21+$0x0], $0xffff  }
0x297: {  	v11 =	vld.idx.msk [tilespmem:v13+s21+$0x0], $0xffff;
	_ =	sdelay $0x1  }
0x298: {  	v49 =	vld.idx.msk [tilespmem:v14+s21+$0x0], $0xffff;
	_ =	sdelay $0x2  }
0x299: {  	v8 =	vmul.f32 v8, v7;
	v11 =	vmul.f32 v11, v10;
	_ =	sdelay $0x1  }
0x29a: {  	v5 =	vor.u32 $0x2, v5;
	v8 =	vadd.f32 v11, v8;
	v11 =	vmul.f32 v49, v12  }
0x29b: {  	v6 =	vor.u32 $0x2, v6  }
0x29c: {  	v8 =	vadd.f32 v11, v8  }
0x29d: {  	v4 =	vor.u32 $0x2, v4  }
0x29e: {  	[tilespmem:s4+$0x200] =	vst v8  }
0x29f: {  	v5 =	vld.idx.msk [tilespmem:v5+s21+$0x0], $0xffff  }
0x2a0: {  	v6 =	vld.idx.msk [tilespmem:v6+s21+$0x0], $0xffff;
	_ =	sdelay $0x1  }
0x2a1: {  	v4 =	vld.idx.msk [tilespmem:v4+s21+$0x0], $0xffff;
	_ =	sdelay $0x1  }
0x2a2: {  	s11 =	simm.s32 $0x10  }
0x2a3: {  	s5 =	sand.u32 $0x1D0, s11;
	v5 =	vmul.f32 v5, v7;
	v6 =	vmul.f32 v6, v10  }
0x2a4: {  	s17 =	sor.u32 s1, s5  }
0x2a5: {  	v7 =	vmov s17;
	v4 =	vmul.f32 v4, v12;
	v5 =	vadd.f32 v6, v5  }
0x2a6: {  	vm0 =	veq.s32 v9, $0xFFFFFFFF;
	v6 =	vshll.u32 v7, $0x3  }
0x2a7: {  	v8 =	vsel vm0, $0x0, v1;
	v7 =	vadd.s32 v3, v6;
	v4 =	vadd.f32 v4, v5  }
0x2a8: {  	[tilespmem:s4+$0x600] =	vst v8;
	v5 =	vor.u32 v0, v6  }
0x2a9: {  	[tilespmem:s4+$0x400] =	vst v4  }
0x2aa: {  	v4 =	vadd.s32 v2, v6;
	v6 =	vld [tilespmem:s17+$0xA00]  }
0x2ab: {  	v10 =	vld [tilespmem:s17+$0x800]  }
0x2ac: {  	v8 =	vld.idx.msk [tilespmem:v7+s21+$0x0], $0xffff  }
0x2ad: {  	v9 =	vld.idx.msk [tilespmem:v5+s21+$0x0], $0xffff  }
0x2ae: {  	v50 =	vld [tilespmem:s17+$0xC00]  }
0x2af: {  	v11 =	vld.idx.msk [tilespmem:v4+s21+$0x0], $0xffff;
	_ =	sdelay $0x2  }
0x2b0: {  	v8 =	vmul.f32 v8, v6;
	v9 =	vmul.f32 v9, v10;
	_ =	sdelay $0x1  }
0x2b1: {  	v8 =	vadd.f32 v8, v9;
	v9 =	vmul.f32 v11, v50;
	v11 =	vor.u32 $0x1, v5  }
0x2b2: {  	v51 =	vor.u32 $0x1, v7  }
0x2b3: {  	v8 =	vadd.f32 v9, v8  }
0x2b4: {  	s4 =	sor.u32 s5, s2;
	v9 =	vor.u32 $0x1, v4  }
0x2b5: {  	v52 =	vld [tilespmem:s3+$0xFFFFFFF0];
	[tilespmem:s4+$0x0] =	vst v8  }
0x2b6: {  	v8 =	vld.idx.msk [tilespmem:v11+s21+$0x0], $0xffff  }
0x2b7: {  	v11 =	vld.idx.msk [tilespmem:v51+s21+$0x0], $0xffff;
	_ =	sdelay $0x1  }
0x2b8: {  	v9 =	vld.idx.msk [tilespmem:v9+s21+$0x0], $0xffff;
	_ =	sdelay $0x2  }
0x2b9: {  	v8 =	vmul.f32 v8, v10;
	v11 =	vmul.f32 v11, v6;
	_ =	sdelay $0x1  }
0x2ba: {  	v5 =	vor.u32 $0x2, v5;
	v8 =	vadd.f32 v11, v8;
	v9 =	vmul.f32 v9, v50  }
0x2bb: {  	v7 =	vor.u32 $0x2, v7  }
0x2bc: {  	v8 =	vadd.f32 v9, v8  }
0x2bd: {  	v4 =	vor.u32 $0x2, v4  }
0x2be: {  	[tilespmem:s4+$0x200] =	vst v8  }
0x2bf: {  	v5 =	vld.idx.msk [tilespmem:v5+s21+$0x0], $0xffff  }
0x2c0: {  	v7 =	vld.idx.msk [tilespmem:v7+s21+$0x0], $0xffff;
	_ =	sdelay $0x1  }
0x2c1: {  	v4 =	vld.idx.msk [tilespmem:v4+s21+$0x0], $0xffff;
	_ =	sdelay $0x1  }
0x2c2: {  	s11 =	simm.s32 $0x20  }
0x2c3: {  	s5 =	sand.u32 $0x1E0, s11;
	v5 =	vmul.f32 v5, v10;
	v6 =	vmul.f32 v7, v6  }
0x2c4: {  	s17 =	sor.u32 s1, s5  }
0x2c5: {  	v7 =	vmov s17;
	v4 =	vmul.f32 v4, v50;
	v5 =	vadd.f32 v6, v5  }
0x2c6: {  	vm0 =	veq.s32 v52, $0xFFFFFFFF;
	v6 =	vshll.u32 v7, $0x3  }
0x2c7: {  	v8 =	vsel vm0, $0x0, v1;
	v7 =	vadd.s32 v3, v6;
	v4 =	vadd.f32 v4, v5  }
0x2c8: {  	[tilespmem:s4+$0x600] =	vst v8;
	v5 =	vor.u32 v0, v6  }
0x2c9: {  	[tilespmem:s4+$0x400] =	vst v4  }
0x2ca: {  	v4 =	vadd.s32 v2, v6;
	v6 =	vld [tilespmem:s17+$0xA00]  }
0x2cb: {  	v10 =	vld [tilespmem:s17+$0x800]  }
0x2cc: {  	v8 =	vld.idx.msk [tilespmem:v7+s21+$0x0], $0xffff  }
0x2cd: {  	v9 =	vld.idx.msk [tilespmem:v5+s21+$0x0], $0xffff  }
0x2ce: {  	v53 =	vld [tilespmem:s17+$0xC00]  }
0x2cf: {  	v11 =	vld.idx.msk [tilespmem:v4+s21+$0x0], $0xffff;
	_ =	sdelay $0x2  }
0x2d0: {  	v8 =	vmul.f32 v8, v6;
	v9 =	vmul.f32 v9, v10;
	_ =	sdelay $0x1  }
0x2d1: {  	v8 =	vadd.f32 v8, v9;
	v9 =	vmul.f32 v11, v53;
	v11 =	vor.u32 $0x1, v5  }
0x2d2: {  	v54 =	vor.u32 $0x1, v7  }
0x2d3: {  	v8 =	vadd.f32 v9, v8  }
0x2d4: {  	s11 =	sor.u32 s5, s2;
	v9 =	vor.u32 $0x1, v4  }
0x2d5: {  	v55 =	vld [tilespmem:s3+$0x0];
	[tilespmem:s11+$0x0] =	vst v8  }
0x2d6: {  	v8 =	vld.idx.msk [tilespmem:v11+s21+$0x0], $0xffff  }
0x2d7: {  	v11 =	vld.idx.msk [tilespmem:v54+s21+$0x0], $0xffff;
	_ =	sdelay $0x1  }
0x2d8: {  	v9 =	vld.idx.msk [tilespmem:v9+s21+$0x0], $0xffff;
	_ =	sdelay $0x2  }
0x2d9: {  	v8 =	vmul.f32 v8, v10;
	v11 =	vmul.f32 v11, v6;
	_ =	sdelay $0x1  }
0x2da: {  	v5 =	vor.u32 $0x2, v5;
	v8 =	vadd.f32 v11, v8;
	v9 =	vmul.f32 v9, v53  }
0x2db: {  	v7 =	vor.u32 $0x2, v7  }
0x2dc: {  	v8 =	vadd.f32 v9, v8  }
0x2dd: {  	v4 =	vor.u32 $0x2, v4  }
0x2de: {  	[tilespmem:s11+$0x200] =	vst v8  }
0x2df: {  	v5 =	vld.idx.msk [tilespmem:v5+s21+$0x0], $0xffff  }
0x2e0: {  	v7 =	vld.idx.msk [tilespmem:v7+s21+$0x0], $0xffff;
	_ =	sdelay $0x1  }
0x2e1: {  	v4 =	vld.idx.msk [tilespmem:v4+s21+$0x0], $0xffff;
	_ =	sdelay $0x1  }
0x2e2: {  	s17 =	simm.s32 $0x30  }
0x2e3: {  	s5 =	sand.u32 $0x1F0, s17;
	v5 =	vmul.f32 v5, v10;
	v6 =	vmul.f32 v7, v6  }
0x2e4: {  	s1 =	sor.u32 s1, s5  }
0x2e5: {  	v7 =	vmov s1;
	v4 =	vmul.f32 v4, v53;
	v5 =	vadd.f32 v6, v5  }
0x2e6: {  	vm0 =	veq.s32 v55, $0xFFFFFFFF;
	v6 =	vshll.u32 v7, $0x3  }
0x2e7: {  	v8 =	vsel vm0, $0x0, v1;
	v7 =	vadd.s32 v3, v6;
	v4 =	vadd.f32 v4, v5  }
0x2e8: {  	[tilespmem:s11+$0x600] =	vst v8;
	v9 =	vor.u32 v0, v6  }
0x2e9: {  	[tilespmem:s11+$0x400] =	vst v4  }
0x2ea: {  	v8 =	vadd.s32 v2, v6;
	v4 =	vld [tilespmem:s1+$0x800]  }
0x2eb: {  	v6 =	vld [tilespmem:s1+$0xA00]  }
0x2ec: {  	v10 =	vld.idx.msk [tilespmem:v7+s21+$0x0], $0xffff  }
0x2ed: {  	v11 =	vld.idx.msk [tilespmem:v9+s21+$0x0], $0xffff  }
0x2ee: {  	v5 =	vld [tilespmem:s1+$0xC00]  }
0x2ef: {  	v56 =	vld.idx.msk [tilespmem:v8+s21+$0x0], $0xffff;
	_ =	sdelay $0x2  }
0x2f0: {  	v11 =	vmul.f32 v11, v4;
	v10 =	vmul.f32 v10, v6;
	_ =	sdelay $0x1  }
0x2f1: {  	v57 =	vor.u32 $0x1, v9;
	v10 =	vadd.f32 v10, v11;
	v11 =	vmul.f32 v56, v5  }
0x2f2: {  	v58 =	vor.u32 $0x1, v7  }
0x2f3: {  	v10 =	vadd.f32 v11, v10  }
0x2f4: {  	s5 =	sor.u32 s5, s2;
	v59 =	vor.u32 $0x1, v8  }
0x2f5: {  	v11 =	vld [tilespmem:s3+$0x10];
	[tilespmem:s5+$0x0] =	vst v10  }
0x2f6: {  	v10 =	vld.idx.msk [tilespmem:v57+s21+$0x0], $0xffff  }
0x2f7: {  	v60 =	vld.idx.msk [tilespmem:v58+s21+$0x0], $0xffff;
	_ =	sdelay $0x1  }
0x2f8: {  	v61 =	vld.idx.msk [tilespmem:v59+s21+$0x0], $0xffff;
	_ =	sdelay $0x2  }
0x2f9: {  	v10 =	vmul.f32 v10, v4;
	v12 =	vmul.f32 v60, v6;
	_ =	sdelay $0x1  }
0x2fa: {  	v9 =	vor.u32 $0x2, v9;
	v62 =	vmul.f32 v61, v5;
	v10 =	vadd.f32 v12, v10  }
0x2fb: {  	v7 =	vor.u32 $0x2, v7  }
0x2fc: {  	v63 =	vor.u32 $0x2, v8;
	v10 =	vadd.f32 v62, v10;
	_ =	sdelay $0x1  }
0x2fd: {  	[tilespmem:s5+$0x200] =	vst v10  }
0x2fe: {  	v9 =	vld.idx.msk [tilespmem:v9+s21+$0x0], $0xffff  }
0x2ff: {  	v8 =	vld.idx.msk [tilespmem:v7+s21+$0x0], $0xffff  }
0x300: {  	s2 =	simm.s32 $0x0;
	vm0 =	veq.s32 v11, $0xFFFFFFFF;
	v7 =	vld.idx.msk [tilespmem:v63+s21+$0x0], $0xffff  }
.LBB2_11:
0x301: {  	s2 =	sadd.s32 $0x4, s2;
	s6 =	sadd.s32 $0x40, s6;
	s3 =	sadd.s32 $0x40, s3  }
0x302: {  	s1 =	sshrl.u32 s2, $0x5;
	s11 =	sshll.u32 s2, $0x6;
	p0 =	slt.u32 s2, $0x3C  }
0x303: {  	s4 =	smul.u32 $0x600, s1;
	s1 =	sand.u32 $0x3FFFF800, s11  }
0x304: {  	s11 =	sand.u32 $0x1C0, s6;
	v4 =	vmul.f32 v9, v4;
	s1 =	sadd.s32 $0x13800, s1  }
0x305: {  	v6 =	vmul.f32 v8, v6;
	s17 =	sor.u32 s11, s4  }
0x306: {  	v8 =	vmov s17  }
0x307: {  	v5 =	vmul.f32 v7, v5;
	v4 =	vadd.f32 v6, v4;
	v8 =	vshll.u32 v8, $0x3  }
0x308: {  	v6 =	vor.u32 v0, v8;
	v7 =	vadd.s32 v3, v8  }
0x309: {  	v9 =	vsel vm0, $0x0, v1;
	v4 =	vadd.f32 v5, v4  }
0x30a: {  	[tilespmem:s5+$0x600] =	vst v9  }
0x30b: {  	v5 =	vadd.s32 v2, v8;
	[tilespmem:s5+$0x400] =	vst v4  }
0x30c: {  	v4 =	vld [tilespmem:s17+$0x800]  }
0x30d: {  	v8 =	vld.idx.msk [tilespmem:v6+s21+$0x0], $0xffff  }
0x30e: {  	v9 =	vld.idx.msk [tilespmem:v7+s21+$0x0], $0xffff  }
0x30f: {  	v10 =	vld [tilespmem:s17+$0xA00]  }
0x310: {  	v11 =	vld.idx.msk [tilespmem:v5+s21+$0x0], $0xffff  }
0x311: {  	v12 =	vld [tilespmem:s17+$0xC00];
	_ =	sdelay $0x1  }
0x312: {  	v8 =	vmul.f32 v8, v4  }
0x313: {  	v9 =	vmul.f32 v9, v10;
	_ =	sdelay $0x1  }
0x314: {  	v8 =	vadd.f32 v9, v8;
	v9 =	vmul.f32 v11, v12;
	v11 =	vor.u32 $0x1, v6  }
0x315: {  	v13 =	vor.u32 $0x1, v7  }
0x316: {  	v8 =	vadd.f32 v9, v8  }
0x317: {  	v14 =	vor.u32 $0x1, v5;
	s5 =	sor.u32 s11, s1;
	v9 =	vld [tilespmem:s3+$0xFFFFFFE0]  }
0x318: {  	[tilespmem:s5+$0x0] =	vst v8  }
0x319: {  	v8 =	vld.idx.msk [tilespmem:v11+s21+$0x0], $0xffff  }
0x31a: {  	v11 =	vld.idx.msk [tilespmem:v13+s21+$0x0], $0xffff;
	_ =	sdelay $0x1  }
0x31b: {  	vm0 =	veq.s32 v9, $0xFFFFFFFF;
	v9 =	vld.idx.msk [tilespmem:v14+s21+$0x0], $0xffff;
	_ =	sdelay $0x2  }
0x31c: {  	v8 =	vmul.f32 v8, v4  }
0x31d: {  	v11 =	vmul.f32 v11, v10;
	_ =	sdelay $0x1  }
0x31e: {  	v6 =	vor.u32 $0x2, v6;
	v8 =	vadd.f32 v11, v8;
	v9 =	vmul.f32 v9, v12  }
0x31f: {  	v7 =	vor.u32 $0x2, v7  }
0x320: {  	v5 =	vor.u32 $0x2, v5;
	v8 =	vadd.f32 v9, v8;
	_ =	sdelay $0x1  }
0x321: {  	[tilespmem:s5+$0x200] =	vst v8  }
0x322: {  	v6 =	vld.idx.msk [tilespmem:v6+s21+$0x0], $0xffff  }
0x323: {  	v7 =	vld.idx.msk [tilespmem:v7+s21+$0x0], $0xffff  }
0x324: {  	v5 =	vld.idx.msk [tilespmem:v5+s21+$0x0], $0xffff;
	_ =	sdelay $0x2  }
0x325: {  	s11 =	sadd.s32 $0x10, s6  }
0x326: {  	s11 =	sand.u32 $0x1D0, s11;
	v4 =	vmul.f32 v6, v4  }
0x327: {  	s17 =	sor.u32 s4, s11;
	v6 =	vmul.f32 v7, v10  }
0x328: {  	v7 =	vmov s17  }
0x329: {  	v5 =	vmul.f32 v5, v12;
	v4 =	vadd.f32 v6, v4;
	v6 =	vshll.u32 v7, $0x3  }
0x32a: {  	v7 =	vadd.s32 v3, v6  }
0x32b: {  	v8 =	vsel vm0, $0x0, v1;
	v4 =	vadd.f32 v5, v4;
	v5 =	vor.u32 v0, v6  }
0x32c: {  	[tilespmem:s5+$0x600] =	vst v8  }
0x32d: {  	[tilespmem:s5+$0x400] =	vst v4;
	v4 =	vadd.s32 v2, v6  }
0x32e: {  	v6 =	vld [tilespmem:s17+$0xA00]  }
0x32f: {  	v8 =	vld.idx.msk [tilespmem:v7+s21+$0x0], $0xffff  }
0x330: {  	v9 =	vld.idx.msk [tilespmem:v5+s21+$0x0], $0xffff  }
0x331: {  	v10 =	vld [tilespmem:s17+$0x800]  }
0x332: {  	v11 =	vld.idx.msk [tilespmem:v4+s21+$0x0], $0xffff  }
0x333: {  	v12 =	vld [tilespmem:s17+$0xC00];
	_ =	sdelay $0x1  }
0x334: {  	v8 =	vmul.f32 v8, v6  }
0x335: {  	v9 =	vmul.f32 v9, v10;
	_ =	sdelay $0x1  }
0x336: {  	v8 =	vadd.f32 v8, v9;
	v9 =	vmul.f32 v11, v12;
	v11 =	vor.u32 $0x1, v5  }
0x337: {  	v13 =	vor.u32 $0x1, v7  }
0x338: {  	v8 =	vadd.f32 v9, v8;
	v9 =	vor.u32 $0x1, v4  }
0x339: {  	s5 =	sor.u32 s11, s1;
	v14 =	vld [tilespmem:s3+$0xFFFFFFF0]  }
0x33a: {  	[tilespmem:s5+$0x0] =	vst v8  }
0x33b: {  	v8 =	vld.idx.msk [tilespmem:v11+s21+$0x0], $0xffff  }
0x33c: {  	v11 =	vld.idx.msk [tilespmem:v13+s21+$0x0], $0xffff  }
0x33d: {  	v9 =	vld.idx.msk [tilespmem:v9+s21+$0x0], $0xffff  }
0x33e: {  	vm0 =	veq.s32 v14, $0xFFFFFFFF;
	_ =	sdelay $0x2  }
0x33f: {  	v8 =	vmul.f32 v8, v10  }
0x340: {  	v11 =	vmul.f32 v11, v6;
	_ =	sdelay $0x1  }
0x341: {  	v5 =	vor.u32 $0x2, v5;
	v9 =	vmul.f32 v9, v12;
	v8 =	vadd.f32 v11, v8  }
0x342: {  	v7 =	vor.u32 $0x2, v7  }
0x343: {  	v4 =	vor.u32 $0x2, v4;
	v8 =	vadd.f32 v9, v8;
	_ =	sdelay $0x1  }
0x344: {  	[tilespmem:s5+$0x200] =	vst v8  }
0x345: {  	v5 =	vld.idx.msk [tilespmem:v5+s21+$0x0], $0xffff  }
0x346: {  	v7 =	vld.idx.msk [tilespmem:v7+s21+$0x0], $0xffff  }
0x347: {  	v4 =	vld.idx.msk [tilespmem:v4+s21+$0x0], $0xffff;
	_ =	sdelay $0x2  }
0x348: {  	s11 =	sadd.s32 $0x20, s6  }
0x349: {  	s11 =	sand.u32 $0x1E0, s11;
	v5 =	vmul.f32 v5, v10  }
0x34a: {  	s17 =	sor.u32 s4, s11;
	v6 =	vmul.f32 v7, v6  }
0x34b: {  	v7 =	vmov s17  }
0x34c: {  	v4 =	vmul.f32 v4, v12;
	v5 =	vadd.f32 v6, v5;
	v6 =	vshll.u32 v7, $0x3  }
0x34d: {  	v7 =	vadd.s32 v3, v6  }
0x34e: {  	v8 =	vsel vm0, $0x0, v1;
	v4 =	vadd.f32 v4, v5;
	v5 =	vor.u32 v0, v6  }
0x34f: {  	[tilespmem:s5+$0x600] =	vst v8  }
0x350: {  	[tilespmem:s5+$0x400] =	vst v4;
	v4 =	vadd.s32 v2, v6  }
0x351: {  	v6 =	vld [tilespmem:s17+$0xA00]  }
0x352: {  	v8 =	vld.idx.msk [tilespmem:v7+s21+$0x0], $0xffff  }
0x353: {  	v9 =	vld.idx.msk [tilespmem:v5+s21+$0x0], $0xffff  }
0x354: {  	v10 =	vld [tilespmem:s17+$0x800]  }
0x355: {  	v11 =	vld.idx.msk [tilespmem:v4+s21+$0x0], $0xffff  }
0x356: {  	v12 =	vld [tilespmem:s17+$0xC00];
	_ =	sdelay $0x1  }
0x357: {  	v8 =	vmul.f32 v8, v6  }
0x358: {  	v9 =	vmul.f32 v9, v10;
	_ =	sdelay $0x1  }
0x359: {  	v8 =	vadd.f32 v8, v9;
	v9 =	vmul.f32 v11, v12;
	v11 =	vor.u32 $0x1, v5  }
0x35a: {  	v13 =	vor.u32 $0x1, v7  }
0x35b: {  	v8 =	vadd.f32 v9, v8;
	v9 =	vor.u32 $0x1, v4  }
0x35c: {  	s5 =	sor.u32 s11, s1;
	v14 =	vld [tilespmem:s3+$0x0]  }
0x35d: {  	[tilespmem:s5+$0x0] =	vst v8  }
0x35e: {  	v8 =	vld.idx.msk [tilespmem:v11+s21+$0x0], $0xffff  }
0x35f: {  	v11 =	vld.idx.msk [tilespmem:v13+s21+$0x0], $0xffff  }
0x360: {  	v9 =	vld.idx.msk [tilespmem:v9+s21+$0x0], $0xffff  }
0x361: {  	vm0 =	veq.s32 v14, $0xFFFFFFFF;
	_ =	sdelay $0x2  }
0x362: {  	v8 =	vmul.f32 v8, v10  }
0x363: {  	v11 =	vmul.f32 v11, v6;
	_ =	sdelay $0x1  }
0x364: {  	v5 =	vor.u32 $0x2, v5;
	v9 =	vmul.f32 v9, v12;
	v8 =	vadd.f32 v11, v8  }
0x365: {  	v7 =	vor.u32 $0x2, v7  }
0x366: {  	v4 =	vor.u32 $0x2, v4;
	v8 =	vadd.f32 v9, v8;
	_ =	sdelay $0x1  }
0x367: {  	[tilespmem:s5+$0x200] =	vst v8  }
0x368: {  	v5 =	vld.idx.msk [tilespmem:v5+s21+$0x0], $0xffff  }
0x369: {  	v7 =	vld.idx.msk [tilespmem:v7+s21+$0x0], $0xffff  }
0x36a: {  	v8 =	vsel vm0, $0x0, v1;
	v4 =	vld.idx.msk [tilespmem:v4+s21+$0x0], $0xffff  }
0x36b: {  	[tilespmem:s5+$0x600] =	vst v8;
	_ =	sdelay $0x1  }
0x36c: {  	s11 =	sadd.s32 $0x30, s6  }
0x36d: {  	s11 =	sand.u32 $0x1F0, s11  }
0x36e: {  	s4 =	sor.u32 s4, s11;
	v5 =	vmul.f32 v5, v10;
	v6 =	vmul.f32 v7, v6  }
0x36f: {  	v7 =	vmov s4  }
0x370: {  	v4 =	vmul.f32 v4, v12;
	v5 =	vadd.f32 v6, v5;
	v6 =	vshll.u32 v7, $0x3  }
0x371: {  	v7 =	vadd.s32 v3, v6  }
0x372: {  	v8 =	vor.u32 v0, v6;
	v4 =	vadd.f32 v4, v5;
	_ =	sdelay $0x1  }
0x373: {  	v9 =	vadd.s32 v2, v6;
	[tilespmem:s5+$0x400] =	vst v4  }
0x374: {  	v4 =	vld [tilespmem:s4+$0x800]  }
0x375: {  	v10 =	vld.idx.msk [tilespmem:v7+s21+$0x0], $0xffff  }
0x376: {  	v11 =	vld.idx.msk [tilespmem:v8+s21+$0x0], $0xffff  }
0x377: {  	v6 =	vld [tilespmem:s4+$0xA00]  }
0x378: {  	v12 =	vld.idx.msk [tilespmem:v9+s21+$0x0], $0xffff  }
0x379: {  	v5 =	vld [tilespmem:s4+$0xC00]  }
0x37a: {  	v13 =	vld [tilespmem:s3+$0x10];
	_ =	sdelay $0x1  }
0x37b: {  	v11 =	vmul.f32 v11, v4;
	v10 =	vmul.f32 v10, v6;
	_ =	sdelay $0x1  }
0x37c: {  	v10 =	vadd.f32 v10, v11;
	v11 =	vmul.f32 v12, v5;
	v12 =	vor.u32 $0x1, v8  }
0x37d: {  	vm0 =	veq.s32 v13, $0xFFFFFFFF;
	v13 =	vor.u32 $0x1, v7  }
0x37e: {  	v10 =	vadd.f32 v11, v10;
	v11 =	vor.u32 $0x1, v9  }
0x37f: {  	s5 =	sor.u32 s11, s1  }
0x380: {  	[tilespmem:s5+$0x0] =	vst v10  }
0x381: {  	v10 =	vld.idx.msk [tilespmem:v12+s21+$0x0], $0xffff  }
0x382: {  	v12 =	vld.idx.msk [tilespmem:v13+s21+$0x0], $0xffff  }
0x383: {  	v11 =	vld.idx.msk [tilespmem:v11+s21+$0x0], $0xffff;
	_ =	sdelay $0x3  }
0x384: {  	v10 =	vmul.f32 v10, v4  }
0x385: {  	v12 =	vmul.f32 v12, v6;
	_ =	sdelay $0x1  }
0x386: {  	v8 =	vor.u32 $0x2, v8;
	v11 =	vmul.f32 v11, v5;
	v10 =	vadd.f32 v12, v10  }
0x387: {  	v7 =	vor.u32 $0x2, v7  }
0x388: {  	v10 =	vadd.f32 v11, v10;
	v11 =	vor.u32 $0x2, v9  }
.Ltmp4:
0x389: {  	(pc) =	sbr.rel @p0 .LBB2_11-.Ltmp4, $4  }
0x38a: {  	[tilespmem:s5+$0x200] =	vst v10  }
0x38b: {  	v9 =	vld.idx.msk [tilespmem:v8+s21+$0x0], $0xffff  }
0x38c: {  	v8 =	vld.idx.msk [tilespmem:v7+s21+$0x0], $0xffff  }
0x38d: {  	v7 =	vld.idx.msk [tilespmem:v11+s21+$0x0], $0xffff  }
0x38e: {  	_ =	sdelay $0x2  }
0x38f: {  	v4 =	vmul.f32 v9, v4;
	v6 =	vmul.f32 v8, v6;
	_ =	sdelay $0x1  }
0x390: {  	v5 =	vmul.f32 v7, v5;
	v4 =	vadd.f32 v6, v4;
	_ =	sdelay $0x1  }
0x391: {  	v63 =	vsel vm0, $0x0, v1;
	v4 =	vadd.f32 v5, v4  }
0x392: {  	s1 =	sshrl.u32 s12, $0x1;
	s2 =	rddreg [dreg:$0x3];
	[tilespmem:s5+$0x600] =	vst v63  }
0x393: {  	s17 =	simm.s32 $0x13800;
	s1 =	sadd.s32 s2, s1;
	[tilespmem:s5+$0x400] =	vst v4  }
0x394: {  	[hbm4b:s1+s7] =	stream.linear.scatter [tilespmem:s17], [sflag:$0x9], $0x1000, $0x38;
	[tilespmem:$0x15800] =	vst v63  }
0x395: {  	p0 =	seq.s32 s13, $0xF;
	s13 =	sadd.s32 $0x1, s13;
	s1 =	sadd.s32 $0x800, s12  }
0x396: {  	s1 =	smov.u32 @p0 s10;
	p0 =	sne.s32 s13, $0x10  }
.Ltmp5:
0x397: {  	_ = 	snop;
	(pc) =	sbr.rel @p0 .LBB2_2-.Ltmp5, $4  }
0x398: {  	_ =	swait.ge [sflag:s22], $0x1000  }
0x399: {  	[sflag:s22] =	ssyncset.done $0x0;
	s1 =	sshrl.u32 s1, $0x3  }
0x39a: {  	s17 =	simm.s32 $0x800;
	[sflag:s22] =	ssyncadd.s32 $0xFFFFF000;
	s1 =	sadd.s32 s19, s1  }
0x39b: {  	[tilespmem:s7], [sflag:$0x1] =	stream.linear.gather [hbm4b:s1+s7], $0x400, $0x38;
	[tilespmem:$0x15800] =	vst v63  }
0x39c: {  	s1 =	simm.s32 $0x0  }
0x39d: {  	s6 =	simm.s32 $0x0;
	s2 =	smul.u32 $0x600, s1  }
0x39e: {  	s4 =	sand.u32 $0x1C0, s6  }
0x39f: {  	s1 =	sor.u32 s4, s2  }
0x3a0: {  	v4 =	vmov s1  }
0x3a1: {  	s3 =	simm.s32 $0x8;
	v4 =	vshll.u32 v4, $0x3  }
0x3a2: {  	_ =	swait.ge [sflag:s3], $0x6000;
	v5 =	vor.u32 v0, v4  }
0x3a3: {  	[sflag:s3] =	ssyncset.done $0x0;
	v6 =	vadd.s32 v3, v4  }
0x3a4: {  	[sflag:s3] =	ssyncadd.s32 $0xFFFFA000  }
0x3a5: {  	v7 =	vld [tilespmem:s1+$0x1400];
	v4 =	vadd.s32 v2, v4  }
0x3a6: {  	v10 =	vld [tilespmem:s1+$0x1600]  }
0x3a7: {  	v8 =	vld.idx.msk [tilespmem:v5+s30+$0x0], $0xffff  }
0x3a8: {  	v9 =	vld.idx.msk [tilespmem:v6+s30+$0x0], $0xffff  }
0x3a9: {  	v12 =	vld [tilespmem:s1+$0x1800]  }
0x3aa: {  	v11 =	vld.idx.msk [tilespmem:v4+s30+$0x0], $0xffff;
	_ =	sdelay $0x2  }
0x3ab: {  	v8 =	vmul.f32 v8, v7;
	v9 =	vmul.f32 v9, v10;
	_ =	sdelay $0x1  }
0x3ac: {  	s5 =	simm.s32 $0x0;
	v8 =	vadd.f32 v9, v8;
	v9 =	vmul.f32 v11, v12;
	v11 =	vor.u32 $0x1, v5  }
0x3ad: {  	s1 =	sand.u32 $0x3FFFF800, s5;
	v13 =	vor.u32 $0x1, v6  }
0x3ae: {  	s1 =	sadd.s32 $0x14800, s1;
	v8 =	vadd.f32 v9, v8  }
0x3af: {  	s3 =	simm.s32 $0x420;
	s4 =	sor.u32 s4, s1;
	v14 =	vor.u32 $0x1, v4  }
0x3b0: {  	v9 =	vld [tilespmem:s3+$0xFFFFFFE0];
	[tilespmem:s4+$0x0] =	vst v8  }
0x3b1: {  	v8 =	vld.idx.msk [tilespmem:v11+s30+$0x0], $0xffff  }
0x3b2: {  	v11 =	vld.idx.msk [tilespmem:v13+s30+$0x0], $0xffff;
	_ =	sdelay $0x1  }
0x3b3: {  	v49 =	vld.idx.msk [tilespmem:v14+s30+$0x0], $0xffff;
	_ =	sdelay $0x2  }
0x3b4: {  	v8 =	vmul.f32 v8, v7;
	v11 =	vmul.f32 v11, v10;
	_ =	sdelay $0x1  }
0x3b5: {  	v5 =	vor.u32 $0x2, v5;
	v8 =	vadd.f32 v11, v8;
	v11 =	vmul.f32 v49, v12  }
0x3b6: {  	v6 =	vor.u32 $0x2, v6  }
0x3b7: {  	v8 =	vadd.f32 v11, v8  }
0x3b8: {  	v4 =	vor.u32 $0x2, v4  }
0x3b9: {  	[tilespmem:s4+$0x200] =	vst v8  }
0x3ba: {  	v5 =	vld.idx.msk [tilespmem:v5+s30+$0x0], $0xffff  }
0x3bb: {  	v6 =	vld.idx.msk [tilespmem:v6+s30+$0x0], $0xffff;
	_ =	sdelay $0x1  }
0x3bc: {  	v4 =	vld.idx.msk [tilespmem:v4+s30+$0x0], $0xffff;
	_ =	sdelay $0x1  }
0x3bd: {  	s5 =	simm.s32 $0x10  }
0x3be: {  	s5 =	sand.u32 $0x1D0, s5;
	v5 =	vmul.f32 v5, v7;
	v6 =	vmul.f32 v6, v10  }
0x3bf: {  	s11 =	sor.u32 s2, s5  }
0x3c0: {  	v7 =	vmov s11;
	v4 =	vmul.f32 v4, v12;
	v5 =	vadd.f32 v6, v5  }
0x3c1: {  	vm0 =	veq.s32 v9, $0xFFFFFFFF;
	v6 =	vshll.u32 v7, $0x3  }
0x3c2: {  	v8 =	vsel vm0, $0x0, v1;
	v7 =	vadd.s32 v3, v6;
	v4 =	vadd.f32 v4, v5  }
0x3c3: {  	[tilespmem:s4+$0x600] =	vst v8;
	v5 =	vor.u32 v0, v6  }
0x3c4: {  	[tilespmem:s4+$0x400] =	vst v4  }
0x3c5: {  	v4 =	vadd.s32 v2, v6;
	v6 =	vld [tilespmem:s11+$0x1600]  }
0x3c6: {  	v10 =	vld [tilespmem:s11+$0x1400]  }
0x3c7: {  	v8 =	vld.idx.msk [tilespmem:v7+s30+$0x0], $0xffff  }
0x3c8: {  	v9 =	vld.idx.msk [tilespmem:v5+s30+$0x0], $0xffff  }
0x3c9: {  	v50 =	vld [tilespmem:s11+$0x1800]  }
0x3ca: {  	v11 =	vld.idx.msk [tilespmem:v4+s30+$0x0], $0xffff;
	_ =	sdelay $0x2  }
0x3cb: {  	v8 =	vmul.f32 v8, v6;
	v9 =	vmul.f32 v9, v10;
	_ =	sdelay $0x1  }
0x3cc: {  	v8 =	vadd.f32 v8, v9;
	v9 =	vmul.f32 v11, v50;
	v11 =	vor.u32 $0x1, v5  }
0x3cd: {  	v51 =	vor.u32 $0x1, v7  }
0x3ce: {  	v8 =	vadd.f32 v9, v8  }
0x3cf: {  	s11 =	sor.u32 s5, s1;
	v9 =	vor.u32 $0x1, v4  }
0x3d0: {  	v52 =	vld [tilespmem:s3+$0xFFFFFFF0];
	[tilespmem:s11+$0x0] =	vst v8  }
0x3d1: {  	v8 =	vld.idx.msk [tilespmem:v11+s30+$0x0], $0xffff  }
0x3d2: {  	v11 =	vld.idx.msk [tilespmem:v51+s30+$0x0], $0xffff;
	_ =	sdelay $0x1  }
0x3d3: {  	v9 =	vld.idx.msk [tilespmem:v9+s30+$0x0], $0xffff;
	_ =	sdelay $0x2  }
0x3d4: {  	v8 =	vmul.f32 v8, v10;
	v11 =	vmul.f32 v11, v6;
	_ =	sdelay $0x1  }
0x3d5: {  	v5 =	vor.u32 $0x2, v5;
	v8 =	vadd.f32 v11, v8;
	v9 =	vmul.f32 v9, v50  }
0x3d6: {  	v7 =	vor.u32 $0x2, v7  }
0x3d7: {  	v8 =	vadd.f32 v9, v8  }
0x3d8: {  	v4 =	vor.u32 $0x2, v4  }
0x3d9: {  	[tilespmem:s11+$0x200] =	vst v8  }
0x3da: {  	v5 =	vld.idx.msk [tilespmem:v5+s30+$0x0], $0xffff  }
0x3db: {  	v7 =	vld.idx.msk [tilespmem:v7+s30+$0x0], $0xffff;
	_ =	sdelay $0x1  }
0x3dc: {  	v4 =	vld.idx.msk [tilespmem:v4+s30+$0x0], $0xffff;
	_ =	sdelay $0x1  }
0x3dd: {  	s12 =	simm.s32 $0x20  }
0x3de: {  	s5 =	sand.u32 $0x1E0, s12;
	v5 =	vmul.f32 v5, v10;
	v6 =	vmul.f32 v7, v6  }
0x3df: {  	s13 =	sor.u32 s2, s5  }
0x3e0: {  	v7 =	vmov s13;
	v4 =	vmul.f32 v4, v50;
	v5 =	vadd.f32 v6, v5  }
0x3e1: {  	vm0 =	veq.s32 v52, $0xFFFFFFFF;
	v6 =	vshll.u32 v7, $0x3  }
0x3e2: {  	v8 =	vsel vm0, $0x0, v1;
	v7 =	vadd.s32 v3, v6;
	v4 =	vadd.f32 v4, v5  }
0x3e3: {  	[tilespmem:s11+$0x600] =	vst v8;
	v5 =	vor.u32 v0, v6  }
0x3e4: {  	[tilespmem:s11+$0x400] =	vst v4  }
0x3e5: {  	v4 =	vadd.s32 v2, v6;
	v6 =	vld [tilespmem:s13+$0x1600]  }
0x3e6: {  	v10 =	vld [tilespmem:s13+$0x1400]  }
0x3e7: {  	v8 =	vld.idx.msk [tilespmem:v7+s30+$0x0], $0xffff  }
0x3e8: {  	v9 =	vld.idx.msk [tilespmem:v5+s30+$0x0], $0xffff  }
0x3e9: {  	v53 =	vld [tilespmem:s13+$0x1800]  }
0x3ea: {  	v11 =	vld.idx.msk [tilespmem:v4+s30+$0x0], $0xffff;
	_ =	sdelay $0x2  }
0x3eb: {  	v8 =	vmul.f32 v8, v6;
	v9 =	vmul.f32 v9, v10;
	_ =	sdelay $0x1  }
0x3ec: {  	v8 =	vadd.f32 v8, v9;
	v9 =	vmul.f32 v11, v53;
	v11 =	vor.u32 $0x1, v5  }
0x3ed: {  	v54 =	vor.u32 $0x1, v7  }
0x3ee: {  	v8 =	vadd.f32 v9, v8  }
0x3ef: {  	s12 =	sor.u32 s5, s1;
	v9 =	vor.u32 $0x1, v4  }
0x3f0: {  	v55 =	vld [tilespmem:s3+$0x0];
	[tilespmem:s12+$0x0] =	vst v8  }
0x3f1: {  	v8 =	vld.idx.msk [tilespmem:v11+s30+$0x0], $0xffff  }
0x3f2: {  	v11 =	vld.idx.msk [tilespmem:v54+s30+$0x0], $0xffff;
	_ =	sdelay $0x1  }
0x3f3: {  	v9 =	vld.idx.msk [tilespmem:v9+s30+$0x0], $0xffff;
	_ =	sdelay $0x2  }
0x3f4: {  	v8 =	vmul.f32 v8, v10;
	v11 =	vmul.f32 v11, v6;
	_ =	sdelay $0x1  }
0x3f5: {  	v5 =	vor.u32 $0x2, v5;
	v8 =	vadd.f32 v11, v8;
	v9 =	vmul.f32 v9, v53  }
0x3f6: {  	v7 =	vor.u32 $0x2, v7  }
0x3f7: {  	v8 =	vadd.f32 v9, v8  }
0x3f8: {  	v4 =	vor.u32 $0x2, v4  }
0x3f9: {  	[tilespmem:s12+$0x200] =	vst v8  }
0x3fa: {  	v5 =	vld.idx.msk [tilespmem:v5+s30+$0x0], $0xffff  }
0x3fb: {  	v7 =	vld.idx.msk [tilespmem:v7+s30+$0x0], $0xffff;
	_ =	sdelay $0x1  }
0x3fc: {  	v4 =	vld.idx.msk [tilespmem:v4+s30+$0x0], $0xffff;
	_ =	sdelay $0x1  }
0x3fd: {  	s13 =	simm.s32 $0x30  }
0x3fe: {  	s5 =	sand.u32 $0x1F0, s13;
	v5 =	vmul.f32 v5, v10;
	v6 =	vmul.f32 v7, v6  }
0x3ff: {  	s2 =	sor.u32 s2, s5  }
0x400: {  	v7 =	vmov s2;
	v4 =	vmul.f32 v4, v53;
	v5 =	vadd.f32 v6, v5  }
0x401: {  	vm0 =	veq.s32 v55, $0xFFFFFFFF;
	v6 =	vshll.u32 v7, $0x3  }
0x402: {  	v8 =	vsel vm0, $0x0, v1;
	v7 =	vadd.s32 v3, v6;
	v4 =	vadd.f32 v4, v5  }
0x403: {  	[tilespmem:s12+$0x600] =	vst v8;
	v9 =	vor.u32 v0, v6  }
0x404: {  	[tilespmem:s12+$0x400] =	vst v4  }
0x405: {  	v8 =	vadd.s32 v2, v6;
	v4 =	vld [tilespmem:s2+$0x1400]  }
0x406: {  	v6 =	vld [tilespmem:s2+$0x1600]  }
0x407: {  	v10 =	vld.idx.msk [tilespmem:v7+s30+$0x0], $0xffff  }
0x408: {  	v11 =	vld.idx.msk [tilespmem:v9+s30+$0x0], $0xffff  }
0x409: {  	v5 =	vld [tilespmem:s2+$0x1800]  }
0x40a: {  	v56 =	vld.idx.msk [tilespmem:v8+s30+$0x0], $0xffff;
	_ =	sdelay $0x2  }
0x40b: {  	v11 =	vmul.f32 v11, v4;
	v10 =	vmul.f32 v10, v6;
	_ =	sdelay $0x1  }
0x40c: {  	v57 =	vor.u32 $0x1, v9;
	v10 =	vadd.f32 v10, v11;
	v11 =	vmul.f32 v56, v5  }
0x40d: {  	v58 =	vor.u32 $0x1, v7  }
0x40e: {  	v10 =	vadd.f32 v11, v10  }
0x40f: {  	s5 =	sor.u32 s5, s1;
	v59 =	vor.u32 $0x1, v8  }
0x410: {  	v11 =	vld [tilespmem:s3+$0x10];
	[tilespmem:s5+$0x0] =	vst v10  }
0x411: {  	v10 =	vld.idx.msk [tilespmem:v57+s30+$0x0], $0xffff  }
0x412: {  	v60 =	vld.idx.msk [tilespmem:v58+s30+$0x0], $0xffff;
	_ =	sdelay $0x1  }
0x413: {  	v61 =	vld.idx.msk [tilespmem:v59+s30+$0x0], $0xffff;
	_ =	sdelay $0x2  }
0x414: {  	v10 =	vmul.f32 v10, v4;
	v12 =	vmul.f32 v60, v6;
	_ =	sdelay $0x1  }
0x415: {  	v9 =	vor.u32 $0x2, v9;
	v62 =	vmul.f32 v61, v5;
	v10 =	vadd.f32 v12, v10  }
0x416: {  	v7 =	vor.u32 $0x2, v7  }
0x417: {  	v63 =	vor.u32 $0x2, v8;
	v10 =	vadd.f32 v62, v10;
	_ =	sdelay $0x1  }
0x418: {  	[tilespmem:s5+$0x200] =	vst v10  }
0x419: {  	v9 =	vld.idx.msk [tilespmem:v9+s30+$0x0], $0xffff  }
0x41a: {  	v8 =	vld.idx.msk [tilespmem:v7+s30+$0x0], $0xffff  }
0x41b: {  	s2 =	simm.s32 $0x0;
	vm0 =	veq.s32 v11, $0xFFFFFFFF;
	v7 =	vld.idx.msk [tilespmem:v63+s30+$0x0], $0xffff  }
.LBB2_14:
0x41c: {  	s2 =	sadd.s32 $0x4, s2;
	s6 =	sadd.s32 $0x40, s6;
	s3 =	sadd.s32 $0x40, s3  }
0x41d: {  	s1 =	sshrl.u32 s2, $0x5;
	s11 =	sshll.u32 s2, $0x6;
	p0 =	slt.u32 s2, $0x3C  }
0x41e: {  	s4 =	smul.u32 $0x600, s1;
	s1 =	sand.u32 $0x3FFFF800, s11  }
0x41f: {  	s11 =	sand.u32 $0x1C0, s6;
	v4 =	vmul.f32 v9, v4;
	s1 =	sadd.s32 $0x14800, s1  }
0x420: {  	v6 =	vmul.f32 v8, v6;
	s12 =	sor.u32 s11, s4  }
0x421: {  	v8 =	vmov s12  }
0x422: {  	v5 =	vmul.f32 v7, v5;
	v4 =	vadd.f32 v6, v4;
	v8 =	vshll.u32 v8, $0x3  }
0x423: {  	v6 =	vor.u32 v0, v8;
	v7 =	vadd.s32 v3, v8  }
0x424: {  	v9 =	vsel vm0, $0x0, v1;
	v4 =	vadd.f32 v5, v4  }
0x425: {  	[tilespmem:s5+$0x600] =	vst v9  }
0x426: {  	v5 =	vadd.s32 v2, v8;
	[tilespmem:s5+$0x400] =	vst v4  }
0x427: {  	v4 =	vld [tilespmem:s12+$0x1400]  }
0x428: {  	v8 =	vld.idx.msk [tilespmem:v6+s30+$0x0], $0xffff  }
0x429: {  	v9 =	vld.idx.msk [tilespmem:v7+s30+$0x0], $0xffff  }
0x42a: {  	v10 =	vld [tilespmem:s12+$0x1600]  }
0x42b: {  	v11 =	vld.idx.msk [tilespmem:v5+s30+$0x0], $0xffff  }
0x42c: {  	v12 =	vld [tilespmem:s12+$0x1800];
	_ =	sdelay $0x1  }
0x42d: {  	v8 =	vmul.f32 v8, v4  }
0x42e: {  	v9 =	vmul.f32 v9, v10;
	_ =	sdelay $0x1  }
0x42f: {  	v8 =	vadd.f32 v9, v8;
	v9 =	vmul.f32 v11, v12;
	v11 =	vor.u32 $0x1, v6  }
0x430: {  	v13 =	vor.u32 $0x1, v7  }
0x431: {  	v8 =	vadd.f32 v9, v8  }
0x432: {  	v14 =	vor.u32 $0x1, v5;
	s5 =	sor.u32 s11, s1;
	v9 =	vld [tilespmem:s3+$0xFFFFFFE0]  }
0x433: {  	[tilespmem:s5+$0x0] =	vst v8  }
0x434: {  	v8 =	vld.idx.msk [tilespmem:v11+s30+$0x0], $0xffff  }
0x435: {  	v11 =	vld.idx.msk [tilespmem:v13+s30+$0x0], $0xffff;
	_ =	sdelay $0x1  }
0x436: {  	vm0 =	veq.s32 v9, $0xFFFFFFFF;
	v9 =	vld.idx.msk [tilespmem:v14+s30+$0x0], $0xffff;
	_ =	sdelay $0x2  }
0x437: {  	v8 =	vmul.f32 v8, v4  }
0x438: {  	v11 =	vmul.f32 v11, v10;
	_ =	sdelay $0x1  }
0x439: {  	v6 =	vor.u32 $0x2, v6;
	v8 =	vadd.f32 v11, v8;
	v9 =	vmul.f32 v9, v12  }
0x43a: {  	v7 =	vor.u32 $0x2, v7  }
0x43b: {  	v5 =	vor.u32 $0x2, v5;
	v8 =	vadd.f32 v9, v8;
	_ =	sdelay $0x1  }
0x43c: {  	[tilespmem:s5+$0x200] =	vst v8  }
0x43d: {  	v6 =	vld.idx.msk [tilespmem:v6+s30+$0x0], $0xffff  }
0x43e: {  	v7 =	vld.idx.msk [tilespmem:v7+s30+$0x0], $0xffff  }
0x43f: {  	v5 =	vld.idx.msk [tilespmem:v5+s30+$0x0], $0xffff;
	_ =	sdelay $0x2  }
0x440: {  	s11 =	sadd.s32 $0x10, s6  }
0x441: {  	s11 =	sand.u32 $0x1D0, s11;
	v4 =	vmul.f32 v6, v4  }
0x442: {  	s12 =	sor.u32 s4, s11;
	v6 =	vmul.f32 v7, v10  }
0x443: {  	v7 =	vmov s12  }
0x444: {  	v5 =	vmul.f32 v5, v12;
	v4 =	vadd.f32 v6, v4;
	v6 =	vshll.u32 v7, $0x3  }
0x445: {  	v7 =	vadd.s32 v3, v6  }
0x446: {  	v8 =	vsel vm0, $0x0, v1;
	v4 =	vadd.f32 v5, v4;
	v5 =	vor.u32 v0, v6  }
0x447: {  	[tilespmem:s5+$0x600] =	vst v8  }
0x448: {  	[tilespmem:s5+$0x400] =	vst v4;
	v4 =	vadd.s32 v2, v6  }
0x449: {  	v6 =	vld [tilespmem:s12+$0x1600]  }
0x44a: {  	v8 =	vld.idx.msk [tilespmem:v7+s30+$0x0], $0xffff  }
0x44b: {  	v9 =	vld.idx.msk [tilespmem:v5+s30+$0x0], $0xffff  }
0x44c: {  	v10 =	vld [tilespmem:s12+$0x1400]  }
0x44d: {  	v11 =	vld.idx.msk [tilespmem:v4+s30+$0x0], $0xffff  }
0x44e: {  	v12 =	vld [tilespmem:s12+$0x1800];
	_ =	sdelay $0x1  }
0x44f: {  	v8 =	vmul.f32 v8, v6  }
0x450: {  	v9 =	vmul.f32 v9, v10;
	_ =	sdelay $0x1  }
0x451: {  	v8 =	vadd.f32 v8, v9;
	v9 =	vmul.f32 v11, v12;
	v11 =	vor.u32 $0x1, v5  }
0x452: {  	v13 =	vor.u32 $0x1, v7  }
0x453: {  	v8 =	vadd.f32 v9, v8;
	v9 =	vor.u32 $0x1, v4  }
0x454: {  	s5 =	sor.u32 s11, s1;
	v14 =	vld [tilespmem:s3+$0xFFFFFFF0]  }
0x455: {  	[tilespmem:s5+$0x0] =	vst v8  }
0x456: {  	v8 =	vld.idx.msk [tilespmem:v11+s30+$0x0], $0xffff  }
0x457: {  	v11 =	vld.idx.msk [tilespmem:v13+s30+$0x0], $0xffff  }
0x458: {  	v9 =	vld.idx.msk [tilespmem:v9+s30+$0x0], $0xffff  }
0x459: {  	vm0 =	veq.s32 v14, $0xFFFFFFFF;
	_ =	sdelay $0x2  }
0x45a: {  	v8 =	vmul.f32 v8, v10  }
0x45b: {  	v11 =	vmul.f32 v11, v6;
	_ =	sdelay $0x1  }
0x45c: {  	v5 =	vor.u32 $0x2, v5;
	v9 =	vmul.f32 v9, v12;
	v8 =	vadd.f32 v11, v8  }
0x45d: {  	v7 =	vor.u32 $0x2, v7  }
0x45e: {  	v4 =	vor.u32 $0x2, v4;
	v8 =	vadd.f32 v9, v8;
	_ =	sdelay $0x1  }
0x45f: {  	[tilespmem:s5+$0x200] =	vst v8  }
0x460: {  	v5 =	vld.idx.msk [tilespmem:v5+s30+$0x0], $0xffff  }
0x461: {  	v7 =	vld.idx.msk [tilespmem:v7+s30+$0x0], $0xffff  }
0x462: {  	v4 =	vld.idx.msk [tilespmem:v4+s30+$0x0], $0xffff;
	_ =	sdelay $0x2  }
0x463: {  	s11 =	sadd.s32 $0x20, s6  }
0x464: {  	s11 =	sand.u32 $0x1E0, s11;
	v5 =	vmul.f32 v5, v10  }
0x465: {  	s12 =	sor.u32 s4, s11;
	v6 =	vmul.f32 v7, v6  }
0x466: {  	v7 =	vmov s12  }
0x467: {  	v4 =	vmul.f32 v4, v12;
	v5 =	vadd.f32 v6, v5;
	v6 =	vshll.u32 v7, $0x3  }
0x468: {  	v7 =	vadd.s32 v3, v6  }
0x469: {  	v8 =	vsel vm0, $0x0, v1;
	v4 =	vadd.f32 v4, v5;
	v5 =	vor.u32 v0, v6  }
0x46a: {  	[tilespmem:s5+$0x600] =	vst v8  }
0x46b: {  	[tilespmem:s5+$0x400] =	vst v4;
	v4 =	vadd.s32 v2, v6  }
0x46c: {  	v6 =	vld [tilespmem:s12+$0x1600]  }
0x46d: {  	v8 =	vld.idx.msk [tilespmem:v7+s30+$0x0], $0xffff  }
0x46e: {  	v9 =	vld.idx.msk [tilespmem:v5+s30+$0x0], $0xffff  }
0x46f: {  	v10 =	vld [tilespmem:s12+$0x1400]  }
0x470: {  	v11 =	vld.idx.msk [tilespmem:v4+s30+$0x0], $0xffff  }
0x471: {  	v12 =	vld [tilespmem:s12+$0x1800];
	_ =	sdelay $0x1  }
0x472: {  	v8 =	vmul.f32 v8, v6  }
0x473: {  	v9 =	vmul.f32 v9, v10;
	_ =	sdelay $0x1  }
0x474: {  	v8 =	vadd.f32 v8, v9;
	v9 =	vmul.f32 v11, v12;
	v11 =	vor.u32 $0x1, v5  }
0x475: {  	v13 =	vor.u32 $0x1, v7  }
0x476: {  	v8 =	vadd.f32 v9, v8;
	v9 =	vor.u32 $0x1, v4  }
0x477: {  	s5 =	sor.u32 s11, s1;
	v14 =	vld [tilespmem:s3+$0x0]  }
0x478: {  	[tilespmem:s5+$0x0] =	vst v8  }
0x479: {  	v8 =	vld.idx.msk [tilespmem:v11+s30+$0x0], $0xffff  }
0x47a: {  	v11 =	vld.idx.msk [tilespmem:v13+s30+$0x0], $0xffff  }
0x47b: {  	v9 =	vld.idx.msk [tilespmem:v9+s30+$0x0], $0xffff  }
0x47c: {  	vm0 =	veq.s32 v14, $0xFFFFFFFF;
	_ =	sdelay $0x2  }
0x47d: {  	v8 =	vmul.f32 v8, v10  }
0x47e: {  	v11 =	vmul.f32 v11, v6;
	_ =	sdelay $0x1  }
0x47f: {  	v5 =	vor.u32 $0x2, v5;
	v9 =	vmul.f32 v9, v12;
	v8 =	vadd.f32 v11, v8  }
0x480: {  	v7 =	vor.u32 $0x2, v7  }
0x481: {  	v4 =	vor.u32 $0x2, v4;
	v8 =	vadd.f32 v9, v8;
	_ =	sdelay $0x1  }
0x482: {  	[tilespmem:s5+$0x200] =	vst v8  }
0x483: {  	v5 =	vld.idx.msk [tilespmem:v5+s30+$0x0], $0xffff  }
0x484: {  	v7 =	vld.idx.msk [tilespmem:v7+s30+$0x0], $0xffff  }
0x485: {  	v8 =	vsel vm0, $0x0, v1;
	v4 =	vld.idx.msk [tilespmem:v4+s30+$0x0], $0xffff  }
0x486: {  	[tilespmem:s5+$0x600] =	vst v8;
	_ =	sdelay $0x1  }
0x487: {  	s11 =	sadd.s32 $0x30, s6  }
0x488: {  	s11 =	sand.u32 $0x1F0, s11  }
0x489: {  	s4 =	sor.u32 s4, s11;
	v5 =	vmul.f32 v5, v10;
	v6 =	vmul.f32 v7, v6  }
0x48a: {  	v7 =	vmov s4  }
0x48b: {  	v4 =	vmul.f32 v4, v12;
	v5 =	vadd.f32 v6, v5;
	v6 =	vshll.u32 v7, $0x3  }
0x48c: {  	v7 =	vadd.s32 v3, v6  }
0x48d: {  	v8 =	vor.u32 v0, v6;
	v4 =	vadd.f32 v4, v5;
	_ =	sdelay $0x1  }
0x48e: {  	v9 =	vadd.s32 v2, v6;
	[tilespmem:s5+$0x400] =	vst v4  }
0x48f: {  	v4 =	vld [tilespmem:s4+$0x1400]  }
0x490: {  	v10 =	vld.idx.msk [tilespmem:v7+s30+$0x0], $0xffff  }
0x491: {  	v11 =	vld.idx.msk [tilespmem:v8+s30+$0x0], $0xffff  }
0x492: {  	v6 =	vld [tilespmem:s4+$0x1600]  }
0x493: {  	v12 =	vld.idx.msk [tilespmem:v9+s30+$0x0], $0xffff  }
0x494: {  	v5 =	vld [tilespmem:s4+$0x1800]  }
0x495: {  	v13 =	vld [tilespmem:s3+$0x10];
	_ =	sdelay $0x1  }
0x496: {  	v11 =	vmul.f32 v11, v4;
	v10 =	vmul.f32 v10, v6;
	_ =	sdelay $0x1  }
0x497: {  	v10 =	vadd.f32 v10, v11;
	v11 =	vmul.f32 v12, v5;
	v12 =	vor.u32 $0x1, v8  }
0x498: {  	vm0 =	veq.s32 v13, $0xFFFFFFFF;
	v13 =	vor.u32 $0x1, v7  }
0x499: {  	v10 =	vadd.f32 v11, v10;
	v11 =	vor.u32 $0x1, v9  }
0x49a: {  	s5 =	sor.u32 s11, s1  }
0x49b: {  	[tilespmem:s5+$0x0] =	vst v10  }
0x49c: {  	v10 =	vld.idx.msk [tilespmem:v12+s30+$0x0], $0xffff  }
0x49d: {  	v12 =	vld.idx.msk [tilespmem:v13+s30+$0x0], $0xffff  }
0x49e: {  	v11 =	vld.idx.msk [tilespmem:v11+s30+$0x0], $0xffff;
	_ =	sdelay $0x3  }
0x49f: {  	v10 =	vmul.f32 v10, v4  }
0x4a0: {  	v12 =	vmul.f32 v12, v6;
	_ =	sdelay $0x1  }
0x4a1: {  	v8 =	vor.u32 $0x2, v8;
	v11 =	vmul.f32 v11, v5;
	v10 =	vadd.f32 v12, v10  }
0x4a2: {  	v7 =	vor.u32 $0x2, v7  }
0x4a3: {  	v10 =	vadd.f32 v11, v10;
	v11 =	vor.u32 $0x2, v9  }
.Ltmp6:
0x4a4: {  	(pc) =	sbr.rel @p0 .LBB2_14-.Ltmp6, $4  }
0x4a5: {  	[tilespmem:s5+$0x200] =	vst v10  }
0x4a6: {  	v9 =	vld.idx.msk [tilespmem:v8+s30+$0x0], $0xffff  }
0x4a7: {  	v8 =	vld.idx.msk [tilespmem:v7+s30+$0x0], $0xffff  }
0x4a8: {  	v7 =	vld.idx.msk [tilespmem:v11+s30+$0x0], $0xffff  }
0x4a9: {  	_ =	sdelay $0x2  }
0x4aa: {  	v4 =	vmul.f32 v9, v4;
	v6 =	vmul.f32 v8, v6;
	_ =	sdelay $0x1  }
0x4ab: {  	v5 =	vmul.f32 v7, v5;
	v4 =	vadd.f32 v6, v4;
	_ =	sdelay $0x1  }
0x4ac: {  	v63 =	vsel vm0, $0x0, v1;
	v4 =	vadd.f32 v5, v4  }
0x4ad: {  	[tilespmem:s5+$0x600] =	vst v63  }
0x4ae: {  	s1 =	rddreg [dreg:$0x8];
	s2 =	simm.s32 $0x14800;
	[tilespmem:s5+$0x400] =	vst v4  }
0x4af: {  	[hbm4b:s1+s7] =	stream.linear.scatter [tilespmem:s2], [sflag:$0x9], $0x1000, $0x38;
	[tilespmem:$0x15800] =	vst v63  }
0x4b0: {  	_ =	swait.ge [sflag:s22], $0x1000  }
0x4b1: {  	[sflag:s22] =	ssyncset.done $0x0  }
0x4b2: {  	[sflag:s22] =	ssyncadd.s32 $0xFFFFF000  }
0x4b3: {  	_ =	swait.ge [sflag:s14], $0x400  }
0x4b4: {  	s12 =	rddreg [dreg:$0xa]  }
0x4b5: {  	s13 =	rddreg [dreg:$0x9];
	s2 =	sadd.s32 $0x1, s12  }
0x4b6: {  	p0 =	sne.s32 s2, s13  }
.Ltmp7:
0x4b7: {  	_ = 	snop;
	(pc) =	sbr.rel @p0 .LBB2_1-.Ltmp7, $3  }
0x4b8: {  	_ =	sdelay $0x1  }
0x4b9: {  	[sflag:s14] =	ssyncset.done $0x0  }
0x4ba: {  	[sflag:s14] =	ssyncadd.s32 $0xFFFFFC00  }
0x4bb: {  	_ =	sfence.sel $0x180000  }
0x4bc: {  	[bflag:$0x0] =	sbarrier.arrive $0xFFFF  }
0x4bd: {  	_ =	strace $0x90000047  }
0x4be: {  	s0 =	stileid.u32;
	[bflag:$0x2] =	sbarrier.arrive $0xFFFF  }
0x4bf: {  	p0 =	sne.s32 s0, $0x0;
	s0 =	rddreg [dreg:$0x6]  }
0x4c0: {  	s0 =	sadd.s32 @!p0 $0x100000, s0  }
0x4c1: {  	[sflag:s0] =	ssyncadd.tile.s32 @!p0 $0x1;
	_ =	shalt  }
.Lfunc_end2:
_tile_overlayer_lowered:
.L_overlay_start_2:
0x4c2: {  	(tag) =	ssettag $0x2  }
0x4c3: {  	s0 =	rddreg [dreg:$0x0];
	s2 =	stileid.u32  }
0x4c4: {  	s1 =	rddreg [dreg:$0x1];
	p0 =	sne.s32 s2, $0x0  }
0x4c5: {  	s3 =	rddreg [dreg:$0x2];
	[bflag:$0x3] =	sbarrier.arrive $0xFFFF;
	s2 =	simm.s32 @!p0 $0x1C09  }
0x4c6: {  	[timem:s3], [sflag:s2] =	dma.local @!p0 [hbm:s0], s1  }
0x4c7: {  	s0 =	simm.s32 @!p0 $0x9  }
0x4c8: {  	_ =	swait.ge @!p0 [sflag:s0], s1  }
0x4c9: {  	s1 =	ssub.s32 @!p0 $0x0, s1;
	[sflag:s0] =	ssyncset.done @!p0 $0x0  }
0x4ca: {  	[sflag:s0] =	ssyncadd.s32 @!p0 s1  }
0x4cb: {  	[bflag:$0x3] =	sbarrier.arrive $0xFFFF  }
0x4cc: {  	_ =	shalt  }

</sc_bundles>
